<compile_context>
chip_gen: v7x
topology: tpu7x:2x2x1
jax: 0.10.2.dev20260603
libtpu: 0.0.44.dev20260713+nightly
codegen_flags: <defaults>
</compile_context>

<pallas_src>
import functools

import jax
import jax.numpy as jnp
from jax import lax
from jax.experimental import pallas as pl
from jax.experimental.pallas import tpu as pltpu
from jax.experimental.pallas import tpu_sc as plsc

_NC = 2
_NS = 16
_NW = _NC * _NS
_L = 16

_ROWS = 8192
_COLS = 2048
_ROWS_PER_W = _ROWS // _NW
_R = 8
_NCHUNK = _ROWS_PER_W // _R
_G = _NCHUNK // 2
_JBLK = _COLS // _L


def _permute_body(x_hbm, idx_hbm, out_hbm, idx_v,
                  in0, in1, out0, out1, sin0, sin1, sout0, sout1):
    wid = lax.axis_index("s") * _NC + lax.axis_index("c")
    row_base = wid * _ROWS_PER_W

    ins = (in0, in1)
    outs = (out0, out1)
    sins = (sin0, sin1)
    souts = (sout0, sout1)

    def in_start(c, b):
        pltpu.async_copy(x_hbm.at[pl.ds(row_base + c * _R, _R)], ins[b],
                         sins[b])

    def in_wait(b):
        pltpu.make_async_copy(x_hbm.at[pl.ds(row_base, _R)], ins[b],
                              sins[b]).wait()

    def out_start(c, b):
        pltpu.async_copy(outs[b], out_hbm.at[pl.ds(row_base + c * _R, _R)],
                         souts[b])

    def out_wait(b):
        pltpu.make_async_copy(outs[b], out_hbm.at[pl.ds(row_base, _R)],
                              souts[b]).wait()

    def compute(b):
        in_b = ins[b]
        out_b = outs[b]

        @plsc.parallel_loop(0, _JBLK, 1, unroll=8)
        def _col(j):
            joff = j * _L
            iv = idx_v[pl.ds(joff, _L)]
            for r in range(_R):
                rv = jnp.full((_L,), r, jnp.int32)
                out_b[r, pl.ds(joff, _L)] = plsc.load_gather(in_b, [rv, iv])

    in_start(0, 0)
    in_start(1, 1)
    pltpu.sync_copy(idx_hbm, idx_v)
    for b in (0, 1):
        in_wait(b)
        compute(b)
        out_start(b, b)
        in_start(b + 2, b)

    def g_body(g, carry):
        for b in (0, 1):
            c = 2 * g + b
            in_wait(b)
            out_wait(b)
            compute(b)
            out_start(c, b)
            in_start(c + 2, b)
        return carry

    lax.fori_loop(1, _G - 1, g_body, 0, unroll=False)

    for b in (0, 1):
        c = 2 * (_G - 1) + b
        in_wait(b)
        out_wait(b)
        compute(b)
        out_start(c, b)
    out_wait(0)
    out_wait(1)


@functools.partial(jax.jit, static_argnames=())
def kernel(x, idxs):
    x2d = x.reshape(_ROWS, _COLS)
    mesh = plsc.VectorSubcoreMesh(
        core_axis_name="c", subcore_axis_name="s", num_cores=_NC,
        num_subcores=_NS)
    out2d = pl.kernel(
        _permute_body,
        out_type=jax.ShapeDtypeStruct((_ROWS, _COLS), jnp.float32),
        mesh=mesh,
        scratch_types=(
            [pltpu.VMEM((_COLS,), jnp.int32)]
            + [pltpu.VMEM((_R, _COLS), jnp.float32)] * 4
            + [pltpu.SemaphoreType.DMA] * 4
        ),
        compiler_params=pltpu.CompilerParams(needs_layout_passes=False),
    )(x2d, idxs)
    return out2d.reshape(x.shape)

# --- scband reference (transcript-rebuilt; emitter-appended) ---
"""Pipeline reference for scband-permute-21251498180759 (READ-ONLY COPY).

The authoritative reference and input builder live on the scoring server;
editing this copy changes nothing except your own understanding.
"""

import jax, jax.numpy as jnp
import numpy as np


def setup_inputs(seed: int = 0) -> dict:
    key = jax.random.key(seed)
    x = jax.random.normal(key, (2, 4096, 2048), dtype=jnp.float32)
    # non-trainable 'weight' created in build() with reverse_initializer
    idxs = jnp.asarray(np.arange(2048)[::-1].copy(), dtype=jnp.int32)
    return {"x": x, "idxs": idxs}


def reference(x, idxs):
    # Faithful translation of Permute.call:
    #   inputs = K.permute_dimensions(inputs, reversed axes)
    #   x_outs = K.gather(inputs, self.idxs)
    #   x_outs = K.permute_dimensions(x_outs, reversed axes)
    num_axis = x.ndim
    perm = tuple(range(num_axis))[::-1]
    xt = jnp.transpose(x, perm)
    gathered = jnp.take(xt, idxs, axis=0)
    out = jnp.transpose(gathered, perm)
    return out

if __name__ == "__main__":
    import jax
    _d = setup_inputs()
    print(jax.jit(kernel)(*tuple(_d.values())))

</pallas_src>

<mosaic_0001>
#map = affine_map<(d0, d1) -> (0, 0)>
#map1 = affine_map<(d0, d1) -> (0)>
module attributes {stable_mosaic.version = 14 : i64} {
  func.func @_permute_body(%arg0: i32, %arg1: i32, %arg2: memref<8192x2048xf32, #tpu.memory_space<hbm>>, %arg3: memref<2048xi32, #tpu.memory_space<hbm>>, %arg4: memref<8192x2048xf32, #tpu.memory_space<hbm>>, %arg5: memref<2048xi32, #tpu.memory_space<vmem>>, %arg6: memref<8x2048xf32, #tpu.memory_space<vmem>>, %arg7: memref<8x2048xf32, #tpu.memory_space<vmem>>, %arg8: memref<8x2048xf32, #tpu.memory_space<vmem>>, %arg9: memref<8x2048xf32, #tpu.memory_space<vmem>>, %arg10: memref<!tpu.dma_semaphore, #tpu.memory_space<semaphore_mem>>, %arg11: memref<!tpu.dma_semaphore, #tpu.memory_space<semaphore_mem>>, %arg12: memref<!tpu.dma_semaphore, #tpu.memory_space<semaphore_mem>>, %arg13: memref<!tpu.dma_semaphore, #tpu.memory_space<semaphore_mem>>) attributes {dimension_semantics = [#tpu.dimension_semantics<core_parallel>, #tpu.dimension_semantics<subcore_parallel>], iteration_bounds = array<i64: 2, 16>, scalar_prefetch = 0 : i64, scratch_operands = 9 : i64, tpu.core_type = #tpu.core_type<sc_vector_subcore>, window_params = [{transform_indices = #map}, {transform_indices = #map1}, {transform_indices = #map}]} {
    %mul3A = arith.constant 2 : i32
    %mul3A_0 = arith.muli %arg1, %mul3A : i32
    %add3A = arith.addi %mul3A_0, %arg0 : i32
    %mul3A_1 = arith.constant 256 : i32
    %mul3A_2 = arith.muli %add3A, %mul3A_1 : i32
    %add3A_3 = arith.constant 0 : i32
    %add3A_4 = arith.addi %mul3A_2, %add3A_3 : i32
    %dma_start3A = arith.constant 0 : i32
    %dma_start3A_5 = tpu.memref_slice %arg2[%add3A_4, %dma_start3A] : memref<8192x2048xf32, #tpu.memory_space<hbm>> -> memref<8x2048xf32, #tpu.memory_space<hbm>>
    %dma_start3A_6 = arith.constant 0 : i32
    %dma_start3A_7 = tpu.memref_slice %arg2[%add3A_4, %dma_start3A_6] : memref<8192x2048xf32, #tpu.memory_space<hbm>> -> memref<8x2048xf32, #tpu.memory_space<hbm>>
    tpu.enqueue_dma source(%dma_start3A_7 : memref<8x2048xf32, #tpu.memory_space<hbm>>) target(%arg6 : memref<8x2048xf32, #tpu.memory_space<vmem>>) target_semaphore(%arg10 : memref<!tpu.dma_semaphore, #tpu.memory_space<semaphore_mem>>)
    %add3A_8 = arith.constant 8 : i32
    %add3A_9 = arith.addi %mul3A_2, %add3A_8 : i32
    %dma_start3A_10 = arith.constant 0 : i32
    %dma_start3A_11 = tpu.memref_slice %arg2[%add3A_9, %dma_start3A_10] : memref<8192x2048xf32, #tpu.memory_space<hbm>> -> memref<8x2048xf32, #tpu.memory_space<hbm>>
    %dma_start3A_12 = arith.constant 0 : i32
    %dma_start3A_13 = tpu.memref_slice %arg2[%add3A_9, %dma_start3A_12] : memref<8192x2048xf32, #tpu.memory_space<hbm>> -> memref<8x2048xf32, #tpu.memory_space<hbm>>
    tpu.enqueue_dma source(%dma_start3A_13 : memref<8x2048xf32, #tpu.memory_space<hbm>>) target(%arg7 : memref<8x2048xf32, #tpu.memory_space<vmem>>) target_semaphore(%arg11 : memref<!tpu.dma_semaphore, #tpu.memory_space<semaphore_mem>>)
    "tpu.region"() ({
      %run_scoped3A = tpu.sem_alloc : memref<!tpu.dma_semaphore, #tpu.memory_space<semaphore_mem>>
      tpu.enqueue_dma source(%arg3 : memref<2048xi32, #tpu.memory_space<hbm>>) target(%arg5 : memref<2048xi32, #tpu.memory_space<vmem>>) target_semaphore(%run_scoped3A : memref<!tpu.dma_semaphore, #tpu.memory_space<semaphore_mem>>)
      tpu.wait_dma2 semaphore(%run_scoped3A : memref<!tpu.dma_semaphore, #tpu.memory_space<semaphore_mem>>) src(%arg3 : memref<2048xi32, #tpu.memory_space<hbm>>) dst(%arg5 : memref<2048xi32, #tpu.memory_space<vmem>>)
      tpu.yield
    }) : () -> ()
    %dma_wait3A = arith.constant 0 : i32
    %dma_wait3A_14 = tpu.memref_slice %arg2[%mul3A_2, %dma_wait3A] : memref<8192x2048xf32, #tpu.memory_space<hbm>> -> memref<8x2048xf32, #tpu.memory_space<hbm>>
    %dma_wait3A_15 = arith.constant 0 : i32
    %dma_wait3A_16 = tpu.memref_slice %arg2[%mul3A_2, %dma_wait3A_15] : memref<8192x2048xf32, #tpu.memory_space<hbm>> -> memref<8x2048xf32, #tpu.memory_space<hbm>>
    tpu.wait_dma2 semaphore(%arg10 : memref<!tpu.dma_semaphore, #tpu.memory_space<semaphore_mem>>) src(%dma_wait3A_16 : memref<8x2048xf32, #tpu.memory_space<hbm>>) dst(%arg6 : memref<8x2048xf32, #tpu.memory_space<vmem>>)
    %parallel_loop3A = arith.constant 0 : i32
    %parallel_loop3A_17 = arith.constant 128 : i32
    %parallel_loop3A_18 = arith.constant 1 : i32
    scf.for %parallel_loop3A_97 = %parallel_loop3A to %parallel_loop3A_17 step %parallel_loop3A_18  : i32 {
      %parallel_loop3A_98 = arith.constant 16 : i32
      %parallel_loop3A_99 = arith.muli %parallel_loop3A_97, %parallel_loop3A_98 : i32
      %parallel_loop3A_100 = arith.index_cast %parallel_loop3A_99 : i32 to index
      %parallel_loop3A_101 = tpu.vector_load %arg5[%parallel_loop3A_100] {strides = array<i32>} : memref<2048xi32, #tpu.memory_space<vmem>>, vector<16xi32>,
      %parallel_loop3A_102 = arith.constant 0 : i32
      %parallel_loop3A_103 = vector.broadcast %parallel_loop3A_102 : i32 to vector<16xi32>
      %parallel_loop3A_104 = tpu.vector_load_idx %arg6[%parallel_loop3A_103, %parallel_loop3A_101] : memref<8x2048xf32, #tpu.memory_space<vmem>>[vector<16xi32>, vector<16xi32>], vector<16xf32>,
      %parallel_loop3A_105 = arith.constant 0 : i32
      %parallel_loop3A_106 = arith.index_cast %parallel_loop3A_105 : i32 to index
      %parallel_loop3A_107 = arith.index_cast %parallel_loop3A_99 : i32 to index
      %parallel_loop3A_108 = tpu.vector_load %arg8[%parallel_loop3A_106, %parallel_loop3A_107] {strides = array<i32>} : memref<8x2048xf32, #tpu.memory_space<vmem>>, vector<16xf32>,
      tpu.vector_store %arg8[%parallel_loop3A_106, %parallel_loop3A_107], %parallel_loop3A_104 {strides = array<i32>} : memref<8x2048xf32, #tpu.memory_space<vmem>>, vector<16xf32>,
      %parallel_loop3A_109 = arith.constant 1 : i32
      %parallel_loop3A_110 = vector.broadcast %parallel_loop3A_109 : i32 to vector<16xi32>
      %parallel_loop3A_111 = tpu.vector_load_idx %arg6[%parallel_loop3A_110, %parallel_loop3A_101] : memref<8x2048xf32, #tpu.memory_space<vmem>>[vector<16xi32>, vector<16xi32>], vector<16xf32>,
      %parallel_loop3A_112 = arith.constant 1 : i32
      %parallel_loop3A_113 = arith.index_cast %parallel_loop3A_112 : i32 to index
      %parallel_loop3A_114 = arith.index_cast %parallel_loop3A_99 : i32 to index
      %parallel_loop3A_115 = tpu.vector_load %arg8[%parallel_loop3A_113, %parallel_loop3A_114] {strides = array<i32>} : memref<8x2048xf32, #tpu.memory_space<vmem>>, vector<16xf32>,
      tpu.vector_store %arg8[%parallel_loop3A_113, %parallel_loop3A_114], %parallel_loop3A_111 {strides = array<i32>} : memref<8x2048xf32, #tpu.memory_space<vmem>>, vector<16xf32>,
      %parallel_loop3A_116 = arith.constant 2 : i32
      %parallel_loop3A_117 = vector.broadcast %parallel_loop3A_116 : i32 to vector<16xi32>
      %parallel_loop3A_118 = tpu.vector_load_idx %arg6[%parallel_loop3A_117, %parallel_loop3A_101] : memref<8x2048xf32, #tpu.memory_space<vmem>>[vector<16xi32>, vector<16xi32>], vector<16xf32>,
      %parallel_loop3A_119 = arith.constant 2 : i32
      %parallel_loop3A_120 = arith.index_cast %parallel_loop3A_119 : i32 to index
      %parallel_loop3A_121 = arith.index_cast %parallel_loop3A_99 : i32 to index
      %parallel_loop3A_122 = tpu.vector_load %arg8[%parallel_loop3A_120, %parallel_loop3A_121] {strides = array<i32>} : memref<8x2048xf32, #tpu.memory_space<vmem>>, vector<16xf32>,
      tpu.vector_store %arg8[%parallel_loop3A_120, %parallel_loop3A_121], %parallel_loop3A_118 {strides = array<i32>} : memref<8x2048xf32, #tpu.memory_space<vmem>>, vector<16xf32>,
      %parallel_loop3A_123 = arith.constant 3 : i32
      %parallel_loop3A_124 = vector.broadcast %parallel_loop3A_123 : i32 to vector<16xi32>
      %parallel_loop3A_125 = tpu.vector_load_idx %arg6[%parallel_loop3A_124, %parallel_loop3A_101] : memref<8x2048xf32, #tpu.memory_space<vmem>>[vector<16xi32>, vector<16xi32>], vector<16xf32>,
      %parallel_loop3A_126 = arith.constant 3 : i32
      %parallel_loop3A_127 = arith.index_cast %parallel_loop3A_126 : i32 to index
      %parallel_loop3A_128 = arith.index_cast %parallel_loop3A_99 : i32 to index
      %parallel_loop3A_129 = tpu.vector_load %arg8[%parallel_loop3A_127, %parallel_loop3A_128] {strides = array<i32>} : memref<8x2048xf32, #tpu.memory_space<vmem>>, vector<16xf32>,
      tpu.vector_store %arg8[%parallel_loop3A_127, %parallel_loop3A_128], %parallel_loop3A_125 {strides = array<i32>} : memref<8x2048xf32, #tpu.memory_space<vmem>>, vector<16xf32>,
      %parallel_loop3A_130 = arith.constant 4 : i32
      %parallel_loop3A_131 = vector.broadcast %parallel_loop3A_130 : i32 to vector<16xi32>
      %parallel_loop3A_132 = tpu.vector_load_idx %arg6[%parallel_loop3A_131, %parallel_loop3A_101] : memref<8x2048xf32, #tpu.memory_space<vmem>>[vector<16xi32>, vector<16xi32>], vector<16xf32>,
      %parallel_loop3A_133 = arith.constant 4 : i32
      %parallel_loop3A_134 = arith.index_cast %parallel_loop3A_133 : i32 to index
      %parallel_loop3A_135 = arith.index_cast %parallel_loop3A_99 : i32 to index
      %parallel_loop3A_136 = tpu.vector_load %arg8[%parallel_loop3A_134, %parallel_loop3A_135] {strides = array<i32>} : memref<8x2048xf32, #tpu.memory_space<vmem>>, vector<16xf32>,
      tpu.vector_store %arg8[%parallel_loop3A_134, %parallel_loop3A_135], %parallel_loop3A_132 {strides = array<i32>} : memref<8x2048xf32, #tpu.memory_space<vmem>>, vector<16xf32>,
      %parallel_loop3A_137 = arith.constant 5 : i32
      %parallel_loop3A_138 = vector.broadcast %parallel_loop3A_137 : i32 to vector<16xi32>
      %parallel_loop3A_139 = tpu.vector_load_idx %arg6[%parallel_loop3A_138, %parallel_loop3A_101] : memref<8x2048xf32, #tpu.memory_space<vmem>>[vector<16xi32>, vector<16xi32>], vector<16xf32>,
      %parallel_loop3A_140 = arith.constant 5 : i32
      %parallel_loop3A_141 = arith.index_cast %parallel_loop3A_140 : i32 to index
      %parallel_loop3A_142 = arith.index_cast %parallel_loop3A_99 : i32 to index
      %parallel_loop3A_143 = tpu.vector_load %arg8[%parallel_loop3A_141, %parallel_loop3A_142] {strides = array<i32>} : memref<8x2048xf32, #tpu.memory_space<vmem>>, vector<16xf32>,
      tpu.vector_store %arg8[%parallel_loop3A_141, %parallel_loop3A_142], %parallel_loop3A_139 {strides = array<i32>} : memref<8x2048xf32, #tpu.memory_space<vmem>>, vector<16xf32>,
      %parallel_loop3A_144 = arith.constant 6 : i32
      %parallel_loop3A_145 = vector.broadcast %parallel_loop3A_144 : i32 to vector<16xi32>
      %parallel_loop3A_146 = tpu.vector_load_idx %arg6[%parallel_loop3A_145, %parallel_loop3A_101] : memref<8x2048xf32, #tpu.memory_space<vmem>>[vector<16xi32>, vector<16xi32>], vector<16xf32>,
      %parallel_loop3A_147 = arith.constant 6 : i32
      %parallel_loop3A_148 = arith.index_cast %parallel_loop3A_147 : i32 to index
      %parallel_loop3A_149 = arith.index_cast %parallel_loop3A_99 : i32 to index
      %parallel_loop3A_150 = tpu.vector_load %arg8[%parallel_loop3A_148, %parallel_loop3A_149] {strides = array<i32>} : memref<8x2048xf32, #tpu.memory_space<vmem>>, vector<16xf32>,
      tpu.vector_store %arg8[%parallel_loop3A_148, %parallel_loop3A_149], %parallel_loop3A_146 {strides = array<i32>} : memref<8x2048xf32, #tpu.memory_space<vmem>>, vector<16xf32>,
      %parallel_loop3A_151 = arith.constant 7 : i32
      %parallel_loop3A_152 = vector.broadcast %parallel_loop3A_151 : i32 to vector<16xi32>
      %parallel_loop3A_153 = tpu.vector_load_idx %arg6[%parallel_loop3A_152, %parallel_loop3A_101] : memref<8x2048xf32, #tpu.memory_space<vmem>>[vector<16xi32>, vector<16xi32>], vector<16xf32>,
      %parallel_loop3A_154 = arith.constant 7 : i32
      %parallel_loop3A_155 = arith.index_cast %parallel_loop3A_154 : i32 to index
      %parallel_loop3A_156 = arith.index_cast %parallel_loop3A_99 : i32 to index
      %parallel_loop3A_157 = tpu.vector_load %arg8[%parallel_loop3A_155, %parallel_loop3A_156] {strides = array<i32>} : memref<8x2048xf32, #tpu.memory_space<vmem>>, vector<16xf32>,
      tpu.vector_store %arg8[%parallel_loop3A_155, %parallel_loop3A_156], %parallel_loop3A_153 {strides = array<i32>} : memref<8x2048xf32, #tpu.memory_space<vmem>>, vector<16xf32>,
    } {sc.loop_unroll_factor = 8 : i64, sc.parallel_access}
    %add3A_19 = arith.constant 0 : i32
    %add3A_20 = arith.addi %mul3A_2, %add3A_19 : i32
    %dma_start3A_21 = arith.constant 0 : i32
    %dma_start3A_22 = tpu.memref_slice %arg4[%add3A_20, %dma_start3A_21] : memref<8192x2048xf32, #tpu.memory_space<hbm>> -> memref<8x2048xf32, #tpu.memory_space<hbm>>
    %dma_start3A_23 = arith.constant 0 : i32
    %dma_start3A_24 = tpu.memref_slice %arg4[%add3A_20, %dma_start3A_23] : memref<8192x2048xf32, #tpu.memory_space<hbm>> -> memref<8x2048xf32, #tpu.memory_space<hbm>>
    tpu.enqueue_dma source(%arg8 : memref<8x2048xf32, #tpu.memory_space<vmem>>) target(%dma_start3A_24 : memref<8x2048xf32, #tpu.memory_space<hbm>>) target_semaphore(%arg12 : memref<!tpu.dma_semaphore, #tpu.memory_space<semaphore_mem>>)
    %add3A_25 = arith.constant 16 : i32
    %add3A_26 = arith.addi %mul3A_2, %add3A_25 : i32
    %dma_start3A_27 = arith.constant 0 : i32
    %dma_start3A_28 = tpu.memref_slice %arg2[%add3A_26, %dma_start3A_27] : memref<8192x2048xf32, #tpu.memory_space<hbm>> -> memref<8x2048xf32, #tpu.memory_space<hbm>>
    %dma_start3A_29 = arith.constant 0 : i32
    %dma_start3A_30 = tpu.memref_slice %arg2[%add3A_26, %dma_start3A_29] : memref<8192x2048xf32, #tpu.memory_space<hbm>> -> memref<8x2048xf32, #tpu.memory_space<hbm>>
    tpu.enqueue_dma source(%dma_start3A_30 : memref<8x2048xf32, #tpu.memory_space<hbm>>) target(%arg6 : memref<8x2048xf32, #tpu.memory_space<vmem>>) target_semaphore(%arg10 : memref<!tpu.dma_semaphore, #tpu.memory_space<semaphore_mem>>)
    %dma_wait3A_31 = arith.constant 0 : i32
    %dma_wait3A_32 = tpu.memref_slice %arg2[%mul3A_2, %dma_wait3A_31] : memref<8192x2048xf32, #tpu.memory_space<hbm>> -> memref<8x2048xf32, #tpu.memory_space<hbm>>
    %dma_wait3A_33 = arith.constant 0 : i32
    %dma_wait3A_34 = tpu.memref_slice %arg2[%mul3A_2, %dma_wait3A_33] : memref<8192x2048xf32, #tpu.memory_space<hbm>> -> memref<8x2048xf32, #tpu.memory_space<hbm>>
    tpu.wait_dma2 semaphore(%arg11 : memref<!tpu.dma_semaphore, #tpu.memory_space<semaphore_mem>>) src(%dma_wait3A_34 : memref<8x2048xf32, #tpu.memory_space<hbm>>) dst(%arg7 : memref<8x2048xf32, #tpu.memory_space<vmem>>)
    %parallel_loop3A_35 = arith.constant 0 : i32
    %parallel_loop3A_36 = arith.constant 128 : i32
    %parallel_loop3A_37 = arith.constant 1 : i32
    scf.for %parallel_loop3A_97 = %parallel_loop3A_35 to %parallel_loop3A_36 step %parallel_loop3A_37  : i32 {
      %parallel_loop3A_98 = arith.constant 16 : i32
      %parallel_loop3A_99 = arith.muli %parallel_loop3A_97, %parallel_loop3A_98 : i32
      %parallel_loop3A_100 = arith.index_cast %parallel_loop3A_99 : i32 to index
      %parallel_loop3A_101 = tpu.vector_load %arg5[%parallel_loop3A_100] {strides = array<i32>} : memref<2048xi32, #tpu.memory_space<vmem>>, vector<16xi32>,
      %parallel_loop3A_102 = arith.constant 0 : i32
      %parallel_loop3A_103 = vector.broadcast %parallel_loop3A_102 : i32 to vector<16xi32>
      %parallel_loop3A_104 = tpu.vector_load_idx %arg7[%parallel_loop3A_103, %parallel_loop3A_101] : memref<8x2048xf32, #tpu.memory_space<vmem>>[vector<16xi32>, vector<16xi32>], vector<16xf32>,
      %parallel_loop3A_105 = arith.constant 0 : i32
      %parallel_loop3A_106 = arith.index_cast %parallel_loop3A_105 : i32 to index
      %parallel_loop3A_107 = arith.index_cast %parallel_loop3A_99 : i32 to index
      %parallel_loop3A_108 = tpu.vector_load %arg9[%parallel_loop3A_106, %parallel_loop3A_107] {strides = array<i32>} : memref<8x2048xf32, #tpu.memory_space<vmem>>, vector<16xf32>,
      tpu.vector_store %arg9[%parallel_loop3A_106, %parallel_loop3A_107], %parallel_loop3A_104 {strides = array<i32>} : memref<8x2048xf32, #tpu.memory_space<vmem>>, vector<16xf32>,
      %parallel_loop3A_109 = arith.constant 1 : i32
      %parallel_loop3A_110 = vector.broadcast %parallel_loop3A_109 : i32 to vector<16xi32>
      %parallel_loop3A_111 = tpu.vector_load_idx %arg7[%parallel_loop3A_110, %parallel_loop3A_101] : memref<8x2048xf32, #tpu.memory_space<vmem>>[vector<16xi32>, vector<16xi32>], vector<16xf32>,
      %parallel_loop3A_112 = arith.constant 1 : i32
      %parallel_loop3A_113 = arith.index_cast %parallel_loop3A_112 : i32 to index
      %parallel_loop3A_114 = arith.index_cast %parallel_loop3A_99 : i32 to index
      %parallel_loop3A_115 = tpu.vector_load %arg9[%parallel_loop3A_113, %parallel_loop3A_114] {strides = array<i32>} : memref<8x2048xf32, #tpu.memory_space<vmem>>, vector<16xf32>,
      tpu.vector_store %arg9[%parallel_loop3A_113, %parallel_loop3A_114], %parallel_loop3A_111 {strides = array<i32>} : memref<8x2048xf32, #tpu.memory_space<vmem>>, vector<16xf32>,
      %parallel_loop3A_116 = arith.constant 2 : i32
      %parallel_loop3A_117 = vector.broadcast %parallel_loop3A_116 : i32 to vector<16xi32>
      %parallel_loop3A_118 = tpu.vector_load_idx %arg7[%parallel_loop3A_117, %parallel_loop3A_101] : memref<8x2048xf32, #tpu.memory_space<vmem>>[vector<16xi32>, vector<16xi32>], vector<16xf32>,
      %parallel_loop3A_119 = arith.constant 2 : i32
      %parallel_loop3A_120 = arith.index_cast %parallel_loop3A_119 : i32 to index
      %parallel_loop3A_121 = arith.index_cast %parallel_loop3A_99 : i32 to index
      %parallel_loop3A_122 = tpu.vector_load %arg9[%parallel_loop3A_120, %parallel_loop3A_121] {strides = array<i32>} : memref<8x2048xf32, #tpu.memory_space<vmem>>, vector<16xf32>,
      tpu.vector_store %arg9[%parallel_loop3A_120, %parallel_loop3A_121], %parallel_loop3A_118 {strides = array<i32>} : memref<8x2048xf32, #tpu.memory_space<vmem>>, vector<16xf32>,
      %parallel_loop3A_123 = arith.constant 3 : i32
      %parallel_loop3A_124 = vector.broadcast %parallel_loop3A_123 : i32 to vector<16xi32>
      %parallel_loop3A_125 = tpu.vector_load_idx %arg7[%parallel_loop3A_124, %parallel_loop3A_101] : memref<8x2048xf32, #tpu.memory_space<vmem>>[vector<16xi32>, vector<16xi32>], vector<16xf32>,
      %parallel_loop3A_126 = arith.constant 3 : i32
      %parallel_loop3A_127 = arith.index_cast %parallel_loop3A_126 : i32 to index
      %parallel_loop3A_128 = arith.index_cast %parallel_loop3A_99 : i32 to index
      %parallel_loop3A_129 = tpu.vector_load %arg9[%parallel_loop3A_127, %parallel_loop3A_128] {strides = array<i32>} : memref<8x2048xf32, #tpu.memory_space<vmem>>, vector<16xf32>,
      tpu.vector_store %arg9[%parallel_loop3A_127, %parallel_loop3A_128], %parallel_loop3A_125 {strides = array<i32>} : memref<8x2048xf32, #tpu.memory_space<vmem>>, vector<16xf32>,
      %parallel_loop3A_130 = arith.constant 4 : i32
      %parallel_loop3A_131 = vector.broadcast %parallel_loop3A_130 : i32 to vector<16xi32>
      %parallel_loop3A_132 = tpu.vector_load_idx %arg7[%parallel_loop3A_131, %parallel_loop3A_101] : memref<8x2048xf32, #tpu.memory_space<vmem>>[vector<16xi32>, vector<16xi32>], vector<16xf32>,
      %parallel_loop3A_133 = arith.constant 4 : i32
      %parallel_loop3A_134 = arith.index_cast %parallel_loop3A_133 : i32 to index
      %parallel_loop3A_135 = arith.index_cast %parallel_loop3A_99 : i32 to index
      %parallel_loop3A_136 = tpu.vector_load %arg9[%parallel_loop3A_134, %parallel_loop3A_135] {strides = array<i32>} : memref<8x2048xf32, #tpu.memory_space<vmem>>, vector<16xf32>,
      tpu.vector_store %arg9[%parallel_loop3A_134, %parallel_loop3A_135], %parallel_loop3A_132 {strides = array<i32>} : memref<8x2048xf32, #tpu.memory_space<vmem>>, vector<16xf32>,
      %parallel_loop3A_137 = arith.constant 5 : i32
      %parallel_loop3A_138 = vector.broadcast %parallel_loop3A_137 : i32 to vector<16xi32>
      %parallel_loop3A_139 = tpu.vector_load_idx %arg7[%parallel_loop3A_138, %parallel_loop3A_101] : memref<8x2048xf32, #tpu.memory_space<vmem>>[vector<16xi32>, vector<16xi32>], vector<16xf32>,
      %parallel_loop3A_140 = arith.constant 5 : i32
      %parallel_loop3A_141 = arith.index_cast %parallel_loop3A_140 : i32 to index
      %parallel_loop3A_142 = arith.index_cast %parallel_loop3A_99 : i32 to index
      %parallel_loop3A_143 = tpu.vector_load %arg9[%parallel_loop3A_141, %parallel_loop3A_142] {strides = array<i32>} : memref<8x2048xf32, #tpu.memory_space<vmem>>, vector<16xf32>,
      tpu.vector_store %arg9[%parallel_loop3A_141, %parallel_loop3A_142], %parallel_loop3A_139 {strides = array<i32>} : memref<8x2048xf32, #tpu.memory_space<vmem>>, vector<16xf32>,
      %parallel_loop3A_144 = arith.constant 6 : i32
      %parallel_loop3A_145 = vector.broadcast %parallel_loop3A_144 : i32 to vector<16xi32>
      %parallel_loop3A_146 = tpu.vector_load_idx %arg7[%parallel_loop3A_145, %parallel_loop3A_101] : memref<8x2048xf32, #tpu.memory_space<vmem>>[vector<16xi32>, vector<16xi32>], vector<16xf32>,
      %parallel_loop3A_147 = arith.constant 6 : i32
      %parallel_loop3A_148 = arith.index_cast %parallel_loop3A_147 : i32 to index
      %parallel_loop3A_149 = arith.index_cast %parallel_loop3A_99 : i32 to index
      %parallel_loop3A_150 = tpu.vector_load %arg9[%parallel_loop3A_148, %parallel_loop3A_149] {strides = array<i32>} : memref<8x2048xf32, #tpu.memory_space<vmem>>, vector<16xf32>,
      tpu.vector_store %arg9[%parallel_loop3A_148, %parallel_loop3A_149], %parallel_loop3A_146 {strides = array<i32>} : memref<8x2048xf32, #tpu.memory_space<vmem>>, vector<16xf32>,
      %parallel_loop3A_151 = arith.constant 7 : i32
      %parallel_loop3A_152 = vector.broadcast %parallel_loop3A_151 : i32 to vector<16xi32>
      %parallel_loop3A_153 = tpu.vector_load_idx %arg7[%parallel_loop3A_152, %parallel_loop3A_101] : memref<8x2048xf32, #tpu.memory_space<vmem>>[vector<16xi32>, vector<16xi32>], vector<16xf32>,
      %parallel_loop3A_154 = arith.constant 7 : i32
      %parallel_loop3A_155 = arith.index_cast %parallel_loop3A_154 : i32 to index
      %parallel_loop3A_156 = arith.index_cast %parallel_loop3A_99 : i32 to index
      %parallel_loop3A_157 = tpu.vector_load %arg9[%parallel_loop3A_155, %parallel_loop3A_156] {strides = array<i32>} : memref<8x2048xf32, #tpu.memory_space<vmem>>, vector<16xf32>,
      tpu.vector_store %arg9[%parallel_loop3A_155, %parallel_loop3A_156], %parallel_loop3A_153 {strides = array<i32>} : memref<8x2048xf32, #tpu.memory_space<vmem>>, vector<16xf32>,
    } {sc.loop_unroll_factor = 8 : i64, sc.parallel_access}
    %add3A_38 = arith.constant 8 : i32
    %add3A_39 = arith.addi %mul3A_2, %add3A_38 : i32
    %dma_start3A_40 = arith.constant 0 : i32
    %dma_start3A_41 = tpu.memref_slice %arg4[%add3A_39, %dma_start3A_40] : memref<8192x2048xf32, #tpu.memory_space<hbm>> -> memref<8x2048xf32, #tpu.memory_space<hbm>>
    %dma_start3A_42 = arith.constant 0 : i32
    %dma_start3A_43 = tpu.memref_slice %arg4[%add3A_39, %dma_start3A_42] : memref<8192x2048xf32, #tpu.memory_space<hbm>> -> memref<8x2048xf32, #tpu.memory_space<hbm>>
    tpu.enqueue_dma source(%arg9 : memref<8x2048xf32, #tpu.memory_space<vmem>>) target(%dma_start3A_43 : memref<8x2048xf32, #tpu.memory_space<hbm>>) target_semaphore(%arg13 : memref<!tpu.dma_semaphore, #tpu.memory_space<semaphore_mem>>)
    %add3A_44 = arith.constant 24 : i32
    %add3A_45 = arith.addi %mul3A_2, %add3A_44 : i32
    %dma_start3A_46 = arith.constant 0 : i32
    %dma_start3A_47 = tpu.memref_slice %arg2[%add3A_45, %dma_start3A_46] : memref<8192x2048xf32, #tpu.memory_space<hbm>> -> memref<8x2048xf32, #tpu.memory_space<hbm>>
    %dma_start3A_48 = arith.constant 0 : i32
    %dma_start3A_49 = tpu.memref_slice %arg2[%add3A_45, %dma_start3A_48] : memref<8192x2048xf32, #tpu.memory_space<hbm>> -> memref<8x2048xf32, #tpu.memory_space<hbm>>
    tpu.enqueue_dma source(%dma_start3A_49 : memref<8x2048xf32, #tpu.memory_space<hbm>>) target(%arg7 : memref<8x2048xf32, #tpu.memory_space<vmem>>) target_semaphore(%arg11 : memref<!tpu.dma_semaphore, #tpu.memory_space<semaphore_mem>>)
    %scan3A = arith.constant 0 : i32
    %scan3A_50 = arith.constant 1 : i32
    %scan3A_51 = arith.constant 14 : i32
    %scan3A_52 = arith.addi %scan3A_50, %scan3A_51 : i32
    %scan3A_53 = arith.constant 1 : i32
    scf.for %scan3A_97 = %scan3A_50 to %scan3A_52 step %scan3A_53  : i32 {
      %mul3A_98 = arith.constant 2 : i32
      %mul3A_99 = arith.muli %mul3A_98, %scan3A_97 : i32
      %add3A_100 = arith.constant 0 : i32
      %add3A_101 = arith.addi %mul3A_99, %add3A_100 : i32
      %dma_wait3A_102 = arith.constant 0 : i32
      %dma_wait3A_103 = tpu.memref_slice %arg2[%mul3A_2, %dma_wait3A_102] : memref<8192x2048xf32, #tpu.memory_space<hbm>> -> memref<8x2048xf32, #tpu.memory_space<hbm>>
      %dma_wait3A_104 = arith.constant 0 : i32
      %dma_wait3A_105 = tpu.memref_slice %arg2[%mul3A_2, %dma_wait3A_104] : memref<8192x2048xf32, #tpu.memory_space<hbm>> -> memref<8x2048xf32, #tpu.memory_space<hbm>>
      tpu.wait_dma2 semaphore(%arg10 : memref<!tpu.dma_semaphore, #tpu.memory_space<semaphore_mem>>) src(%dma_wait3A_105 : memref<8x2048xf32, #tpu.memory_space<hbm>>) dst(%arg6 : memref<8x2048xf32, #tpu.memory_space<vmem>>)
      %dma_wait3A_106 = arith.constant 0 : i32
      %dma_wait3A_107 = tpu.memref_slice %arg4[%mul3A_2, %dma_wait3A_106] : memref<8192x2048xf32, #tpu.memory_space<hbm>> -> memref<8x2048xf32, #tpu.memory_space<hbm>>
      %dma_wait3A_108 = arith.constant 0 : i32
      %dma_wait3A_109 = tpu.memref_slice %arg4[%mul3A_2, %dma_wait3A_108] : memref<8192x2048xf32, #tpu.memory_space<hbm>> -> memref<8x2048xf32, #tpu.memory_space<hbm>>
      tpu.wait_dma2 semaphore(%arg12 : memref<!tpu.dma_semaphore, #tpu.memory_space<semaphore_mem>>) src(%arg8 : memref<8x2048xf32, #tpu.memory_space<vmem>>) dst(%dma_wait3A_109 : memref<8x2048xf32, #tpu.memory_space<hbm>>)
      %parallel_loop3A_110 = arith.constant 0 : i32
      %parallel_loop3A_111 = arith.constant 128 : i32
      %parallel_loop3A_112 = arith.constant 1 : i32
      scf.for %parallel_loop3A_160 = %parallel_loop3A_110 to %parallel_loop3A_111 step %parallel_loop3A_112  : i32 {
        %parallel_loop3A_161 = arith.constant 16 : i32
        %parallel_loop3A_162 = arith.muli %parallel_loop3A_160, %parallel_loop3A_161 : i32
        %parallel_loop3A_163 = arith.index_cast %parallel_loop3A_162 : i32 to index
        %parallel_loop3A_164 = tpu.vector_load %arg5[%parallel_loop3A_163] {strides = array<i32>} : memref<2048xi32, #tpu.memory_space<vmem>>, vector<16xi32>,
        %parallel_loop3A_165 = arith.constant 0 : i32
        %parallel_loop3A_166 = vector.broadcast %parallel_loop3A_165 : i32 to vector<16xi32>
        %parallel_loop3A_167 = tpu.vector_load_idx %arg6[%parallel_loop3A_166, %parallel_loop3A_164] : memref<8x2048xf32, #tpu.memory_space<vmem>>[vector<16xi32>, vector<16xi32>], vector<16xf32>,
        %parallel_loop3A_168 = arith.constant 0 : i32
        %parallel_loop3A_169 = arith.index_cast %parallel_loop3A_168 : i32 to index
        %parallel_loop3A_170 = arith.index_cast %parallel_loop3A_162 : i32 to index
        %parallel_loop3A_171 = tpu.vector_load %arg8[%parallel_loop3A_169, %parallel_loop3A_170] {strides = array<i32>} : memref<8x2048xf32, #tpu.memory_space<vmem>>, vector<16xf32>,
        tpu.vector_store %arg8[%parallel_loop3A_169, %parallel_loop3A_170], %parallel_loop3A_167 {strides = array<i32>} : memref<8x2048xf32, #tpu.memory_space<vmem>>, vector<16xf32>,
        %parallel_loop3A_172 = arith.constant 1 : i32
        %parallel_loop3A_173 = vector.broadcast %parallel_loop3A_172 : i32 to vector<16xi32>
        %parallel_loop3A_174 = tpu.vector_load_idx %arg6[%parallel_loop3A_173, %parallel_loop3A_164] : memref<8x2048xf32, #tpu.memory_space<vmem>>[vector<16xi32>, vector<16xi32>], vector<16xf32>,
        %parallel_loop3A_175 = arith.constant 1 : i32
        %parallel_loop3A_176 = arith.index_cast %parallel_loop3A_175 : i32 to index
        %parallel_loop3A_177 = arith.index_cast %parallel_loop3A_162 : i32 to index
        %parallel_loop3A_178 = tpu.vector_load %arg8[%parallel_loop3A_176, %parallel_loop3A_177] {strides = array<i32>} : memref<8x2048xf32, #tpu.memory_space<vmem>>, vector<16xf32>,
        tpu.vector_store %arg8[%parallel_loop3A_176, %parallel_loop3A_177], %parallel_loop3A_174 {strides = array<i32>} : memref<8x2048xf32, #tpu.memory_space<vmem>>, vector<16xf32>,
        %parallel_loop3A_179 = arith.constant 2 : i32
        %parallel_loop3A_180 = vector.broadcast %parallel_loop3A_179 : i32 to vector<16xi32>
        %parallel_loop3A_181 = tpu.vector_load_idx %arg6[%parallel_loop3A_180, %parallel_loop3A_164] : memref<8x2048xf32, #tpu.memory_space<vmem>>[vector<16xi32>, vector<16xi32>], vector<16xf32>,
        %parallel_loop3A_182 = arith.constant 2 : i32
        %parallel_loop3A_183 = arith.index_cast %parallel_loop3A_182 : i32 to index
        %parallel_loop3A_184 = arith.index_cast %parallel_loop3A_162 : i32 to index
        %parallel_loop3A_185 = tpu.vector_load %arg8[%parallel_loop3A_183, %parallel_loop3A_184] {strides = array<i32>} : memref<8x2048xf32, #tpu.memory_space<vmem>>, vector<16xf32>,
        tpu.vector_store %arg8[%parallel_loop3A_183, %parallel_loop3A_184], %parallel_loop3A_181 {strides = array<i32>} : memref<8x2048xf32, #tpu.memory_space<vmem>>, vector<16xf32>,
        %parallel_loop3A_186 = arith.constant 3 : i32
        %parallel_loop3A_187 = vector.broadcast %parallel_loop3A_186 : i32 to vector<16xi32>
        %parallel_loop3A_188 = tpu.vector_load_idx %arg6[%parallel_loop3A_187, %parallel_loop3A_164] : memref<8x2048xf32, #tpu.memory_space<vmem>>[vector<16xi32>, vector<16xi32>], vector<16xf32>,
        %parallel_loop3A_189 = arith.constant 3 : i32
        %parallel_loop3A_190 = arith.index_cast %parallel_loop3A_189 : i32 to index
        %parallel_loop3A_191 = arith.index_cast %parallel_loop3A_162 : i32 to index
        %parallel_loop3A_192 = tpu.vector_load %arg8[%parallel_loop3A_190, %parallel_loop3A_191] {strides = array<i32>} : memref<8x2048xf32, #tpu.memory_space<vmem>>, vector<16xf32>,
        tpu.vector_store %arg8[%parallel_loop3A_190, %parallel_loop3A_191], %parallel_loop3A_188 {strides = array<i32>} : memref<8x2048xf32, #tpu.memory_space<vmem>>, vector<16xf32>,
        %parallel_loop3A_193 = arith.constant 4 : i32
        %parallel_loop3A_194 = vector.broadcast %parallel_loop3A_193 : i32 to vector<16xi32>
        %parallel_loop3A_195 = tpu.vector_load_idx %arg6[%parallel_loop3A_194, %parallel_loop3A_164] : memref<8x2048xf32, #tpu.memory_space<vmem>>[vector<16xi32>, vector<16xi32>], vector<16xf32>,
        %parallel_loop3A_196 = arith.constant 4 : i32
        %parallel_loop3A_197 = arith.index_cast %parallel_loop3A_196 : i32 to index
        %parallel_loop3A_198 = arith.index_cast %parallel_loop3A_162 : i32 to index
        %parallel_loop3A_199 = tpu.vector_load %arg8[%parallel_loop3A_197, %parallel_loop3A_198] {strides = array<i32>} : memref<8x2048xf32, #tpu.memory_space<vmem>>, vector<16xf32>,
        tpu.vector_store %arg8[%parallel_loop3A_197, %parallel_loop3A_198], %parallel_loop3A_195 {strides = array<i32>} : memref<8x2048xf32, #tpu.memory_space<vmem>>, vector<16xf32>,
        %parallel_loop3A_200 = arith.constant 5 : i32
        %parallel_loop3A_201 = vector.broadcast %parallel_loop3A_200 : i32 to vector<16xi32>
        %parallel_loop3A_202 = tpu.vector_load_idx %arg6[%parallel_loop3A_201, %parallel_loop3A_164] : memref<8x2048xf32, #tpu.memory_space<vmem>>[vector<16xi32>, vector<16xi32>], vector<16xf32>,
        %parallel_loop3A_203 = arith.constant 5 : i32
        %parallel_loop3A_204 = arith.index_cast %parallel_loop3A_203 : i32 to index
        %parallel_loop3A_205 = arith.index_cast %parallel_loop3A_162 : i32 to index
        %parallel_loop3A_206 = tpu.vector_load %arg8[%parallel_loop3A_204, %parallel_loop3A_205] {strides = array<i32>} : memref<8x2048xf32, #tpu.memory_space<vmem>>, vector<16xf32>,
        tpu.vector_store %arg8[%parallel_loop3A_204, %parallel_loop3A_205], %parallel_loop3A_202 {strides = array<i32>} : memref<8x2048xf32, #tpu.memory_space<vmem>>, vector<16xf32>,
        %parallel_loop3A_207 = arith.constant 6 : i32
        %parallel_loop3A_208 = vector.broadcast %parallel_loop3A_207 : i32 to vector<16xi32>
        %parallel_loop3A_209 = tpu.vector_load_idx %arg6[%parallel_loop3A_208, %parallel_loop3A_164] : memref<8x2048xf32, #tpu.memory_space<vmem>>[vector<16xi32>, vector<16xi32>], vector<16xf32>,
        %parallel_loop3A_210 = arith.constant 6 : i32
        %parallel_loop3A_211 = arith.index_cast %parallel_loop3A_210 : i32 to index
        %parallel_loop3A_212 = arith.index_cast %parallel_loop3A_162 : i32 to index
        %parallel_loop3A_213 = tpu.vector_load %arg8[%parallel_loop3A_211, %parallel_loop3A_212] {strides = array<i32>} : memref<8x2048xf32, #tpu.memory_space<vmem>>, vector<16xf32>,
        tpu.vector_store %arg8[%parallel_loop3A_211, %parallel_loop3A_212], %parallel_loop3A_209 {strides = array<i32>} : memref<8x2048xf32, #tpu.memory_space<vmem>>, vector<16xf32>,
        %parallel_loop3A_214 = arith.constant 7 : i32
        %parallel_loop3A_215 = vector.broadcast %parallel_loop3A_214 : i32 to vector<16xi32>
        %parallel_loop3A_216 = tpu.vector_load_idx %arg6[%parallel_loop3A_215, %parallel_loop3A_164] : memref<8x2048xf32, #tpu.memory_space<vmem>>[vector<16xi32>, vector<16xi32>], vector<16xf32>,
        %parallel_loop3A_217 = arith.constant 7 : i32
        %parallel_loop3A_218 = arith.index_cast %parallel_loop3A_217 : i32 to index
        %parallel_loop3A_219 = arith.index_cast %parallel_loop3A_162 : i32 to index
        %parallel_loop3A_220 = tpu.vector_load %arg8[%parallel_loop3A_218, %parallel_loop3A_219] {strides = array<i32>} : memref<8x2048xf32, #tpu.memory_space<vmem>>, vector<16xf32>,
        tpu.vector_store %arg8[%parallel_loop3A_218, %parallel_loop3A_219], %parallel_loop3A_216 {strides = array<i32>} : memref<8x2048xf32, #tpu.memory_space<vmem>>, vector<16xf32>,
      } {sc.loop_unroll_factor = 8 : i64, sc.parallel_access}
      %mul3A_113 = arith.constant 8 : i32
      %mul3A_114 = arith.muli %add3A_101, %mul3A_113 : i32
      %add3A_115 = arith.addi %mul3A_2, %mul3A_114 : i32
      %dma_start3A_116 = arith.constant 0 : i32
      %dma_start3A_117 = tpu.memref_slice %arg4[%add3A_115, %dma_start3A_116] : memref<8192x2048xf32, #tpu.memory_space<hbm>> -> memref<8x2048xf32, #tpu.memory_space<hbm>>
      %dma_start3A_118 = arith.constant 0 : i32
      %dma_start3A_119 = tpu.memref_slice %arg4[%add3A_115, %dma_start3A_118] : memref<8192x2048xf32, #tpu.memory_space<hbm>> -> memref<8x2048xf32, #tpu.memory_space<hbm>>
      tpu.enqueue_dma source(%arg8 : memref<8x2048xf32, #tpu.memory_space<vmem>>) target(%dma_start3A_119 : memref<8x2048xf32, #tpu.memory_space<hbm>>) target_semaphore(%arg12 : memref<!tpu.dma_semaphore, #tpu.memory_space<semaphore_mem>>)
      %add3A_120 = arith.constant 2 : i32
      %add3A_121 = arith.addi %add3A_101, %add3A_120 : i32
      %mul3A_122 = arith.constant 8 : i32
      %mul3A_123 = arith.muli %add3A_121, %mul3A_122 : i32
      %add3A_124 = arith.addi %mul3A_2, %mul3A_123 : i32
      %dma_start3A_125 = arith.constant 0 : i32
      %dma_start3A_126 = tpu.memref_slice %arg2[%add3A_124, %dma_start3A_125] : memref<8192x2048xf32, #tpu.memory_space<hbm>> -> memref<8x2048xf32, #tpu.memory_space<hbm>>
      %dma_start3A_127 = arith.constant 0 : i32
      %dma_start3A_128 = tpu.memref_slice %arg2[%add3A_124, %dma_start3A_127] : memref<8192x2048xf32, #tpu.memory_space<hbm>> -> memref<8x2048xf32, #tpu.memory_space<hbm>>
      tpu.enqueue_dma source(%dma_start3A_128 : memref<8x2048xf32, #tpu.memory_space<hbm>>) target(%arg6 : memref<8x2048xf32, #tpu.memory_space<vmem>>) target_semaphore(%arg10 : memref<!tpu.dma_semaphore, #tpu.memory_space<semaphore_mem>>)
      %mul3A_129 = arith.constant 2 : i32
      %mul3A_130 = arith.muli %mul3A_129, %scan3A_97 : i32
      %add3A_131 = arith.constant 1 : i32
      %add3A_132 = arith.addi %mul3A_130, %add3A_131 : i32
      %dma_wait3A_133 = arith.constant 0 : i32
      %dma_wait3A_134 = tpu.memref_slice %arg2[%mul3A_2, %dma_wait3A_133] : memref<8192x2048xf32, #tpu.memory_space<hbm>> -> memref<8x2048xf32, #tpu.memory_space<hbm>>
      %dma_wait3A_135 = arith.constant 0 : i32
      %dma_wait3A_136 = tpu.memref_slice %arg2[%mul3A_2, %dma_wait3A_135] : memref<8192x2048xf32, #tpu.memory_space<hbm>> -> memref<8x2048xf32, #tpu.memory_space<hbm>>
      tpu.wait_dma2 semaphore(%arg11 : memref<!tpu.dma_semaphore, #tpu.memory_space<semaphore_mem>>) src(%dma_wait3A_136 : memref<8x2048xf32, #tpu.memory_space<hbm>>) dst(%arg7 : memref<8x2048xf32, #tpu.memory_space<vmem>>)
      %dma_wait3A_137 = arith.constant 0 : i32
      %dma_wait3A_138 = tpu.memref_slice %arg4[%mul3A_2, %dma_wait3A_137] : memref<8192x2048xf32, #tpu.memory_space<hbm>> -> memref<8x2048xf32, #tpu.memory_space<hbm>>
      %dma_wait3A_139 = arith.constant 0 : i32
      %dma_wait3A_140 = tpu.memref_slice %arg4[%mul3A_2, %dma_wait3A_139] : memref<8192x2048xf32, #tpu.memory_space<hbm>> -> memref<8x2048xf32, #tpu.memory_space<hbm>>
      tpu.wait_dma2 semaphore(%arg13 : memref<!tpu.dma_semaphore, #tpu.memory_space<semaphore_mem>>) src(%arg9 : memref<8x2048xf32, #tpu.memory_space<vmem>>) dst(%dma_wait3A_140 : memref<8x2048xf32, #tpu.memory_space<hbm>>)
      %parallel_loop3A_141 = arith.constant 0 : i32
      %parallel_loop3A_142 = arith.constant 128 : i32
      %parallel_loop3A_143 = arith.constant 1 : i32
      scf.for %parallel_loop3A_160 = %parallel_loop3A_141 to %parallel_loop3A_142 step %parallel_loop3A_143  : i32 {
        %parallel_loop3A_161 = arith.constant 16 : i32
        %parallel_loop3A_162 = arith.muli %parallel_loop3A_160, %parallel_loop3A_161 : i32
        %parallel_loop3A_163 = arith.index_cast %parallel_loop3A_162 : i32 to index
        %parallel_loop3A_164 = tpu.vector_load %arg5[%parallel_loop3A_163] {strides = array<i32>} : memref<2048xi32, #tpu.memory_space<vmem>>, vector<16xi32>,
        %parallel_loop3A_165 = arith.constant 0 : i32
        %parallel_loop3A_166 = vector.broadcast %parallel_loop3A_165 : i32 to vector<16xi32>
        %parallel_loop3A_167 = tpu.vector_load_idx %arg7[%parallel_loop3A_166, %parallel_loop3A_164] : memref<8x2048xf32, #tpu.memory_space<vmem>>[vector<16xi32>, vector<16xi32>], vector<16xf32>,
        %parallel_loop3A_168 = arith.constant 0 : i32
        %parallel_loop3A_169 = arith.index_cast %parallel_loop3A_168 : i32 to index
        %parallel_loop3A_170 = arith.index_cast %parallel_loop3A_162 : i32 to index
        %parallel_loop3A_171 = tpu.vector_load %arg9[%parallel_loop3A_169, %parallel_loop3A_170] {strides = array<i32>} : memref<8x2048xf32, #tpu.memory_space<vmem>>, vector<16xf32>,
        tpu.vector_store %arg9[%parallel_loop3A_169, %parallel_loop3A_170], %parallel_loop3A_167 {strides = array<i32>} : memref<8x2048xf32, #tpu.memory_space<vmem>>, vector<16xf32>,
        %parallel_loop3A_172 = arith.constant 1 : i32
        %parallel_loop3A_173 = vector.broadcast %parallel_loop3A_172 : i32 to vector<16xi32>
        %parallel_loop3A_174 = tpu.vector_load_idx %arg7[%parallel_loop3A_173, %parallel_loop3A_164] : memref<8x2048xf32, #tpu.memory_space<vmem>>[vector<16xi32>, vector<16xi32>], vector<16xf32>,
        %parallel_loop3A_175 = arith.constant 1 : i32
        %parallel_loop3A_176 = arith.index_cast %parallel_loop3A_175 : i32 to index
        %parallel_loop3A_177 = arith.index_cast %parallel_loop3A_162 : i32 to index
        %parallel_loop3A_178 = tpu.vector_load %arg9[%parallel_loop3A_176, %parallel_loop3A_177] {strides = array<i32>} : memref<8x2048xf32, #tpu.memory_space<vmem>>, vector<16xf32>,
        tpu.vector_store %arg9[%parallel_loop3A_176, %parallel_loop3A_177], %parallel_loop3A_174 {strides = array<i32>} : memref<8x2048xf32, #tpu.memory_space<vmem>>, vector<16xf32>,
        %parallel_loop3A_179 = arith.constant 2 : i32
        %parallel_loop3A_180 = vector.broadcast %parallel_loop3A_179 : i32 to vector<16xi32>
        %parallel_loop3A_181 = tpu.vector_load_idx %arg7[%parallel_loop3A_180, %parallel_loop3A_164] : memref<8x2048xf32, #tpu.memory_space<vmem>>[vector<16xi32>, vector<16xi32>], vector<16xf32>,
        %parallel_loop3A_182 = arith.constant 2 : i32
        %parallel_loop3A_183 = arith.index_cast %parallel_loop3A_182 : i32 to index
        %parallel_loop3A_184 = arith.index_cast %parallel_loop3A_162 : i32 to index
        %parallel_loop3A_185 = tpu.vector_load %arg9[%parallel_loop3A_183, %parallel_loop3A_184] {strides = array<i32>} : memref<8x2048xf32, #tpu.memory_space<vmem>>, vector<16xf32>,
        tpu.vector_store %arg9[%parallel_loop3A_183, %parallel_loop3A_184], %parallel_loop3A_181 {strides = array<i32>} : memref<8x2048xf32, #tpu.memory_space<vmem>>, vector<16xf32>,
        %parallel_loop3A_186 = arith.constant 3 : i32
        %parallel_loop3A_187 = vector.broadcast %parallel_loop3A_186 : i32 to vector<16xi32>
        %parallel_loop3A_188 = tpu.vector_load_idx %arg7[%parallel_loop3A_187, %parallel_loop3A_164] : memref<8x2048xf32, #tpu.memory_space<vmem>>[vector<16xi32>, vector<16xi32>], vector<16xf32>,
        %parallel_loop3A_189 = arith.constant 3 : i32
        %parallel_loop3A_190 = arith.index_cast %parallel_loop3A_189 : i32 to index
        %parallel_loop3A_191 = arith.index_cast %parallel_loop3A_162 : i32 to index
        %parallel_loop3A_192 = tpu.vector_load %arg9[%parallel_loop3A_190, %parallel_loop3A_191] {strides = array<i32>} : memref<8x2048xf32, #tpu.memory_space<vmem>>, vector<16xf32>,
        tpu.vector_store %arg9[%parallel_loop3A_190, %parallel_loop3A_191], %parallel_loop3A_188 {strides = array<i32>} : memref<8x2048xf32, #tpu.memory_space<vmem>>, vector<16xf32>,
        %parallel_loop3A_193 = arith.constant 4 : i32
        %parallel_loop3A_194 = vector.broadcast %parallel_loop3A_193 : i32 to vector<16xi32>
        %parallel_loop3A_195 = tpu.vector_load_idx %arg7[%parallel_loop3A_194, %parallel_loop3A_164] : memref<8x2048xf32, #tpu.memory_space<vmem>>[vector<16xi32>, vector<16xi32>], vector<16xf32>,
        %parallel_loop3A_196 = arith.constant 4 : i32
        %parallel_loop3A_197 = arith.index_cast %parallel_loop3A_196 : i32 to index
        %parallel_loop3A_198 = arith.index_cast %parallel_loop3A_162 : i32 to index
        %parallel_loop3A_199 = tpu.vector_load %arg9[%parallel_loop3A_197, %parallel_loop3A_198] {strides = array<i32>} : memref<8x2048xf32, #tpu.memory_space<vmem>>, vector<16xf32>,
        tpu.vector_store %arg9[%parallel_loop3A_197, %parallel_loop3A_198], %parallel_loop3A_195 {strides = array<i32>} : memref<8x2048xf32, #tpu.memory_space<vmem>>, vector<16xf32>,
        %parallel_loop3A_200 = arith.constant 5 : i32
        %parallel_loop3A_201 = vector.broadcast %parallel_loop3A_200 : i32 to vector<16xi32>
        %parallel_loop3A_202 = tpu.vector_load_idx %arg7[%parallel_loop3A_201, %parallel_loop3A_164] : memref<8x2048xf32, #tpu.memory_space<vmem>>[vector<16xi32>, vector<16xi32>], vector<16xf32>,
        %parallel_loop3A_203 = arith.constant 5 : i32
        %parallel_loop3A_204 = arith.index_cast %parallel_loop3A_203 : i32 to index
        %parallel_loop3A_205 = arith.index_cast %parallel_loop3A_162 : i32 to index
        %parallel_loop3A_206 = tpu.vector_load %arg9[%parallel_loop3A_204, %parallel_loop3A_205] {strides = array<i32>} : memref<8x2048xf32, #tpu.memory_space<vmem>>, vector<16xf32>,
        tpu.vector_store %arg9[%parallel_loop3A_204, %parallel_loop3A_205], %parallel_loop3A_202 {strides = array<i32>} : memref<8x2048xf32, #tpu.memory_space<vmem>>, vector<16xf32>,
        %parallel_loop3A_207 = arith.constant 6 : i32
        %parallel_loop3A_208 = vector.broadcast %parallel_loop3A_207 : i32 to vector<16xi32>
        %parallel_loop3A_209 = tpu.vector_load_idx %arg7[%parallel_loop3A_208, %parallel_loop3A_164] : memref<8x2048xf32, #tpu.memory_space<vmem>>[vector<16xi32>, vector<16xi32>], vector<16xf32>,
        %parallel_loop3A_210 = arith.constant 6 : i32
        %parallel_loop3A_211 = arith.index_cast %parallel_loop3A_210 : i32 to index
        %parallel_loop3A_212 = arith.index_cast %parallel_loop3A_162 : i32 to index
        %parallel_loop3A_213 = tpu.vector_load %arg9[%parallel_loop3A_211, %parallel_loop3A_212] {strides = array<i32>} : memref<8x2048xf32, #tpu.memory_space<vmem>>, vector<16xf32>,
        tpu.vector_store %arg9[%parallel_loop3A_211, %parallel_loop3A_212], %parallel_loop3A_209 {strides = array<i32>} : memref<8x2048xf32, #tpu.memory_space<vmem>>, vector<16xf32>,
        %parallel_loop3A_214 = arith.constant 7 : i32
        %parallel_loop3A_215 = vector.broadcast %parallel_loop3A_214 : i32 to vector<16xi32>
        %parallel_loop3A_216 = tpu.vector_load_idx %arg7[%parallel_loop3A_215, %parallel_loop3A_164] : memref<8x2048xf32, #tpu.memory_space<vmem>>[vector<16xi32>, vector<16xi32>], vector<16xf32>,
        %parallel_loop3A_217 = arith.constant 7 : i32
        %parallel_loop3A_218 = arith.index_cast %parallel_loop3A_217 : i32 to index
        %parallel_loop3A_219 = arith.index_cast %parallel_loop3A_162 : i32 to index
        %parallel_loop3A_220 = tpu.vector_load %arg9[%parallel_loop3A_218, %parallel_loop3A_219] {strides = array<i32>} : memref<8x2048xf32, #tpu.memory_space<vmem>>, vector<16xf32>,
        tpu.vector_store %arg9[%parallel_loop3A_218, %parallel_loop3A_219], %parallel_loop3A_216 {strides = array<i32>} : memref<8x2048xf32, #tpu.memory_space<vmem>>, vector<16xf32>,
      } {sc.loop_unroll_factor = 8 : i64, sc.parallel_access}
      %mul3A_144 = arith.constant 8 : i32
      %mul3A_145 = arith.muli %add3A_132, %mul3A_144 : i32
      %add3A_146 = arith.addi %mul3A_2, %mul3A_145 : i32
      %dma_start3A_147 = arith.constant 0 : i32
      %dma_start3A_148 = tpu.memref_slice %arg4[%add3A_146, %dma_start3A_147] : memref<8192x2048xf32, #tpu.memory_space<hbm>> -> memref<8x2048xf32, #tpu.memory_space<hbm>>
      %dma_start3A_149 = arith.constant 0 : i32
      %dma_start3A_150 = tpu.memref_slice %arg4[%add3A_146, %dma_start3A_149] : memref<8192x2048xf32, #tpu.memory_space<hbm>> -> memref<8x2048xf32, #tpu.memory_space<hbm>>
      tpu.enqueue_dma source(%arg9 : memref<8x2048xf32, #tpu.memory_space<vmem>>) target(%dma_start3A_150 : memref<8x2048xf32, #tpu.memory_space<hbm>>) target_semaphore(%arg13 : memref<!tpu.dma_semaphore, #tpu.memory_space<semaphore_mem>>)
      %add3A_151 = arith.constant 2 : i32
      %add3A_152 = arith.addi %add3A_132, %add3A_151 : i32
      %mul3A_153 = arith.constant 8 : i32
      %mul3A_154 = arith.muli %add3A_152, %mul3A_153 : i32
      %add3A_155 = arith.addi %mul3A_2, %mul3A_154 : i32
      %dma_start3A_156 = arith.constant 0 : i32
      %dma_start3A_157 = tpu.memref_slice %arg2[%add3A_155, %dma_start3A_156] : memref<8192x2048xf32, #tpu.memory_space<hbm>> -> memref<8x2048xf32, #tpu.memory_space<hbm>>
      %dma_start3A_158 = arith.constant 0 : i32
      %dma_start3A_159 = tpu.memref_slice %arg2[%add3A_155, %dma_start3A_158] : memref<8192x2048xf32, #tpu.memory_space<hbm>> -> memref<8x2048xf32, #tpu.memory_space<hbm>>
      tpu.enqueue_dma source(%dma_start3A_159 : memref<8x2048xf32, #tpu.memory_space<hbm>>) target(%arg7 : memref<8x2048xf32, #tpu.memory_space<vmem>>) target_semaphore(%arg11 : memref<!tpu.dma_semaphore, #tpu.memory_space<semaphore_mem>>)
    }
    %scan3A_54 = arith.constant 14 : i32
    %dma_wait3A_55 = arith.constant 0 : i32
    %dma_wait3A_56 = tpu.memref_slice %arg2[%mul3A_2, %dma_wait3A_55] : memref<8192x2048xf32, #tpu.memory_space<hbm>> -> memref<8x2048xf32, #tpu.memory_space<hbm>>
    %dma_wait3A_57 = arith.constant 0 : i32
    %dma_wait3A_58 = tpu.memref_slice %arg2[%mul3A_2, %dma_wait3A_57] : memref<8192x2048xf32, #tpu.memory_space<hbm>> -> memref<8x2048xf32, #tpu.memory_space<hbm>>
    tpu.wait_dma2 semaphore(%arg10 : memref<!tpu.dma_semaphore, #tpu.memory_space<semaphore_mem>>) src(%dma_wait3A_58 : memref<8x2048xf32, #tpu.memory_space<hbm>>) dst(%arg6 : memref<8x2048xf32, #tpu.memory_space<vmem>>)
    %dma_wait3A_59 = arith.constant 0 : i32
    %dma_wait3A_60 = tpu.memref_slice %arg4[%mul3A_2, %dma_wait3A_59] : memref<8192x2048xf32, #tpu.memory_space<hbm>> -> memref<8x2048xf32, #tpu.memory_space<hbm>>
    %dma_wait3A_61 = arith.constant 0 : i32
    %dma_wait3A_62 = tpu.memref_slice %arg4[%mul3A_2, %dma_wait3A_61] : memref<8192x2048xf32, #tpu.memory_space<hbm>> -> memref<8x2048xf32, #tpu.memory_space<hbm>>
    tpu.wait_dma2 semaphore(%arg12 : memref<!tpu.dma_semaphore, #tpu.memory_space<semaphore_mem>>) src(%arg8 : memref<8x2048xf32, #tpu.memory_space<vmem>>) dst(%dma_wait3A_62 : memref<8x2048xf32, #tpu.memory_space<hbm>>)
    %parallel_loop3A_63 = arith.constant 0 : i32
    %parallel_loop3A_64 = arith.constant 128 : i32
    %parallel_loop3A_65 = arith.constant 1 : i32
    scf.for %parallel_loop3A_97 = %parallel_loop3A_63 to %parallel_loop3A_64 step %parallel_loop3A_65  : i32 {
      %parallel_loop3A_98 = arith.constant 16 : i32
      %parallel_loop3A_99 = arith.muli %parallel_loop3A_97, %parallel_loop3A_98 : i32
      %parallel_loop3A_100 = arith.index_cast %parallel_loop3A_99 : i32 to index
      %parallel_loop3A_101 = tpu.vector_load %arg5[%parallel_loop3A_100] {strides = array<i32>} : memref<2048xi32, #tpu.memory_space<vmem>>, vector<16xi32>,
      %parallel_loop3A_102 = arith.constant 0 : i32
      %parallel_loop3A_103 = vector.broadcast %parallel_loop3A_102 : i32 to vector<16xi32>
      %parallel_loop3A_104 = tpu.vector_load_idx %arg6[%parallel_loop3A_103, %parallel_loop3A_101] : memref<8x2048xf32, #tpu.memory_space<vmem>>[vector<16xi32>, vector<16xi32>], vector<16xf32>,
      %parallel_loop3A_105 = arith.constant 0 : i32
      %parallel_loop3A_106 = arith.index_cast %parallel_loop3A_105 : i32 to index
      %parallel_loop3A_107 = arith.index_cast %parallel_loop3A_99 : i32 to index
      %parallel_loop3A_108 = tpu.vector_load %arg8[%parallel_loop3A_106, %parallel_loop3A_107] {strides = array<i32>} : memref<8x2048xf32, #tpu.memory_space<vmem>>, vector<16xf32>,
      tpu.vector_store %arg8[%parallel_loop3A_106, %parallel_loop3A_107], %parallel_loop3A_104 {strides = array<i32>} : memref<8x2048xf32, #tpu.memory_space<vmem>>, vector<16xf32>,
      %parallel_loop3A_109 = arith.constant 1 : i32
      %parallel_loop3A_110 = vector.broadcast %parallel_loop3A_109 : i32 to vector<16xi32>
      %parallel_loop3A_111 = tpu.vector_load_idx %arg6[%parallel_loop3A_110, %parallel_loop3A_101] : memref<8x2048xf32, #tpu.memory_space<vmem>>[vector<16xi32>, vector<16xi32>], vector<16xf32>,
      %parallel_loop3A_112 = arith.constant 1 : i32
      %parallel_loop3A_113 = arith.index_cast %parallel_loop3A_112 : i32 to index
      %parallel_loop3A_114 = arith.index_cast %parallel_loop3A_99 : i32 to index
      %parallel_loop3A_115 = tpu.vector_load %arg8[%parallel_loop3A_113, %parallel_loop3A_114] {strides = array<i32>} : memref<8x2048xf32, #tpu.memory_space<vmem>>, vector<16xf32>,
      tpu.vector_store %arg8[%parallel_loop3A_113, %parallel_loop3A_114], %parallel_loop3A_111 {strides = array<i32>} : memref<8x2048xf32, #tpu.memory_space<vmem>>, vector<16xf32>,
      %parallel_loop3A_116 = arith.constant 2 : i32
      %parallel_loop3A_117 = vector.broadcast %parallel_loop3A_116 : i32 to vector<16xi32>
      %parallel_loop3A_118 = tpu.vector_load_idx %arg6[%parallel_loop3A_117, %parallel_loop3A_101] : memref<8x2048xf32, #tpu.memory_space<vmem>>[vector<16xi32>, vector<16xi32>], vector<16xf32>,
      %parallel_loop3A_119 = arith.constant 2 : i32
      %parallel_loop3A_120 = arith.index_cast %parallel_loop3A_119 : i32 to index
      %parallel_loop3A_121 = arith.index_cast %parallel_loop3A_99 : i32 to index
      %parallel_loop3A_122 = tpu.vector_load %arg8[%parallel_loop3A_120, %parallel_loop3A_121] {strides = array<i32>} : memref<8x2048xf32, #tpu.memory_space<vmem>>, vector<16xf32>,
      tpu.vector_store %arg8[%parallel_loop3A_120, %parallel_loop3A_121], %parallel_loop3A_118 {strides = array<i32>} : memref<8x2048xf32, #tpu.memory_space<vmem>>, vector<16xf32>,
      %parallel_loop3A_123 = arith.constant 3 : i32
      %parallel_loop3A_124 = vector.broadcast %parallel_loop3A_123 : i32 to vector<16xi32>
      %parallel_loop3A_125 = tpu.vector_load_idx %arg6[%parallel_loop3A_124, %parallel_loop3A_101] : memref<8x2048xf32, #tpu.memory_space<vmem>>[vector<16xi32>, vector<16xi32>], vector<16xf32>,
      %parallel_loop3A_126 = arith.constant 3 : i32
      %parallel_loop3A_127 = arith.index_cast %parallel_loop3A_126 : i32 to index
      %parallel_loop3A_128 = arith.index_cast %parallel_loop3A_99 : i32 to index
      %parallel_loop3A_129 = tpu.vector_load %arg8[%parallel_loop3A_127, %parallel_loop3A_128] {strides = array<i32>} : memref<8x2048xf32, #tpu.memory_space<vmem>>, vector<16xf32>,
      tpu.vector_store %arg8[%parallel_loop3A_127, %parallel_loop3A_128], %parallel_loop3A_125 {strides = array<i32>} : memref<8x2048xf32, #tpu.memory_space<vmem>>, vector<16xf32>,
      %parallel_loop3A_130 = arith.constant 4 : i32
      %parallel_loop3A_131 = vector.broadcast %parallel_loop3A_130 : i32 to vector<16xi32>
      %parallel_loop3A_132 = tpu.vector_load_idx %arg6[%parallel_loop3A_131, %parallel_loop3A_101] : memref<8x2048xf32, #tpu.memory_space<vmem>>[vector<16xi32>, vector<16xi32>], vector<16xf32>,
      %parallel_loop3A_133 = arith.constant 4 : i32
      %parallel_loop3A_134 = arith.index_cast %parallel_loop3A_133 : i32 to index
      %parallel_loop3A_135 = arith.index_cast %parallel_loop3A_99 : i32 to index
      %parallel_loop3A_136 = tpu.vector_load %arg8[%parallel_loop3A_134, %parallel_loop3A_135] {strides = array<i32>} : memref<8x2048xf32, #tpu.memory_space<vmem>>, vector<16xf32>,
      tpu.vector_store %arg8[%parallel_loop3A_134, %parallel_loop3A_135], %parallel_loop3A_132 {strides = array<i32>} : memref<8x2048xf32, #tpu.memory_space<vmem>>, vector<16xf32>,
      %parallel_loop3A_137 = arith.constant 5 : i32
      %parallel_loop3A_138 = vector.broadcast %parallel_loop3A_137 : i32 to vector<16xi32>
      %parallel_loop3A_139 = tpu.vector_load_idx %arg6[%parallel_loop3A_138, %parallel_loop3A_101] : memref<8x2048xf32, #tpu.memory_space<vmem>>[vector<16xi32>, vector<16xi32>], vector<16xf32>,
      %parallel_loop3A_140 = arith.constant 5 : i32
      %parallel_loop3A_141 = arith.index_cast %parallel_loop3A_140 : i32 to index
      %parallel_loop3A_142 = arith.index_cast %parallel_loop3A_99 : i32 to index
      %parallel_loop3A_143 = tpu.vector_load %arg8[%parallel_loop3A_141, %parallel_loop3A_142] {strides = array<i32>} : memref<8x2048xf32, #tpu.memory_space<vmem>>, vector<16xf32>,
      tpu.vector_store %arg8[%parallel_loop3A_141, %parallel_loop3A_142], %parallel_loop3A_139 {strides = array<i32>} : memref<8x2048xf32, #tpu.memory_space<vmem>>, vector<16xf32>,
      %parallel_loop3A_144 = arith.constant 6 : i32
      %parallel_loop3A_145 = vector.broadcast %parallel_loop3A_144 : i32 to vector<16xi32>
      %parallel_loop3A_146 = tpu.vector_load_idx %arg6[%parallel_loop3A_145, %parallel_loop3A_101] : memref<8x2048xf32, #tpu.memory_space<vmem>>[vector<16xi32>, vector<16xi32>], vector<16xf32>,
      %parallel_loop3A_147 = arith.constant 6 : i32
      %parallel_loop3A_148 = arith.index_cast %parallel_loop3A_147 : i32 to index
      %parallel_loop3A_149 = arith.index_cast %parallel_loop3A_99 : i32 to index
      %parallel_loop3A_150 = tpu.vector_load %arg8[%parallel_loop3A_148, %parallel_loop3A_149] {strides = array<i32>} : memref<8x2048xf32, #tpu.memory_space<vmem>>, vector<16xf32>,
      tpu.vector_store %arg8[%parallel_loop3A_148, %parallel_loop3A_149], %parallel_loop3A_146 {strides = array<i32>} : memref<8x2048xf32, #tpu.memory_space<vmem>>, vector<16xf32>,
      %parallel_loop3A_151 = arith.constant 7 : i32
      %parallel_loop3A_152 = vector.broadcast %parallel_loop3A_151 : i32 to vector<16xi32>
      %parallel_loop3A_153 = tpu.vector_load_idx %arg6[%parallel_loop3A_152, %parallel_loop3A_101] : memref<8x2048xf32, #tpu.memory_space<vmem>>[vector<16xi32>, vector<16xi32>], vector<16xf32>,
      %parallel_loop3A_154 = arith.constant 7 : i32
      %parallel_loop3A_155 = arith.index_cast %parallel_loop3A_154 : i32 to index
      %parallel_loop3A_156 = arith.index_cast %parallel_loop3A_99 : i32 to index
      %parallel_loop3A_157 = tpu.vector_load %arg8[%parallel_loop3A_155, %parallel_loop3A_156] {strides = array<i32>} : memref<8x2048xf32, #tpu.memory_space<vmem>>, vector<16xf32>,
      tpu.vector_store %arg8[%parallel_loop3A_155, %parallel_loop3A_156], %parallel_loop3A_153 {strides = array<i32>} : memref<8x2048xf32, #tpu.memory_space<vmem>>, vector<16xf32>,
    } {sc.loop_unroll_factor = 8 : i64, sc.parallel_access}
    %add3A_66 = arith.constant 240 : i32
    %add3A_67 = arith.addi %mul3A_2, %add3A_66 : i32
    %dma_start3A_68 = arith.constant 0 : i32
    %dma_start3A_69 = tpu.memref_slice %arg4[%add3A_67, %dma_start3A_68] : memref<8192x2048xf32, #tpu.memory_space<hbm>> -> memref<8x2048xf32, #tpu.memory_space<hbm>>
    %dma_start3A_70 = arith.constant 0 : i32
    %dma_start3A_71 = tpu.memref_slice %arg4[%add3A_67, %dma_start3A_70] : memref<8192x2048xf32, #tpu.memory_space<hbm>> -> memref<8x2048xf32, #tpu.memory_space<hbm>>
    tpu.enqueue_dma source(%arg8 : memref<8x2048xf32, #tpu.memory_space<vmem>>) target(%dma_start3A_71 : memref<8x2048xf32, #tpu.memory_space<hbm>>) target_semaphore(%arg12 : memref<!tpu.dma_semaphore, #tpu.memory_space<semaphore_mem>>)
    %dma_wait3A_72 = arith.constant 0 : i32
    %dma_wait3A_73 = tpu.memref_slice %arg2[%mul3A_2, %dma_wait3A_72] : memref<8192x2048xf32, #tpu.memory_space<hbm>> -> memref<8x2048xf32, #tpu.memory_space<hbm>>
    %dma_wait3A_74 = arith.constant 0 : i32
    %dma_wait3A_75 = tpu.memref_slice %arg2[%mul3A_2, %dma_wait3A_74] : memref<8192x2048xf32, #tpu.memory_space<hbm>> -> memref<8x2048xf32, #tpu.memory_space<hbm>>
    tpu.wait_dma2 semaphore(%arg11 : memref<!tpu.dma_semaphore, #tpu.memory_space<semaphore_mem>>) src(%dma_wait3A_75 : memref<8x2048xf32, #tpu.memory_space<hbm>>) dst(%arg7 : memref<8x2048xf32, #tpu.memory_space<vmem>>)
    %dma_wait3A_76 = arith.constant 0 : i32
    %dma_wait3A_77 = tpu.memref_slice %arg4[%mul3A_2, %dma_wait3A_76] : memref<8192x2048xf32, #tpu.memory_space<hbm>> -> memref<8x2048xf32, #tpu.memory_space<hbm>>
    %dma_wait3A_78 = arith.constant 0 : i32
    %dma_wait3A_79 = tpu.memref_slice %arg4[%mul3A_2, %dma_wait3A_78] : memref<8192x2048xf32, #tpu.memory_space<hbm>> -> memref<8x2048xf32, #tpu.memory_space<hbm>>
    tpu.wait_dma2 semaphore(%arg13 : memref<!tpu.dma_semaphore, #tpu.memory_space<semaphore_mem>>) src(%arg9 : memref<8x2048xf32, #tpu.memory_space<vmem>>) dst(%dma_wait3A_79 : memref<8x2048xf32, #tpu.memory_space<hbm>>)
    %parallel_loop3A_80 = arith.constant 0 : i32
    %parallel_loop3A_81 = arith.constant 128 : i32
    %parallel_loop3A_82 = arith.constant 1 : i32
    scf.for %parallel_loop3A_97 = %parallel_loop3A_80 to %parallel_loop3A_81 step %parallel_loop3A_82  : i32 {
      %parallel_loop3A_98 = arith.constant 16 : i32
      %parallel_loop3A_99 = arith.muli %parallel_loop3A_97, %parallel_loop3A_98 : i32
      %parallel_loop3A_100 = arith.index_cast %parallel_loop3A_99 : i32 to index
      %parallel_loop3A_101 = tpu.vector_load %arg5[%parallel_loop3A_100] {strides = array<i32>} : memref<2048xi32, #tpu.memory_space<vmem>>, vector<16xi32>,
      %parallel_loop3A_102 = arith.constant 0 : i32
      %parallel_loop3A_103 = vector.broadcast %parallel_loop3A_102 : i32 to vector<16xi32>
      %parallel_loop3A_104 = tpu.vector_load_idx %arg7[%parallel_loop3A_103, %parallel_loop3A_101] : memref<8x2048xf32, #tpu.memory_space<vmem>>[vector<16xi32>, vector<16xi32>], vector<16xf32>,
      %parallel_loop3A_105 = arith.constant 0 : i32
      %parallel_loop3A_106 = arith.index_cast %parallel_loop3A_105 : i32 to index
      %parallel_loop3A_107 = arith.index_cast %parallel_loop3A_99 : i32 to index
      %parallel_loop3A_108 = tpu.vector_load %arg9[%parallel_loop3A_106, %parallel_loop3A_107] {strides = array<i32>} : memref<8x2048xf32, #tpu.memory_space<vmem>>, vector<16xf32>,
      tpu.vector_store %arg9[%parallel_loop3A_106, %parallel_loop3A_107], %parallel_loop3A_104 {strides = array<i32>} : memref<8x2048xf32, #tpu.memory_space<vmem>>, vector<16xf32>,
      %parallel_loop3A_109 = arith.constant 1 : i32
      %parallel_loop3A_110 = vector.broadcast %parallel_loop3A_109 : i32 to vector<16xi32>
      %parallel_loop3A_111 = tpu.vector_load_idx %arg7[%parallel_loop3A_110, %parallel_loop3A_101] : memref<8x2048xf32, #tpu.memory_space<vmem>>[vector<16xi32>, vector<16xi32>], vector<16xf32>,
      %parallel_loop3A_112 = arith.constant 1 : i32
      %parallel_loop3A_113 = arith.index_cast %parallel_loop3A_112 : i32 to index
      %parallel_loop3A_114 = arith.index_cast %parallel_loop3A_99 : i32 to index
      %parallel_loop3A_115 = tpu.vector_load %arg9[%parallel_loop3A_113, %parallel_loop3A_114] {strides = array<i32>} : memref<8x2048xf32, #tpu.memory_space<vmem>>, vector<16xf32>,
      tpu.vector_store %arg9[%parallel_loop3A_113, %parallel_loop3A_114], %parallel_loop3A_111 {strides = array<i32>} : memref<8x2048xf32, #tpu.memory_space<vmem>>, vector<16xf32>,
      %parallel_loop3A_116 = arith.constant 2 : i32
      %parallel_loop3A_117 = vector.broadcast %parallel_loop3A_116 : i32 to vector<16xi32>
      %parallel_loop3A_118 = tpu.vector_load_idx %arg7[%parallel_loop3A_117, %parallel_loop3A_101] : memref<8x2048xf32, #tpu.memory_space<vmem>>[vector<16xi32>, vector<16xi32>], vector<16xf32>,
      %parallel_loop3A_119 = arith.constant 2 : i32
      %parallel_loop3A_120 = arith.index_cast %parallel_loop3A_119 : i32 to index
      %parallel_loop3A_121 = arith.index_cast %parallel_loop3A_99 : i32 to index
      %parallel_loop3A_122 = tpu.vector_load %arg9[%parallel_loop3A_120, %parallel_loop3A_121] {strides = array<i32>} : memref<8x2048xf32, #tpu.memory_space<vmem>>, vector<16xf32>,
      tpu.vector_store %arg9[%parallel_loop3A_120, %parallel_loop3A_121], %parallel_loop3A_118 {strides = array<i32>} : memref<8x2048xf32, #tpu.memory_space<vmem>>, vector<16xf32>,
      %parallel_loop3A_123 = arith.constant 3 : i32
      %parallel_loop3A_124 = vector.broadcast %parallel_loop3A_123 : i32 to vector<16xi32>
      %parallel_loop3A_125 = tpu.vector_load_idx %arg7[%parallel_loop3A_124, %parallel_loop3A_101] : memref<8x2048xf32, #tpu.memory_space<vmem>>[vector<16xi32>, vector<16xi32>], vector<16xf32>,
      %parallel_loop3A_126 = arith.constant 3 : i32
      %parallel_loop3A_127 = arith.index_cast %parallel_loop3A_126 : i32 to index
      %parallel_loop3A_128 = arith.index_cast %parallel_loop3A_99 : i32 to index
      %parallel_loop3A_129 = tpu.vector_load %arg9[%parallel_loop3A_127, %parallel_loop3A_128] {strides = array<i32>} : memref<8x2048xf32, #tpu.memory_space<vmem>>, vector<16xf32>,
      tpu.vector_store %arg9[%parallel_loop3A_127, %parallel_loop3A_128], %parallel_loop3A_125 {strides = array<i32>} : memref<8x2048xf32, #tpu.memory_space<vmem>>, vector<16xf32>,
      %parallel_loop3A_130 = arith.constant 4 : i32
      %parallel_loop3A_131 = vector.broadcast %parallel_loop3A_130 : i32 to vector<16xi32>
      %parallel_loop3A_132 = tpu.vector_load_idx %arg7[%parallel_loop3A_131, %parallel_loop3A_101] : memref<8x2048xf32, #tpu.memory_space<vmem>>[vector<16xi32>, vector<16xi32>], vector<16xf32>,
      %parallel_loop3A_133 = arith.constant 4 : i32
      %parallel_loop3A_134 = arith.index_cast %parallel_loop3A_133 : i32 to index
      %parallel_loop3A_135 = arith.index_cast %parallel_loop3A_99 : i32 to index
      %parallel_loop3A_136 = tpu.vector_load %arg9[%parallel_loop3A_134, %parallel_loop3A_135] {strides = array<i32>} : memref<8x2048xf32, #tpu.memory_space<vmem>>, vector<16xf32>,
      tpu.vector_store %arg9[%parallel_loop3A_134, %parallel_loop3A_135], %parallel_loop3A_132 {strides = array<i32>} : memref<8x2048xf32, #tpu.memory_space<vmem>>, vector<16xf32>,
      %parallel_loop3A_137 = arith.constant 5 : i32
      %parallel_loop3A_138 = vector.broadcast %parallel_loop3A_137 : i32 to vector<16xi32>
      %parallel_loop3A_139 = tpu.vector_load_idx %arg7[%parallel_loop3A_138, %parallel_loop3A_101] : memref<8x2048xf32, #tpu.memory_space<vmem>>[vector<16xi32>, vector<16xi32>], vector<16xf32>,
      %parallel_loop3A_140 = arith.constant 5 : i32
      %parallel_loop3A_141 = arith.index_cast %parallel_loop3A_140 : i32 to index
      %parallel_loop3A_142 = arith.index_cast %parallel_loop3A_99 : i32 to index
      %parallel_loop3A_143 = tpu.vector_load %arg9[%parallel_loop3A_141, %parallel_loop3A_142] {strides = array<i32>} : memref<8x2048xf32, #tpu.memory_space<vmem>>, vector<16xf32>,
      tpu.vector_store %arg9[%parallel_loop3A_141, %parallel_loop3A_142], %parallel_loop3A_139 {strides = array<i32>} : memref<8x2048xf32, #tpu.memory_space<vmem>>, vector<16xf32>,
      %parallel_loop3A_144 = arith.constant 6 : i32
      %parallel_loop3A_145 = vector.broadcast %parallel_loop3A_144 : i32 to vector<16xi32>
      %parallel_loop3A_146 = tpu.vector_load_idx %arg7[%parallel_loop3A_145, %parallel_loop3A_101] : memref<8x2048xf32, #tpu.memory_space<vmem>>[vector<16xi32>, vector<16xi32>], vector<16xf32>,
      %parallel_loop3A_147 = arith.constant 6 : i32
      %parallel_loop3A_148 = arith.index_cast %parallel_loop3A_147 : i32 to index
      %parallel_loop3A_149 = arith.index_cast %parallel_loop3A_99 : i32 to index
      %parallel_loop3A_150 = tpu.vector_load %arg9[%parallel_loop3A_148, %parallel_loop3A_149] {strides = array<i32>} : memref<8x2048xf32, #tpu.memory_space<vmem>>, vector<16xf32>,
      tpu.vector_store %arg9[%parallel_loop3A_148, %parallel_loop3A_149], %parallel_loop3A_146 {strides = array<i32>} : memref<8x2048xf32, #tpu.memory_space<vmem>>, vector<16xf32>,
      %parallel_loop3A_151 = arith.constant 7 : i32
      %parallel_loop3A_152 = vector.broadcast %parallel_loop3A_151 : i32 to vector<16xi32>
      %parallel_loop3A_153 = tpu.vector_load_idx %arg7[%parallel_loop3A_152, %parallel_loop3A_101] : memref<8x2048xf32, #tpu.memory_space<vmem>>[vector<16xi32>, vector<16xi32>], vector<16xf32>,
      %parallel_loop3A_154 = arith.constant 7 : i32
      %parallel_loop3A_155 = arith.index_cast %parallel_loop3A_154 : i32 to index
      %parallel_loop3A_156 = arith.index_cast %parallel_loop3A_99 : i32 to index
      %parallel_loop3A_157 = tpu.vector_load %arg9[%parallel_loop3A_155, %parallel_loop3A_156] {strides = array<i32>} : memref<8x2048xf32, #tpu.memory_space<vmem>>, vector<16xf32>,
      tpu.vector_store %arg9[%parallel_loop3A_155, %parallel_loop3A_156], %parallel_loop3A_153 {strides = array<i32>} : memref<8x2048xf32, #tpu.memory_space<vmem>>, vector<16xf32>,
    } {sc.loop_unroll_factor = 8 : i64, sc.parallel_access}
    %add3A_83 = arith.constant 248 : i32
    %add3A_84 = arith.addi %mul3A_2, %add3A_83 : i32
    %dma_start3A_85 = arith.constant 0 : i32
    %dma_start3A_86 = tpu.memref_slice %arg4[%add3A_84, %dma_start3A_85] : memref<8192x2048xf32, #tpu.memory_space<hbm>> -> memref<8x2048xf32, #tpu.memory_space<hbm>>
    %dma_start3A_87 = arith.constant 0 : i32
    %dma_start3A_88 = tpu.memref_slice %arg4[%add3A_84, %dma_start3A_87] : memref<8192x2048xf32, #tpu.memory_space<hbm>> -> memref<8x2048xf32, #tpu.memory_space<hbm>>
    tpu.enqueue_dma source(%arg9 : memref<8x2048xf32, #tpu.memory_space<vmem>>) target(%dma_start3A_88 : memref<8x2048xf32, #tpu.memory_space<hbm>>) target_semaphore(%arg13 : memref<!tpu.dma_semaphore, #tpu.memory_space<semaphore_mem>>)
    %dma_wait3A_89 = arith.constant 0 : i32
    %dma_wait3A_90 = tpu.memref_slice %arg4[%mul3A_2, %dma_wait3A_89] : memref<8192x2048xf32, #tpu.memory_space<hbm>> -> memref<8x2048xf32, #tpu.memory_space<hbm>>
    %dma_wait3A_91 = arith.constant 0 : i32
    %dma_wait3A_92 = tpu.memref_slice %arg4[%mul3A_2, %dma_wait3A_91] : memref<8192x2048xf32, #tpu.memory_space<hbm>> -> memref<8x2048xf32, #tpu.memory_space<hbm>>
    tpu.wait_dma2 semaphore(%arg12 : memref<!tpu.dma_semaphore, #tpu.memory_space<semaphore_mem>>) src(%arg8 : memref<8x2048xf32, #tpu.memory_space<vmem>>) dst(%dma_wait3A_92 : memref<8x2048xf32, #tpu.memory_space<hbm>>)
    %dma_wait3A_93 = arith.constant 0 : i32
    %dma_wait3A_94 = tpu.memref_slice %arg4[%mul3A_2, %dma_wait3A_93] : memref<8192x2048xf32, #tpu.memory_space<hbm>> -> memref<8x2048xf32, #tpu.memory_space<hbm>>
    %dma_wait3A_95 = arith.constant 0 : i32
    %dma_wait3A_96 = tpu.memref_slice %arg4[%mul3A_2, %dma_wait3A_95] : memref<8192x2048xf32, #tpu.memory_space<hbm>> -> memref<8x2048xf32, #tpu.memory_space<hbm>>
    tpu.wait_dma2 semaphore(%arg13 : memref<!tpu.dma_semaphore, #tpu.memory_space<semaphore_mem>>) src(%arg9 : memref<8x2048xf32, #tpu.memory_space<vmem>>) dst(%dma_wait3A_96 : memref<8x2048xf32, #tpu.memory_space<hbm>>)
    return
  }
}

</mosaic_0001>

<sc_bundles>
// kernel: kernel.3.cloned.1.call-start
scs
__scs_entry_jumppad:
0x0: {  	(pc) =	sbr.rel $0x88, $3  }
0x1: {  	(tag) =	ssettag $0x0;
	lr =	simm.s32 $0x1  }
0x2: {  	[smem:$0x3F9F] =	sst lr;
	_ =	strace $0xD0000000  }
0x3: {  	_ = 	snop  }
0x4: {  	_ = 	snop  }
0x5: {  	_ = 	snop  }
0x6: {  	_ = 	snop  }
0x7: {  	_ = 	snop  }
__scs_overlays_trampoline_lowered:
0x8: {  	[smem:$0x3FAE] =	sst s0  }
0x9: {  	[smem:$0x3FAF] =	sst s1  }
0xa: {  	[smem:$0x3FB0] =	sst s2  }
0xb: {  	[smem:$0x3FB1] =	sst s3  }
0xc: {  	[smem:$0x3FB2] =	sst s4  }
0xd: {  	[smem:$0x3FB3] =	sst s5  }
0xe: {  	[smem:$0x3FB4] =	sst s6  }
0xf: {  	[smem:$0x3FB5] =	sst s7  }
0x10: {  	[smem:$0x3FB6] =	sst s8  }
0x11: {  	[smem:$0x3FB7] =	sst s9;
	s0 =	simm.s32 @!p0 $0x0  }
0x12: {  	s1 =	sld [smem:$0x3F9D];
	s0 =	simm.s32 @p0 $0x1  }
0x13: {  	[smem:$0x3FB8] =	sst s0;
	s0 =	simm.s32 @!p1 $0x0  }
0x14: {  	s2 =	sld [smem:$0x3F9C];
	s0 =	simm.s32 @p1 $0x1  }
0x15: {  	[smem:$0x3FB9] =	sst s0;
	s0 =	simm.s32 @!p2 $0x0  }
0x16: {  	s3 =	sld [smem:$0x3FDB];
	s0 =	simm.s32 @p2 $0x1  }
0x17: {  	s4 =	simm.s32 $0x1BF5;
	[smem:$0x3FBB] =	sst s0  }
0x18: {  	s0 =	sld [smem:$0x3F9E];
	_ =	swait.ge [sflag:s4], $0x0  }
0x19: {  	s7 =	sld [smem:$0x3F9F]  }
0x1a: {  	s8 =	sadd.s32 $0xFFFFE003, lr  }
0x1b: {  	s9 =	sadd.s32 $0xFFFFFEF7, lr;
	s5 =	simm.s32 $0xFFFFFFFF;
	p2 =	slt.u32 s8, $0xFFFFF086  }
0x1c: {  	p1 =	slt.u32 s9, $0xF7A;
	s5 =	simm.s32 @!p2 $0x0  }
0x1d: {  	s5 =	simm.s32 @p1 $0x1;
	p0 =	seq.s32 s7, s2  }
0x1e: {  	s7 =	smul.u32 @!p0 $0xF7A, s2;
	p2 =	seq.s32 @!p0 s5, $0x0  }
0x1f: {  	s9 =	smul.u32 $0xF7A, s1;
	s8 =	simm.s32 @!p0 $0x1BF5;
	p2 =	por !p2, p0  }
0x20: {  	[sflag:s8] =	ssyncset.s32 @!p0 $0xFFFFF086;
	s6 =	sadd.s32 @!p0 s3, s7;
	s7 =	simm.s32 @!p0 $0x108  }
0x21: {  	s3 =	sadd.s32 s3, s9;
	s6 =	sadd.s32 @!p0 $0x88, s6;
	s7 =	simm.s32 @p2 $0x1082  }
0x22: {  	[simem:s7], [sflag:s8] =	dma.local @!p0 [hbm:s6], $0xF7A  }
0x23: {  	s9 =	sor.u32 $0xD0000000, s2;
	s6 =	simm.s32 $0x108;
	_ =	swait.ge @!p0 [sflag:s8], $0x0  }
0x24: {  	s3 =	sadd.s32 $0x88, s3;
	s6 =	simm.s32 @!p1 $0x1082;
	[sflag:s4] =	ssyncset.s32 $0xFFFFF086  }
0x25: {  	[simem:s6], [sflag:s4] =	dma.local [hbm:s3], $0xF7A  }
0x26: {  	[smem:$0x3F9F] =	sst s1;
	(tag) =	ssettag s2;
	_ =	strace s9  }
0x27: {  	s1 =	sld [smem:$0x3FAF]  }
0x28: {  	s2 =	sld [smem:$0x3FB0]  }
0x29: {  	s4 =	sld [smem:$0x3FB2]  }
0x2a: {  	p0 =	seq.s32 s5, $0x0;
	s5 =	sld [smem:$0x3FB3]  }
0x2b: {  	s6 =	sld [smem:$0x3FB4]  }
0x2c: {  	s7 =	sld [smem:$0x3FB5]  }
0x2d: {  	s3 =	simm.s32 $0x108;
	s8 =	sld [smem:$0x3FB6]  }
0x2e: {  	s3 =	simm.s32 @!p0 $0x1082;
	s9 =	sld [smem:$0x3FB7]  }
0x2f: {  	lr =	sadd.s32 s0, s3;
	s0 =	sld [smem:$0x3FAE]  }
0x30: {  	s3 =	sld [smem:$0x3FB1]  }
0x31: {  	[smem:$0x3FBA] =	sst s10  }
0x32: {  	s10 =	sld [smem:$0x3FB8];
	_ =	sdelay $0x3  }
0x33: {  	p0 =	seq.s32 s10, $0x1;
	s10 =	sld [smem:$0x3FBA];
	_ =	sdelay $0x3  }
0x34: {  	[smem:$0x3FBA] =	sst s10  }
0x35: {  	s10 =	sld [smem:$0x3FB9];
	_ =	sdelay $0x3  }
0x36: {  	p1 =	seq.s32 s10, $0x1;
	s10 =	sld [smem:$0x3FBA];
	_ =	sdelay $0x3  }
0x37: {  	[smem:$0x3FBA] =	sst s10  }
0x38: {  	s10 =	sld [smem:$0x3FBB]  }
0x39: {  	_ = 	snop;
	(pc) =	sbr.ind lr, $3  }
0x3a: {  	_ = 	snop  }
0x3b: {  	_ = 	snop  }
0x3c: {  	p2 =	seq.s32 s10, $0x1;
	s10 =	sld [smem:$0x3FBA]  }
0x3d: {  	_ =	shalt  }
0x3e: {  	_ =	shalt  }
0x3f: {  	_ =	shalt  }
0x40: {  	_ =	shalt  }
0x41: {  	_ =	shalt  }
0x42: {  	_ =	shalt  }
0x43: {  	_ =	shalt  }
0x44: {  	_ =	shalt  }
0x45: {  	_ =	shalt  }
0x46: {  	_ =	shalt  }
0x47: {  	_ =	shalt  }
0x48: {  	_ =	shalt  }
0x49: {  	_ =	shalt  }
0x4a: {  	_ =	shalt  }
0x4b: {  	_ =	shalt  }
0x4c: {  	_ =	shalt  }
0x4d: {  	_ =	shalt  }
0x4e: {  	_ =	shalt  }
0x4f: {  	_ =	shalt  }
0x50: {  	_ =	shalt  }
0x51: {  	_ =	shalt  }
0x52: {  	_ =	shalt  }
0x53: {  	_ =	shalt  }
0x54: {  	_ =	shalt  }
0x55: {  	_ =	shalt  }
0x56: {  	_ =	shalt  }
0x57: {  	_ =	shalt  }
0x58: {  	_ =	shalt  }
0x59: {  	_ =	shalt  }
0x5a: {  	_ =	shalt  }
0x5b: {  	_ =	shalt  }
0x5c: {  	_ =	shalt  }
0x5d: {  	_ =	shalt  }
0x5e: {  	_ =	shalt  }
0x5f: {  	_ =	shalt  }
0x60: {  	_ =	shalt  }
0x61: {  	_ =	shalt  }
0x62: {  	_ =	shalt  }
0x63: {  	_ =	shalt  }
0x64: {  	_ =	shalt  }
0x65: {  	_ =	shalt  }
0x66: {  	_ =	shalt  }
0x67: {  	_ =	shalt  }
0x68: {  	_ =	shalt  }
0x69: {  	_ =	shalt  }
0x6a: {  	_ =	shalt  }
0x6b: {  	_ =	shalt  }
0x6c: {  	_ =	shalt  }
0x6d: {  	_ =	shalt  }
0x6e: {  	_ =	shalt  }
0x6f: {  	_ =	shalt  }
0x70: {  	_ =	shalt  }
0x71: {  	_ =	shalt  }
0x72: {  	_ =	shalt  }
0x73: {  	_ =	shalt  }
0x74: {  	_ =	shalt  }
0x75: {  	_ =	shalt  }
0x76: {  	_ =	shalt  }
0x77: {  	_ =	shalt  }
0x78: {  	_ =	shalt  }
0x79: {  	_ =	shalt  }
0x7a: {  	_ =	shalt  }
0x7b: {  	_ =	shalt  }
0x7c: {  	_ =	shalt  }
0x7d: {  	_ =	shalt  }
0x7e: {  	_ =	shalt  }
0x7f: {  	_ =	shalt  }
0x80: {  	_ =	shalt  }
0x81: {  	_ =	shalt  }
0x82: {  	_ =	shalt  }
0x83: {  	_ =	shalt  }
0x84: {  	_ =	shalt  }
0x85: {  	_ =	shalt  }
0x86: {  	_ =	shalt  }
0x87: {  	_ =	shalt  }
.Lfunc_end0:
.L_simem_size_0:
called_computation_lowered:
.L_overlay_start_0:
0x88: {  	s2 =	sld [smem:$0x3FD9]  }
0x89: {  	s3 =	sld [smem:$0x3FFE];
	_ =	sdelay $0x1  }
0x8a: {  	s1 =	srdreg.scid  }
0x8b: {  	s0 =	sand.u32 $0x1, s1  }
0x8c: {  	s18 =	sshll.u32 s0, $0xA;
	s2 =	sadd.s32 s3, s2  }
0x8d: {  	s2 =	sadd.s32 s2, s18  }
0x8e: {  	[smem:$0x3FC6] =	sst s2  }
0x8f: {  	_ = 	snop  }
0x90: {  	s2 =	sld [smem:$0x3FC9]  }
0x91: {  	s19 =	sld [smem:$0x3FC8]  }
0x92: {  	s4 =	sld [smem:$0x3FD0];
	(tm) =	ssettm $0x1  }
0x93: {  	s5 =	sld [smem:$0x3FFB];
	_ =	sdelay $0x3  }
0x94: {  	_ =	strace s5  }
0x95: {  	s5 =	sld [smem:$0x3FFC];
	_ =	sdelay $0x3  }
0x96: {  	_ =	strace s5  }
0x97: {  	s5 =	sld [smem:$0x3FFD];
	_ =	sdelay $0x3  }
0x98: {  	_ =	strace s5  }
0x99: {  	_ =	strace $0x8FFFFFFF  }
0x9a: {  	s20 =	sld [smem:$0x3FDB];
	_ =	sdelay $0x1  }
0x9b: {  	s6 =	simm.s32 $_scs_section_size  }
0x9c: {  	s7 =	simm.s32 $_size__tile_overlayer_lowered;
	s8 =	simm.s32 $_tile_overlayer_lowered  }
0x9d: {  	s23 =	simm.s32 $0x1BFF;
	s22 =	sshll.u32 s8, $0x1;
	s5 =	sadd.s32 s6, s20  }
0x9e: {  	s9 =	simm.s32 $0x0;
	s21 =	sshll.u32 s7, $0x1;
	s7 =	sadd.s32 s22, s5  }
0x9f: {  	[timem:s9], [sflag:s23] =	dma.local [hbm:s7], s21  }
0xa0: {  	_ =	swait.ge [sflag:s23], s21  }
0xa1: {  	s6 =	ssub.s32 $0x0, s21;
	[sflag:s23] =	ssyncset.done $0x0  }
0xa2: {  	[sflag:s23] =	ssyncadd.s32 s6;
	_ =	sdelay $0x1  }
0xa3: {  	s24 =	simm.s32 $0x1B8B  }
0xa4: {  	_ =	swait.ge [sflag:s24], $0x1  }
0xa5: {  	[sflag:s24] =	ssyncset.done $0x0  }
0xa6: {  	s25 =	simm.s32 $0x1B8E;
	[sflag:s24] =	ssyncadd.s32 $0xFFFFFFFF  }
0xa7: {  	s26 =	simm.s32 $execute0_lowered;
	[smem:$0x3FD2] =	sst s25  }
0xa8: {  	s6 =	sshll.u32 s26, $0x1;
	_ =	strace $0x80000046;
	[dreg:$0x1] =	wrdreg $0xFFFFFFFF  }
0xa9: {  	s28 =	simm.s32 $_size_execute0_lowered;
	s5 =	sadd.s32 s5, s6;
	[dreg:$0x0] =	wrdreg $0x0  }
0xaa: {  	s6 =	sshll.u32 s28, $0x1;
	[dreg:$0x2] =	wrdreg s5  }
0xab: {  	[dreg:$0x3] =	wrdreg s6  }
0xac: {  	[dreg:$0x4] =	wrdreg $0xC0  }
0xad: {  	_ =	task [dreg:s9], $0x5FFFF  }
0xae: {  	[dreg:$0x1] =	wrdreg $0xFFFFFFFF  }
0xaf: {  	[dreg:$0x0] =	wrdreg $0x60  }
0xb0: {  	[dreg:$0x2] =	wrdreg s2  }
0xb1: {  	[dreg:$0x3] =	wrdreg s19  }
0xb2: {  	[dreg:$0x4] =	wrdreg s4  }
0xb3: {  	[dreg:$0x5] =	wrdreg $0x9  }
0xb4: {  	_ =	task.clear_ibuf [dreg:s9], $0x6FFFF;
	_ =	strace $0x90000046  }
0xb5: {  	s29 =	simm.s32 $0x9;
	_ =	strace $0x80000048  }
0xb6: {  	_ =	swait.ge [sflag:s29], $0x1  }
0xb7: {  	[sflag:s29] =	ssyncadd.s32 $0xFFFFFFFF  }
0xb8: {  	_ =	strace $0x90000048  }
0xb9: {  	_ =	sfence  }
0xba: {  	s30 =	sld [smem:$0x0];
	_ =	sdelay $0x2  }
0xbb: {  	s31 =	sshll.u32 s1, $0xD;
	s1 =	sshrl.u32 s1, $0x2  }
0xbc: {  	s3 =	sand.u32 $0x4000, s31;
	s1 =	sadd.s32 s1, s30  }
0xbd: {  	s0 =	sor.u32 s3, s0;
	s1 =	sshll.u32 s1, $0x11  }
0xbe: {  	s0 =	sor.u32 s1, s0  }
0xbf: {  	s0 =	sadd.s32 $0x8F2B, s0  }
0xc0: {  	[sflag:s0] =	ssyncadd.remote.s32 $0x1  }
0xc1: {  	_ =	sfence.sel $0xFFFF  }
0xc2: {  	[dreg:$0x0] =	wrdreg $0xFFFFFFFF;
	(pc) =	sbr.abs _section_cstart, $3  }
0xc3: {  	[dreg:$0x1] =	wrdreg $0xFFFFFFFF  }
0xc4: {  	_ =	task.clear_ibuf [dreg:s9], $0x2FFFF;
	_ =	strace $0x9FFFFFFF  }
0xc5: {  	(tm) =	ssettm $0x7FFFFFFF  }
tec
execute0_lowered:
.L_overlay_start_1:
0x0: {  	(tag) =	ssettag $0x1  }
0x1: {  	s2 =	rddreg [dreg:$0x0];
	s0 =	srdreg.scid  }
0x2: {  	s4 =	rddreg [dreg:$0x2];
	s1 =	stileid.u32  }
0x3: {  	s5 =	simm.s32 $0x0;
	s18 =	simm.s32 $0x800;
	s19 =	simm.s32 $0x4800  }
0x4: {  	s20 =	simm.s32 $0x5;
	s21 =	simm.s32 $0x1;
	s22 =	simm.s32 $0x8800  }
0x5: {  	s23 =	simm.s32 $0x2;
	s24 =	simm.s32 $0xC800;
	s25 =	simm.s32 $0x3  }
0x6: {  	s26 =	simm.s32 $0x4;
	s28 =	simm.s32 $0x0;
	s0 =	sand.u32 $0x1, s0  }
0x7: {  	s1 =	sshll.u32 s1, $0x9;
	s3 =	sshll.u32 s0, $0x8;
	s0 =	ssub.s32 $0x2, s0  }
0x8: {  	[smem:$0x7FF] =	sst s5;
	s6 =	sor.u32 s3, s1;
	s30 =	sshrl.u32 s0, $0x1  }
0x9: {  	_ =	strace $0x80000047;
	s3 =	sshll.u32 s6, $0x8;
	s0 =	ssub.s32 s0, s30  }
0xa: {  	s13 =	sor.u32 $0x10, s6;
	s14 =	sor.u32 $0x18, s6;
	s31 =	sor.u32 $0x800, s3  }
0xb: {  	s7 =	sadd.s32 s2, s3;
	s9 =	sadd.s32 s4, s3;
	s17 =	smax.u32 s0, $0x1  }
0xc: {  	s8 =	sadd.s32 s2, s31;
	s10 =	sadd.s32 $0x1000, s7;
	s11 =	sadd.s32 s4, s31  }
0xd: {  	s12 =	sadd.s32 $0x1800, s7;
	s15 =	sadd.s32 $0xF000, s9;
	s16 =	sadd.s32 $0xF800, s9  }
.LBB2_1:
0xe: {  	[tilespmem:s18], [sflag:$0x1] =	stream.linear.gather [hbm4b:s7+s5], $0x4000, $0x38;
	[tilespmem:$0x10800] =	vst v63  }
0xf: {  	_ = 	snop  }
0x10: {  	[tilespmem:s19], [sflag:$0x2] =	stream.linear.gather [hbm4b:s8+s5], $0x4000, $0x38;
	[tilespmem:$0x10800] =	vst v63  }
0x11: {  	s0 =	rddreg [dreg:$0x1]  }
0x12: {  	[tilespmem:s5], [sflag:$0x5] =	stream.linear.gather [hbm4b:s0+s5], $0x800, $0x38;
	[tilespmem:$0x10800] =	vst v63  }
0x13: {  	_ =	swait.ge [sflag:s20], $0x800  }
0x14: {  	[sflag:s20] =	ssyncset.done $0x0  }
0x15: {  	[sflag:s20] =	ssyncadd.s32 $0xFFFFF800  }
0x16: {  	_ =	swait.ge [sflag:s21], $0x4000  }
0x17: {  	[sflag:s21] =	ssyncset.done $0x0  }
0x18: {  	s31 =	simm.s32 $0x40;
	[sflag:s21] =	ssyncadd.s32 $0xFFFFC000  }
0x19: {  	v0 =	vld [tilespmem:s31+$0x30];
	_ =	sdelay $0x3  }
0x1a: {  	v1 =	vld [tilespmem:s31+$0xFFFFFFD0]  }
0x1b: {  	v2 =	vshll.u32 v0, $0x3  }
0x1c: {  	v3 =	vld [tilespmem:s31+$0xFFFFFFE0];
	v0 =	vand.u32 $0x7F, v0;
	v2 =	vand.u32 $0xFFFFFC00, v2  }
0x1d: {  	v5 =	vld [tilespmem:s31+$0xFFFFFFC0];
	v4 =	vor.u32 v0, v2;
	_ =	sdelay $0x1  }
0x1e: {  	v2 =	vld [tilespmem:s31+$0xFFFFFFF0];
	v0 =	vshll.u32 v1, $0x3  }
0x1f: {  	v7 =	vld [tilespmem:s31+$0x10];
	v1 =	vand.u32 $0x7F, v1;
	v8 =	vand.u32 $0xFFFFFC00, v0  }
0x20: {  	v6 =	vld [tilespmem:s31+$0x0];
	v0 =	vshll.u32 v3, $0x3;
	v1 =	vor.u32 v1, v8  }
0x21: {  	v11 =	vor.u32 $0x80, v4;
	v9 =	vand.u32 $0xFFFFFC00, v0;
	v0 =	vshll.u32 v5, $0x3;
	v10 =	vld.idx.msk [tilespmem:v4+s18+$0x0], $0xffff  }
0x22: {  	v12 =	vld [tilespmem:s31+$0x20];
	v3 =	vand.u32 $0x7F, v3;
	v5 =	vand.u32 $0x7F, v5;
	v0 =	vand.u32 $0xFFFFFC00, v0  }
0x23: {  	v0 =	vor.u32 v5, v0;
	v13 =	vshll.u32 v2, $0x3;
	v8 =	vand.u32 $0x7F, v2  }
0x24: {  	v2 =	vor.u32 v3, v9;
	v9 =	vshll.u32 v7, $0x3;
	v5 =	vand.u32 $0xFFFFFC00, v13  }
0x25: {  	s29 =	simm.s32 $0x8A00;
	v13 =	vshll.u32 v6, $0x3;
	v3 =	vor.u32 v8, v5;
	v5 =	vand.u32 $0xFFFFFC00, v9;
	v9 =	vld.idx.msk [tilespmem:v1+s18+$0x0], $0xffff  }
0x26: {  	v15 =	vor.u32 $0x80, v1;
	v6 =	vand.u32 $0x7F, v6;
	v13 =	vand.u32 $0xFFFFFC00, v13;
	[tilespmem:s29+$0xFFFFFE70] =	vst v10  }
0x27: {  	v7 =	vand.u32 $0x7F, v7;
	v8 =	vshll.u32 v12, $0x3;
	v10 =	vor.u32 v6, v13;
	v6 =	vld.idx.msk [tilespmem:v11+s18+$0x0], $0xffff  }
0x28: {  	v11 =	vor.u32 v7, v5;
	v5 =	vld.idx.msk [tilespmem:v0+s18+$0x0], $0xffff;
	v7 =	vand.u32 $0xFFFFFC00, v8;
	v8 =	vand.u32 $0x7F, v12  }
0x29: {  	v13 =	vor.u32 $0x100, v4;
	v12 =	vor.u32 v8, v7;
	v7 =	vld.idx.msk [tilespmem:v2+s18+$0x0], $0xffff  }
0x2a: {  	v8 =	vor.u32 $0x80, v0;
	v14 =	vld.idx.msk [tilespmem:v3+s18+$0x0], $0xffff;
	[tilespmem:s29+$0xFFFFFE10] =	vst v9  }
0x2b: {  	v15 =	vld.idx.msk [tilespmem:v15+s18+$0x0], $0xffff  }
0x2c: {  	v17 =	vor.u32 $0x80, v2;
	v16 =	vld.idx.msk [tilespmem:v10+s18+$0x0], $0xffff  }
0x2d: {  	v18 =	vld.idx.msk [tilespmem:v11+s18+$0x0], $0xffff;
	[tilespmem:s29+$0xFFFFFEF0] =	vst v6;
	v6 =	vor.u32 $0x80, v3  }
0x2e: {  	[tilespmem:s29+$0xFFFFFE00] =	vst v5;
	v5 =	vld.idx.msk [tilespmem:v13+s18+$0x0], $0xffff;
	v13 =	vor.u32 $0x80, v10  }
0x2f: {  	v19 =	vor.u32 $0x80, v11;
	v8 =	vld.idx.msk [tilespmem:v8+s18+$0x0], $0xffff;
	[tilespmem:s29+$0xFFFFFE20] =	vst v7  }
0x30: {  	v9 =	vld.idx.msk [tilespmem:v12+s18+$0x0], $0xffff;
	v7 =	vor.u32 $0x180, v4;
	[tilespmem:s29+$0xFFFFFE30] =	vst v14  }
0x31: {  	v14 =	vor.u32 $0x80, v12;
	v17 =	vld.idx.msk [tilespmem:v17+s18+$0x0], $0xffff;
	[tilespmem:s29+$0xFFFFFE40] =	vst v16  }
0x32: {  	v16 =	vor.u32 $0x100, v0;
	v6 =	vld.idx.msk [tilespmem:v6+s18+$0x0], $0xffff;
	[tilespmem:s29+$0xFFFFFE50] =	vst v18  }
0x33: {  	v18 =	vor.u32 $0x100, v1;
	v13 =	vld.idx.msk [tilespmem:v13+s18+$0x0], $0xffff;
	[tilespmem:s29+$0xFFFFFF70] =	vst v5  }
0x34: {  	v5 =	vor.u32 $0x100, v2;
	[tilespmem:s29+$0xFFFFFE80] =	vst v8;
	v8 =	vld.idx.msk [tilespmem:v19+s18+$0x0], $0xffff  }
0x35: {  	[tilespmem:s29+$0xFFFFFE60] =	vst v9;
	v9 =	vor.u32 $0x100, v3;
	v7 =	vld.idx.msk [tilespmem:v7+s18+$0x0], $0xffff  }
0x36: {  	[tilespmem:s29+$0xFFFFFE90] =	vst v15;
	v19 =	vor.u32 $0x100, v10;
	v14 =	vld.idx.msk [tilespmem:v14+s18+$0x0], $0xffff  }
0x37: {  	[tilespmem:s29+$0xFFFFFEA0] =	vst v17;
	v17 =	vor.u32 $0x100, v11;
	v16 =	vld.idx.msk [tilespmem:v16+s18+$0x0], $0xffff  }
0x38: {  	v15 =	vor.u32 $0x200, v4;
	v18 =	vld.idx.msk [tilespmem:v18+s18+$0x0], $0xffff;
	[tilespmem:s29+$0xFFFFFEB0] =	vst v6  }
0x39: {  	v6 =	vor.u32 $0x100, v12;
	v5 =	vld.idx.msk [tilespmem:v5+s18+$0x0], $0xffff;
	[tilespmem:s29+$0xFFFFFEC0] =	vst v13  }
0x3a: {  	v13 =	vor.u32 $0x180, v0;
	v9 =	vld.idx.msk [tilespmem:v9+s18+$0x0], $0xffff;
	[tilespmem:s29+$0xFFFFFED0] =	vst v8  }
0x3b: {  	[tilespmem:s29+$0xFFFFFFF0] =	vst v7;
	v7 =	vor.u32 $0x180, v1;
	v19 =	vld.idx.msk [tilespmem:v19+s18+$0x0], $0xffff  }
0x3c: {  	[tilespmem:s29+$0xFFFFFEE0] =	vst v14;
	v14 =	vld.idx.msk [tilespmem:v17+s18+$0x0], $0xffff;
	v17 =	vor.u32 $0x180, v3  }
0x3d: {  	v8 =	vld.idx.msk [tilespmem:v15+s18+$0x0], $0xffff;
	v15 =	vor.u32 $0x180, v2;
	[tilespmem:s29+$0xFFFFFF00] =	vst v16  }
0x3e: {  	v16 =	vor.u32 $0x280, v4;
	[tilespmem:s29+$0xFFFFFF10] =	vst v18;
	v6 =	vld.idx.msk [tilespmem:v6+s18+$0x0], $0xffff  }
0x3f: {  	v18 =	vor.u32 $0x180, v10;
	v13 =	vld.idx.msk [tilespmem:v13+s18+$0x0], $0xffff;
	[tilespmem:s29+$0xFFFFFF20] =	vst v5  }
0x40: {  	v5 =	vor.u32 $0x180, v11;
	[tilespmem:s29+$0xFFFFFF30] =	vst v9;
	v7 =	vld.idx.msk [tilespmem:v7+s18+$0x0], $0xffff  }
0x41: {  	v9 =	vor.u32 $0x180, v12;
	[tilespmem:s29+$0xFFFFFF40] =	vst v19;
	v17 =	vld.idx.msk [tilespmem:v17+s18+$0x0], $0xffff  }
0x42: {  	v15 =	vld.idx.msk [tilespmem:v15+s18+$0x0], $0xffff;
	[tilespmem:s29+$0x70] =	vst v8;
	v8 =	vor.u32 $0x200, v0  }
0x43: {  	v19 =	vor.u32 $0x200, v1;
	[tilespmem:s29+$0xFFFFFF50] =	vst v14;
	v16 =	vld.idx.msk [tilespmem:v16+s18+$0x0], $0xffff  }
0x44: {  	v14 =	vld.idx.msk [tilespmem:v18+s18+$0x0], $0xffff;
	[tilespmem:s29+$0xFFFFFF60] =	vst v6;
	v6 =	vor.u32 $0x300, v4  }
0x45: {  	v18 =	vor.u32 $0x200, v2;
	[tilespmem:s29+$0xFFFFFF80] =	vst v13;
	v5 =	vld.idx.msk [tilespmem:v5+s18+$0x0], $0xffff  }
0x46: {  	v13 =	vor.u32 $0x200, v3;
	[tilespmem:s29+$0xFFFFFF90] =	vst v7;
	v7 =	vld.idx.msk [tilespmem:v9+s18+$0x0], $0xffff  }
0x47: {  	v9 =	vor.u32 $0x200, v10;
	v8 =	vld.idx.msk [tilespmem:v8+s18+$0x0], $0xffff;
	[tilespmem:s29+$0xFFFFFFA0] =	vst v15  }
0x48: {  	v15 =	vor.u32 $0x200, v11;
	v19 =	vld.idx.msk [tilespmem:v19+s18+$0x0], $0xffff;
	[tilespmem:s29+$0xF0] =	vst v16  }
0x49: {  	[tilespmem:s29+$0xFFFFFFB0] =	vst v17;
	v16 =	vor.u32 $0x200, v12;
	v6 =	vld.idx.msk [tilespmem:v6+s18+$0x0], $0xffff  }
0x4a: {  	v17 =	vor.u32 $0x280, v0;
	v18 =	vld.idx.msk [tilespmem:v18+s18+$0x0], $0xffff;
	[tilespmem:s29+$0xFFFFFFC0] =	vst v14  }
0x4b: {  	v4 =	vor.u32 $0x380, v4;
	v13 =	vld.idx.msk [tilespmem:v13+s18+$0x0], $0xffff;
	[tilespmem:s29+$0xFFFFFFD0] =	vst v5  }
0x4c: {  	v5 =	vor.u32 $0x280, v1;
	v9 =	vld.idx.msk [tilespmem:v9+s18+$0x0], $0xffff;
	[tilespmem:s29+$0xFFFFFFE0] =	vst v7  }
0x4d: {  	v7 =	vor.u32 $0x280, v2;
	[tilespmem:s29+$0x0] =	vst v8;
	v8 =	vld.idx.msk [tilespmem:v15+s18+$0x0], $0xffff  }
0x4e: {  	v14 =	vor.u32 $0x280, v3;
	[tilespmem:s29+$0x10] =	vst v19;
	v15 =	vld.idx.msk [tilespmem:v16+s18+$0x0], $0xffff  }
0x4f: {  	v16 =	vor.u32 $0x280, v10;
	v17 =	vld.idx.msk [tilespmem:v17+s18+$0x0], $0xffff;
	[tilespmem:s29+$0x170] =	vst v6  }
0x50: {  	v6 =	vor.u32 $0x280, v11;
	[tilespmem:s29+$0x20] =	vst v18;
	v4 =	vld.idx.msk [tilespmem:v4+s18+$0x0], $0xffff  }
0x51: {  	v18 =	vor.u32 $0x280, v12;
	v5 =	vld.idx.msk [tilespmem:v5+s18+$0x0], $0xffff;
	[tilespmem:s29+$0x30] =	vst v13  }
0x52: {  	v13 =	vor.u32 $0x300, v0;
	v7 =	vld.idx.msk [tilespmem:v7+s18+$0x0], $0xffff;
	[tilespmem:s29+$0x40] =	vst v9  }
0x53: {  	v9 =	vor.u32 $0x300, v1;
	v19 =	vld.idx.msk [tilespmem:v14+s18+$0x0], $0xffff;
	[tilespmem:s29+$0x50] =	vst v8  }
0x54: {  	v20 =	vor.u32 $0x300, v2;
	v21 =	vld.idx.msk [tilespmem:v16+s18+$0x0], $0xffff;
	[tilespmem:s29+$0x60] =	vst v15  }
0x55: {  	v22 =	vor.u32 $0x300, v3;
	[tilespmem:s29+$0x80] =	vst v17;
	v17 =	vld.idx.msk [tilespmem:v6+s18+$0x0], $0xffff  }
0x56: {  	v23 =	vor.u32 $0x300, v10;
	v15 =	vld.idx.msk [tilespmem:v18+s18+$0x0], $0xffff;
	[tilespmem:s29+$0x1F0] =	vst v4  }
0x57: {  	v14 =	vld.idx.msk [tilespmem:v13+s18+$0x0], $0xffff;
	[tilespmem:s29+$0x90] =	vst v5  }
0x58: {  	v13 =	vld.idx.msk [tilespmem:v9+s18+$0x0], $0xffff;
	[tilespmem:s29+$0xA0] =	vst v7  }
0x59: {  	v8 =	vor.u32 $0x300, v11;
	v6 =	vor.u32 $0x380, v1;
	v1 =	vor.u32 $0x380, v11;
	[tilespmem:s29+$0xB0] =	vst v19;
	v16 =	vld.idx.msk [tilespmem:v20+s18+$0x0], $0xffff  }
0x5a: {  	v5 =	vor.u32 $0x380, v2;
	v4 =	vor.u32 $0x380, v3;
	v2 =	vor.u32 $0x380, v10;
	v3 =	vld.idx.msk [tilespmem:v22+s18+$0x0], $0xffff;
	[tilespmem:s29+$0xC0] =	vst v21  }
0x5b: {  	s30 =	simm.s32 $0x0;
	s1 =	simm.s32 $0xC0;
	s0 =	simm.s32 $0x8A00;
	v7 =	vor.u32 $0x380, v0;
	v9 =	vor.u32 $0x300, v12;
	v0 =	vor.u32 $0x380, v12;
	v10 =	vld.idx.msk [tilespmem:v23+s18+$0x0], $0xffff;
	[tilespmem:s29+$0xD0] =	vst v17  }
.LBB2_2:
0x5c: {  	v11 =	vld [tilespmem:s1+$0x30];
	s30 =	sadd.s32 $0x8, s30;
	[tilespmem:s29+$0xE0] =	vst v15  }
0x5d: {  	v12 =	vld [tilespmem:s1+$0xFFFFFFD0];
	p0 =	slt.u32 s30, $0x78;
	[tilespmem:s29+$0x100] =	vst v14  }
0x5e: {  	v14 =	vld [tilespmem:s1+$0xFFFFFFE0];
	[tilespmem:s29+$0x110] =	vst v13  }
0x5f: {  	v13 =	vld [tilespmem:s1+$0xFFFFFFF0];
	[tilespmem:s29+$0x120] =	vst v16  }
0x60: {  	v15 =	vld [tilespmem:s1+$0x0];
	[tilespmem:s29+$0x130] =	vst v3  }
0x61: {  	v16 =	vld [tilespmem:s1+$0x10];
	v3 =	vshll.u32 v11, $0x3;
	[tilespmem:s29+$0x140] =	vst v10  }
0x62: {  	v11 =	vand.u32 $0x7F, v11;
	v10 =	vshll.u32 v12, $0x3;
	v17 =	vld [tilespmem:s1+$0x20];
	v3 =	vand.u32 $0xFFFFFC00, v3  }
0x63: {  	v18 =	vld [tilespmem:s1+$0xFFFFFFC0];
	v10 =	vand.u32 $0xFFFFFC00, v10;
	v19 =	vshll.u32 v14, $0x3;
	v3 =	vor.u32 v11, v3  }
0x64: {  	v11 =	vand.u32 $0x7F, v12;
	v12 =	vand.u32 $0xFFFFFC00, v19;
	v19 =	vshll.u32 v13, $0x3;
	v8 =	vld.idx.msk [tilespmem:v8+s18+$0x0], $0xffff  }
0x65: {  	v14 =	vand.u32 $0x7F, v14;
	v19 =	vand.u32 $0xFFFFFC00, v19;
	v20 =	vshll.u32 v15, $0x3;
	v9 =	vld.idx.msk [tilespmem:v9+s18+$0x0], $0xffff  }
0x66: {  	v13 =	vand.u32 $0x7F, v13;
	v20 =	vand.u32 $0xFFFFFC00, v20;
	v21 =	vshll.u32 v16, $0x3;
	v7 =	vld.idx.msk [tilespmem:v7+s18+$0x0], $0xffff  }
0x67: {  	v15 =	vand.u32 $0x7F, v15;
	v21 =	vand.u32 $0xFFFFFC00, v21;
	v22 =	vshll.u32 v17, $0x3;
	v6 =	vld.idx.msk [tilespmem:v6+s18+$0x0], $0xffff  }
0x68: {  	v23 =	vand.u32 $0x7F, v18;
	v18 =	vshll.u32 v18, $0x3;
	v22 =	vand.u32 $0xFFFFFC00, v22;
	v24 =	vld.idx.msk [tilespmem:v3+s18+$0x0], $0xffff  }
0x69: {  	v16 =	vand.u32 $0x7F, v16;
	v17 =	vand.u32 $0x7F, v17;
	v18 =	vand.u32 $0xFFFFFC00, v18;
	v5 =	vld.idx.msk [tilespmem:v5+s18+$0x0], $0xffff  }
0x6a: {  	v25 =	vor.u32 v11, v10;
	v10 =	vor.u32 $0x80, v3;
	v23 =	vor.u32 v23, v18;
	v4 =	vld.idx.msk [tilespmem:v4+s18+$0x0], $0xffff;
	[tilespmem:s29+$0x150] =	vst v8  }
0x6b: {  	v26 =	vor.u32 v14, v12;
	v27 =	vor.u32 v13, v19;
	v28 =	vor.u32 v15, v20;
	[tilespmem:s29+$0x160] =	vst v9  }
0x6c: {  	v21 =	vor.u32 v16, v21;
	v22 =	vor.u32 v17, v22;
	v8 =	vor.u32 $0x80, v23;
	[tilespmem:s29+$0x180] =	vst v7;
	v2 =	vld.idx.msk [tilespmem:v2+s18+$0x0], $0xffff  }
0x6d: {  	v29 =	vor.u32 $0x80, v27;
	v9 =	vor.u32 $0x80, v26;
	v7 =	vor.u32 $0x80, v25;
	s29 =	sadd.s32 $0x400, s29;
	[tilespmem:s0+$0x190] =	vst v6;
	v1 =	vld.idx.msk [tilespmem:v1+s18+$0x0], $0xffff  }
0x6e: {  	v30 =	vor.u32 $0x80, v28;
	v31 =	vor.u32 $0x80, v21;
	v32 =	vor.u32 $0x80, v22;
	[tilespmem:s29+$0xFFFFFE70] =	vst v24;
	v0 =	vld.idx.msk [tilespmem:v0+s18+$0x0], $0xffff  }
0x6f: {  	v33 =	vor.u32 $0x100, v25;
	v34 =	vor.u32 $0x100, v26;
	v24 =	vor.u32 $0x100, v23;
	v6 =	vld.idx.msk [tilespmem:v10+s18+$0x0], $0xffff;
	[tilespmem:s0+$0x1A0] =	vst v5  }
0x70: {  	v35 =	vor.u32 $0x100, v27;
	v36 =	vor.u32 $0x100, v28;
	v37 =	vor.u32 $0x100, v21;
	v5 =	vld.idx.msk [tilespmem:v23+s18+$0x0], $0xffff;
	[tilespmem:s0+$0x1B0] =	vst v4  }
0x71: {  	v39 =	vor.u32 $0x100, v22;
	v38 =	vor.u32 $0x180, v23;
	v10 =	vor.u32 $0x100, v3;
	v4 =	vld.idx.msk [tilespmem:v25+s18+$0x0], $0xffff  }
0x72: {  	v40 =	vor.u32 $0x180, v25;
	v41 =	vor.u32 $0x180, v26;
	v42 =	vor.u32 $0x180, v27;
	v11 =	vld.idx.msk [tilespmem:v26+s18+$0x0], $0xffff;
	[tilespmem:s0+$0x1C0] =	vst v2  }
0x73: {  	v43 =	vor.u32 $0x180, v28;
	v44 =	vor.u32 $0x180, v21;
	v45 =	vor.u32 $0x180, v22;
	v2 =	vld.idx.msk [tilespmem:v27+s18+$0x0], $0xffff;
	[tilespmem:s0+$0x1D0] =	vst v1  }
0x74: {  	v47 =	vor.u32 $0x200, v25;
	v48 =	vor.u32 $0x200, v26;
	v46 =	vor.u32 $0x200, v23;
	v1 =	vld.idx.msk [tilespmem:v28+s18+$0x0], $0xffff;
	[tilespmem:s0+$0x1E0] =	vst v0;
	s0 =	smov.u32 s29  }
0x75: {  	v49 =	vor.u32 $0x200, v27;
	v50 =	vor.u32 $0x200, v28;
	v51 =	vor.u32 $0x200, v21;
	v0 =	vld.idx.msk [tilespmem:v21+s18+$0x0], $0xffff;
	[tilespmem:s29+$0xFFFFFEF0] =	vst v6  }
0x76: {  	v18 =	vor.u32 $0x280, v25;
	v53 =	vor.u32 $0x200, v22;
	v52 =	vor.u32 $0x280, v23;
	[tilespmem:s29+$0xFFFFFE00] =	vst v5;
	v54 =	vld.idx.msk [tilespmem:v10+s18+$0x0], $0xffff  }
0x77: {  	v20 =	vor.u32 $0x280, v26;
	v19 =	vor.u32 $0x280, v27;
	v15 =	vor.u32 $0x280, v28;
	[tilespmem:s29+$0xFFFFFE10] =	vst v4;
	v55 =	vld.idx.msk [tilespmem:v22+s18+$0x0], $0xffff  }
0x78: {  	v57 =	vor.u32 $0x180, v3;
	v17 =	vor.u32 $0x280, v21;
	v16 =	vor.u32 $0x280, v22;
	v56 =	vld.idx.msk [tilespmem:v8+s18+$0x0], $0xffff;
	[tilespmem:s29+$0xFFFFFE20] =	vst v11  }
0x79: {  	v13 =	vor.u32 $0x300, v25;
	v14 =	vor.u32 $0x300, v23;
	v10 =	vor.u32 $0x300, v26;
	v58 =	vld.idx.msk [tilespmem:v7+s18+$0x0], $0xffff;
	[tilespmem:s29+$0xFFFFFE30] =	vst v2  }
0x7a: {  	v12 =	vor.u32 $0x300, v27;
	v11 =	vor.u32 $0x300, v28;
	v8 =	vor.u32 $0x300, v21;
	v59 =	vld.idx.msk [tilespmem:v9+s18+$0x0], $0xffff;
	[tilespmem:s29+$0xFFFFFE40] =	vst v1  }
0x7b: {  	v6 =	vor.u32 $0x380, v25;
	v7 =	vor.u32 $0x380, v23;
	v9 =	vor.u32 $0x300, v22;
	v23 =	vld.idx.msk [tilespmem:v29+s18+$0x0], $0xffff;
	[tilespmem:s29+$0xFFFFFE50] =	vst v0  }
0x7c: {  	v5 =	vor.u32 $0x380, v26;
	v4 =	vor.u32 $0x380, v27;
	v2 =	vor.u32 $0x380, v28;
	v25 =	vld.idx.msk [tilespmem:v30+s18+$0x0], $0xffff;
	[tilespmem:s29+$0xFFFFFF70] =	vst v54  }
0x7d: {  	v1 =	vor.u32 $0x380, v21;
	v0 =	vor.u32 $0x380, v22;
	[tilespmem:s29+$0xFFFFFE60] =	vst v55;
	v21 =	vld.idx.msk [tilespmem:v57+s18+$0x0], $0xffff  }
0x7e: {  	[tilespmem:s29+$0xFFFFFE80] =	vst v56;
	v22 =	vld.idx.msk [tilespmem:v31+s18+$0x0], $0xffff  }
0x7f: {  	v27 =	vor.u32 $0x200, v3;
	[tilespmem:s29+$0xFFFFFE90] =	vst v58;
	v26 =	vld.idx.msk [tilespmem:v32+s18+$0x0], $0xffff  }
0x80: {  	v24 =	vld.idx.msk [tilespmem:v24+s18+$0x0], $0xffff;
	[tilespmem:s29+$0xFFFFFEA0] =	vst v59  }
0x81: {  	v28 =	vld.idx.msk [tilespmem:v33+s18+$0x0], $0xffff;
	[tilespmem:s29+$0xFFFFFEB0] =	vst v23  }
0x82: {  	v23 =	vld.idx.msk [tilespmem:v34+s18+$0x0], $0xffff;
	[tilespmem:s29+$0xFFFFFEC0] =	vst v25  }
0x83: {  	v25 =	vld.idx.msk [tilespmem:v35+s18+$0x0], $0xffff;
	[tilespmem:s29+$0xFFFFFFF0] =	vst v21  }
0x84: {  	[tilespmem:s29+$0xFFFFFED0] =	vst v22;
	v21 =	vld.idx.msk [tilespmem:v27+s18+$0x0], $0xffff  }
0x85: {  	v22 =	vld.idx.msk [tilespmem:v36+s18+$0x0], $0xffff;
	[tilespmem:s29+$0xFFFFFEE0] =	vst v26  }
0x86: {  	v26 =	vor.u32 $0x280, v3;
	[tilespmem:s29+$0xFFFFFF00] =	vst v24;
	v24 =	vld.idx.msk [tilespmem:v37+s18+$0x0], $0xffff  }
0x87: {  	[tilespmem:s29+$0xFFFFFF10] =	vst v28;
	v27 =	vld.idx.msk [tilespmem:v39+s18+$0x0], $0xffff  }
0x88: {  	v28 =	vld.idx.msk [tilespmem:v38+s18+$0x0], $0xffff;
	[tilespmem:s29+$0xFFFFFF20] =	vst v23  }
0x89: {  	v23 =	vld.idx.msk [tilespmem:v40+s18+$0x0], $0xffff;
	[tilespmem:s29+$0xFFFFFF30] =	vst v25  }
0x8a: {  	v25 =	vld.idx.msk [tilespmem:v41+s18+$0x0], $0xffff;
	[tilespmem:s29+$0x70] =	vst v21  }
0x8b: {  	[tilespmem:s29+$0xFFFFFF40] =	vst v22;
	v21 =	vld.idx.msk [tilespmem:v26+s18+$0x0], $0xffff  }
0x8c: {  	v22 =	vld.idx.msk [tilespmem:v42+s18+$0x0], $0xffff;
	[tilespmem:s29+$0xFFFFFF50] =	vst v24  }
0x8d: {  	v26 =	vor.u32 $0x300, v3;
	v24 =	vld.idx.msk [tilespmem:v43+s18+$0x0], $0xffff;
	[tilespmem:s29+$0xFFFFFF60] =	vst v27  }
0x8e: {  	[tilespmem:s29+$0xFFFFFF80] =	vst v28;
	v27 =	vld.idx.msk [tilespmem:v44+s18+$0x0], $0xffff  }
0x8f: {  	[tilespmem:s29+$0xFFFFFF90] =	vst v23;
	v23 =	vld.idx.msk [tilespmem:v45+s18+$0x0], $0xffff  }
0x90: {  	v28 =	vld.idx.msk [tilespmem:v46+s18+$0x0], $0xffff;
	[tilespmem:s29+$0xFFFFFFA0] =	vst v25  }
0x91: {  	v25 =	vld.idx.msk [tilespmem:v47+s18+$0x0], $0xffff;
	[tilespmem:s29+$0xF0] =	vst v21  }
0x92: {  	[tilespmem:s29+$0xFFFFFFB0] =	vst v22;
	v21 =	vld.idx.msk [tilespmem:v26+s18+$0x0], $0xffff  }
0x93: {  	v22 =	vld.idx.msk [tilespmem:v48+s18+$0x0], $0xffff;
	[tilespmem:s29+$0xFFFFFFC0] =	vst v24  }
0x94: {  	v3 =	vor.u32 $0x380, v3;
	v24 =	vld.idx.msk [tilespmem:v49+s18+$0x0], $0xffff;
	[tilespmem:s29+$0xFFFFFFD0] =	vst v27  }
0x95: {  	v26 =	vld.idx.msk [tilespmem:v50+s18+$0x0], $0xffff;
	[tilespmem:s29+$0xFFFFFFE0] =	vst v23  }
0x96: {  	[tilespmem:s29+$0x0] =	vst v28;
	v23 =	vld.idx.msk [tilespmem:v51+s18+$0x0], $0xffff  }
0x97: {  	[tilespmem:s29+$0x10] =	vst v25;
	v25 =	vld.idx.msk [tilespmem:v53+s18+$0x0], $0xffff  }
0x98: {  	v27 =	vld.idx.msk [tilespmem:v52+s18+$0x0], $0xffff;
	[tilespmem:s29+$0x170] =	vst v21  }
0x99: {  	[tilespmem:s29+$0x20] =	vst v22;
	v3 =	vld.idx.msk [tilespmem:v3+s18+$0x0], $0xffff  }
0x9a: {  	v18 =	vld.idx.msk [tilespmem:v18+s18+$0x0], $0xffff;
	[tilespmem:s29+$0x30] =	vst v24  }
0x9b: {  	v20 =	vld.idx.msk [tilespmem:v20+s18+$0x0], $0xffff;
	[tilespmem:s29+$0x40] =	vst v26  }
0x9c: {  	v19 =	vld.idx.msk [tilespmem:v19+s18+$0x0], $0xffff;
	[tilespmem:s29+$0x50] =	vst v23  }
0x9d: {  	v21 =	vld.idx.msk [tilespmem:v15+s18+$0x0], $0xffff;
	[tilespmem:s29+$0x60] =	vst v25  }
0x9e: {  	[tilespmem:s29+$0x80] =	vst v27;
	v17 =	vld.idx.msk [tilespmem:v17+s18+$0x0], $0xffff  }
0x9f: {  	v15 =	vld.idx.msk [tilespmem:v16+s18+$0x0], $0xffff;
	[tilespmem:s29+$0x1F0] =	vst v3  }
.Ltmp0:
0xa0: {  	v14 =	vld.idx.msk [tilespmem:v14+s18+$0x0], $0xffff;
	[tilespmem:s29+$0x90] =	vst v18;
	(pc) =	sbr.rel @p0 .LBB2_2-.Ltmp0, $4  }
0xa1: {  	v13 =	vld.idx.msk [tilespmem:v13+s18+$0x0], $0xffff;
	[tilespmem:s29+$0xA0] =	vst v20  }
0xa2: {  	v16 =	vld.idx.msk [tilespmem:v10+s18+$0x0], $0xffff;
	[tilespmem:s29+$0xB0] =	vst v19  }
0xa3: {  	v3 =	vld.idx.msk [tilespmem:v12+s18+$0x0], $0xffff;
	[tilespmem:s29+$0xC0] =	vst v21  }
0xa4: {  	s1 =	sadd.s32 $0x80, s1;
	v10 =	vld.idx.msk [tilespmem:v11+s18+$0x0], $0xffff;
	[tilespmem:s29+$0xD0] =	vst v17  }
0xa5: {  	_ =	sdelay $0x2  }
0xa6: {  	[tilespmem:s29+$0xE0] =	vst v15  }
0xa7: {  	[tilespmem:s29+$0x100] =	vst v14;
	v8 =	vld.idx.msk [tilespmem:v8+s18+$0x0], $0xffff  }
0xa8: {  	[tilespmem:s29+$0x110] =	vst v13;
	v9 =	vld.idx.msk [tilespmem:v9+s18+$0x0], $0xffff  }
0xa9: {  	v7 =	vld.idx.msk [tilespmem:v7+s18+$0x0], $0xffff;
	[tilespmem:s29+$0x120] =	vst v16  }
0xaa: {  	[tilespmem:s29+$0x130] =	vst v3;
	v3 =	vld.idx.msk [tilespmem:v6+s18+$0x0], $0xffff  }
0xab: {  	v5 =	vld.idx.msk [tilespmem:v5+s18+$0x0], $0xffff;
	[tilespmem:s29+$0x140] =	vst v10  }
0xac: {  	v4 =	vld.idx.msk [tilespmem:v4+s18+$0x0], $0xffff;
	[tilespmem:s29+$0x150] =	vst v8  }
0xad: {  	v2 =	vld.idx.msk [tilespmem:v2+s18+$0x0], $0xffff;
	[tilespmem:s29+$0x160] =	vst v9  }
0xae: {  	[tilespmem:s29+$0x180] =	vst v7;
	v1 =	vld.idx.msk [tilespmem:v1+s18+$0x0], $0xffff  }
0xaf: {  	v0 =	vld.idx.msk [tilespmem:v0+s18+$0x0], $0xffff;
	[tilespmem:s0+$0x190] =	vst v3  }
0xb0: {  	[tilespmem:s0+$0x1A0] =	vst v5  }
0xb1: {  	[tilespmem:s0+$0x1B0] =	vst v4  }
0xb2: {  	[tilespmem:s0+$0x1C0] =	vst v2  }
0xb3: {  	[tilespmem:s0+$0x1D0] =	vst v1  }
0xb4: {  	[tilespmem:s0+$0x1E0] =	vst v0  }
0xb5: {  	[hbm4b:s9+s5] =	stream.linear.scatter [tilespmem:s22], [sflag:$0x3], $0x4000, $0x38;
	[tilespmem:$0x10800] =	vst v63  }
0xb6: {  	_ = 	snop  }
0xb7: {  	[tilespmem:s18], [sflag:$0x1] =	stream.linear.gather [hbm4b:s10+s5], $0x4000, $0x38;
	[tilespmem:$0x10800] =	vst v63  }
0xb8: {  	_ =	swait.ge [sflag:s23], $0x4000  }
0xb9: {  	[sflag:s23] =	ssyncset.done $0x0  }
0xba: {  	s31 =	simm.s32 $0x40;
	[sflag:s23] =	ssyncadd.s32 $0xFFFFC000  }
0xbb: {  	v0 =	vld [tilespmem:s31+$0x30];
	_ =	sdelay $0x3  }
0xbc: {  	v1 =	vld [tilespmem:s31+$0xFFFFFFD0]  }
0xbd: {  	v2 =	vshll.u32 v0, $0x3  }
0xbe: {  	v3 =	vld [tilespmem:s31+$0xFFFFFFE0];
	v0 =	vand.u32 $0x7F, v0;
	v2 =	vand.u32 $0xFFFFFC00, v2  }
0xbf: {  	v5 =	vld [tilespmem:s31+$0xFFFFFFC0];
	v4 =	vor.u32 v0, v2;
	_ =	sdelay $0x1  }
0xc0: {  	v2 =	vld [tilespmem:s31+$0xFFFFFFF0];
	v0 =	vshll.u32 v1, $0x3  }
0xc1: {  	v7 =	vld [tilespmem:s31+$0x10];
	v1 =	vand.u32 $0x7F, v1;
	v8 =	vand.u32 $0xFFFFFC00, v0  }
0xc2: {  	v6 =	vld [tilespmem:s31+$0x0];
	v0 =	vshll.u32 v3, $0x3;
	v1 =	vor.u32 v1, v8  }
0xc3: {  	v11 =	vor.u32 $0x80, v4;
	v9 =	vand.u32 $0xFFFFFC00, v0;
	v0 =	vshll.u32 v5, $0x3;
	v10 =	vld.idx.msk [tilespmem:v4+s19+$0x0], $0xffff  }
0xc4: {  	v12 =	vld [tilespmem:s31+$0x20];
	v3 =	vand.u32 $0x7F, v3;
	v5 =	vand.u32 $0x7F, v5;
	v0 =	vand.u32 $0xFFFFFC00, v0  }
0xc5: {  	v0 =	vor.u32 v5, v0;
	v13 =	vshll.u32 v2, $0x3;
	v8 =	vand.u32 $0x7F, v2  }
0xc6: {  	v2 =	vor.u32 v3, v9;
	v9 =	vshll.u32 v7, $0x3;
	v5 =	vand.u32 $0xFFFFFC00, v13  }
0xc7: {  	s29 =	simm.s32 $0xCA00;
	v13 =	vshll.u32 v6, $0x3;
	v3 =	vor.u32 v8, v5;
	v5 =	vand.u32 $0xFFFFFC00, v9;
	v9 =	vld.idx.msk [tilespmem:v1+s19+$0x0], $0xffff  }
0xc8: {  	v15 =	vor.u32 $0x80, v1;
	v6 =	vand.u32 $0x7F, v6;
	v13 =	vand.u32 $0xFFFFFC00, v13;
	[tilespmem:s29+$0xFFFFFE70] =	vst v10  }
0xc9: {  	v7 =	vand.u32 $0x7F, v7;
	v8 =	vshll.u32 v12, $0x3;
	v10 =	vor.u32 v6, v13;
	v6 =	vld.idx.msk [tilespmem:v11+s19+$0x0], $0xffff  }
0xca: {  	v11 =	vor.u32 v7, v5;
	v5 =	vld.idx.msk [tilespmem:v0+s19+$0x0], $0xffff;
	v7 =	vand.u32 $0xFFFFFC00, v8;
	v8 =	vand.u32 $0x7F, v12  }
0xcb: {  	v13 =	vor.u32 $0x100, v4;
	v12 =	vor.u32 v8, v7;
	v7 =	vld.idx.msk [tilespmem:v2+s19+$0x0], $0xffff  }
0xcc: {  	v8 =	vor.u32 $0x80, v0;
	v14 =	vld.idx.msk [tilespmem:v3+s19+$0x0], $0xffff;
	[tilespmem:s29+$0xFFFFFE10] =	vst v9  }
0xcd: {  	v15 =	vld.idx.msk [tilespmem:v15+s19+$0x0], $0xffff  }
0xce: {  	v17 =	vor.u32 $0x80, v2;
	v16 =	vld.idx.msk [tilespmem:v10+s19+$0x0], $0xffff  }
0xcf: {  	v18 =	vld.idx.msk [tilespmem:v11+s19+$0x0], $0xffff;
	[tilespmem:s29+$0xFFFFFEF0] =	vst v6;
	v6 =	vor.u32 $0x80, v3  }
0xd0: {  	[tilespmem:s29+$0xFFFFFE00] =	vst v5;
	v5 =	vld.idx.msk [tilespmem:v13+s19+$0x0], $0xffff;
	v13 =	vor.u32 $0x80, v10  }
0xd1: {  	v19 =	vor.u32 $0x80, v11;
	v8 =	vld.idx.msk [tilespmem:v8+s19+$0x0], $0xffff;
	[tilespmem:s29+$0xFFFFFE20] =	vst v7  }
0xd2: {  	v9 =	vld.idx.msk [tilespmem:v12+s19+$0x0], $0xffff;
	v7 =	vor.u32 $0x180, v4;
	[tilespmem:s29+$0xFFFFFE30] =	vst v14  }
0xd3: {  	v14 =	vor.u32 $0x80, v12;
	v17 =	vld.idx.msk [tilespmem:v17+s19+$0x0], $0xffff;
	[tilespmem:s29+$0xFFFFFE40] =	vst v16  }
0xd4: {  	v16 =	vor.u32 $0x100, v0;
	v6 =	vld.idx.msk [tilespmem:v6+s19+$0x0], $0xffff;
	[tilespmem:s29+$0xFFFFFE50] =	vst v18  }
0xd5: {  	v18 =	vor.u32 $0x100, v1;
	v13 =	vld.idx.msk [tilespmem:v13+s19+$0x0], $0xffff;
	[tilespmem:s29+$0xFFFFFF70] =	vst v5  }
0xd6: {  	v5 =	vor.u32 $0x100, v2;
	[tilespmem:s29+$0xFFFFFE80] =	vst v8;
	v8 =	vld.idx.msk [tilespmem:v19+s19+$0x0], $0xffff  }
0xd7: {  	[tilespmem:s29+$0xFFFFFE60] =	vst v9;
	v9 =	vor.u32 $0x100, v3;
	v7 =	vld.idx.msk [tilespmem:v7+s19+$0x0], $0xffff  }
0xd8: {  	[tilespmem:s29+$0xFFFFFE90] =	vst v15;
	v19 =	vor.u32 $0x100, v10;
	v14 =	vld.idx.msk [tilespmem:v14+s19+$0x0], $0xffff  }
0xd9: {  	[tilespmem:s29+$0xFFFFFEA0] =	vst v17;
	v17 =	vor.u32 $0x100, v11;
	v16 =	vld.idx.msk [tilespmem:v16+s19+$0x0], $0xffff  }
0xda: {  	v15 =	vor.u32 $0x200, v4;
	v18 =	vld.idx.msk [tilespmem:v18+s19+$0x0], $0xffff;
	[tilespmem:s29+$0xFFFFFEB0] =	vst v6  }
0xdb: {  	v6 =	vor.u32 $0x100, v12;
	v5 =	vld.idx.msk [tilespmem:v5+s19+$0x0], $0xffff;
	[tilespmem:s29+$0xFFFFFEC0] =	vst v13  }
0xdc: {  	v13 =	vor.u32 $0x180, v0;
	v9 =	vld.idx.msk [tilespmem:v9+s19+$0x0], $0xffff;
	[tilespmem:s29+$0xFFFFFED0] =	vst v8  }
0xdd: {  	[tilespmem:s29+$0xFFFFFFF0] =	vst v7;
	v7 =	vor.u32 $0x180, v1;
	v19 =	vld.idx.msk [tilespmem:v19+s19+$0x0], $0xffff  }
0xde: {  	[tilespmem:s29+$0xFFFFFEE0] =	vst v14;
	v14 =	vld.idx.msk [tilespmem:v17+s19+$0x0], $0xffff;
	v17 =	vor.u32 $0x180, v3  }
0xdf: {  	v8 =	vld.idx.msk [tilespmem:v15+s19+$0x0], $0xffff;
	v15 =	vor.u32 $0x180, v2;
	[tilespmem:s29+$0xFFFFFF00] =	vst v16  }
0xe0: {  	v16 =	vor.u32 $0x280, v4;
	[tilespmem:s29+$0xFFFFFF10] =	vst v18;
	v6 =	vld.idx.msk [tilespmem:v6+s19+$0x0], $0xffff  }
0xe1: {  	v18 =	vor.u32 $0x180, v10;
	v13 =	vld.idx.msk [tilespmem:v13+s19+$0x0], $0xffff;
	[tilespmem:s29+$0xFFFFFF20] =	vst v5  }
0xe2: {  	v5 =	vor.u32 $0x180, v11;
	[tilespmem:s29+$0xFFFFFF30] =	vst v9;
	v7 =	vld.idx.msk [tilespmem:v7+s19+$0x0], $0xffff  }
0xe3: {  	v9 =	vor.u32 $0x180, v12;
	[tilespmem:s29+$0xFFFFFF40] =	vst v19;
	v17 =	vld.idx.msk [tilespmem:v17+s19+$0x0], $0xffff  }
0xe4: {  	v15 =	vld.idx.msk [tilespmem:v15+s19+$0x0], $0xffff;
	[tilespmem:s29+$0x70] =	vst v8;
	v8 =	vor.u32 $0x200, v0  }
0xe5: {  	v19 =	vor.u32 $0x200, v1;
	[tilespmem:s29+$0xFFFFFF50] =	vst v14;
	v16 =	vld.idx.msk [tilespmem:v16+s19+$0x0], $0xffff  }
0xe6: {  	v14 =	vld.idx.msk [tilespmem:v18+s19+$0x0], $0xffff;
	[tilespmem:s29+$0xFFFFFF60] =	vst v6;
	v6 =	vor.u32 $0x300, v4  }
0xe7: {  	v18 =	vor.u32 $0x200, v2;
	[tilespmem:s29+$0xFFFFFF80] =	vst v13;
	v5 =	vld.idx.msk [tilespmem:v5+s19+$0x0], $0xffff  }
0xe8: {  	v13 =	vor.u32 $0x200, v3;
	[tilespmem:s29+$0xFFFFFF90] =	vst v7;
	v7 =	vld.idx.msk [tilespmem:v9+s19+$0x0], $0xffff  }
0xe9: {  	v9 =	vor.u32 $0x200, v10;
	v8 =	vld.idx.msk [tilespmem:v8+s19+$0x0], $0xffff;
	[tilespmem:s29+$0xFFFFFFA0] =	vst v15  }
0xea: {  	v15 =	vor.u32 $0x200, v11;
	v19 =	vld.idx.msk [tilespmem:v19+s19+$0x0], $0xffff;
	[tilespmem:s29+$0xF0] =	vst v16  }
0xeb: {  	[tilespmem:s29+$0xFFFFFFB0] =	vst v17;
	v16 =	vor.u32 $0x200, v12;
	v6 =	vld.idx.msk [tilespmem:v6+s19+$0x0], $0xffff  }
0xec: {  	v17 =	vor.u32 $0x280, v0;
	v18 =	vld.idx.msk [tilespmem:v18+s19+$0x0], $0xffff;
	[tilespmem:s29+$0xFFFFFFC0] =	vst v14  }
0xed: {  	v4 =	vor.u32 $0x380, v4;
	v13 =	vld.idx.msk [tilespmem:v13+s19+$0x0], $0xffff;
	[tilespmem:s29+$0xFFFFFFD0] =	vst v5  }
0xee: {  	v5 =	vor.u32 $0x280, v1;
	v9 =	vld.idx.msk [tilespmem:v9+s19+$0x0], $0xffff;
	[tilespmem:s29+$0xFFFFFFE0] =	vst v7  }
0xef: {  	v7 =	vor.u32 $0x280, v2;
	[tilespmem:s29+$0x0] =	vst v8;
	v8 =	vld.idx.msk [tilespmem:v15+s19+$0x0], $0xffff  }
0xf0: {  	v14 =	vor.u32 $0x280, v3;
	[tilespmem:s29+$0x10] =	vst v19;
	v15 =	vld.idx.msk [tilespmem:v16+s19+$0x0], $0xffff  }
0xf1: {  	v16 =	vor.u32 $0x280, v10;
	v17 =	vld.idx.msk [tilespmem:v17+s19+$0x0], $0xffff;
	[tilespmem:s29+$0x170] =	vst v6  }
0xf2: {  	v6 =	vor.u32 $0x280, v11;
	[tilespmem:s29+$0x20] =	vst v18;
	v4 =	vld.idx.msk [tilespmem:v4+s19+$0x0], $0xffff  }
0xf3: {  	v18 =	vor.u32 $0x280, v12;
	v5 =	vld.idx.msk [tilespmem:v5+s19+$0x0], $0xffff;
	[tilespmem:s29+$0x30] =	vst v13  }
0xf4: {  	v13 =	vor.u32 $0x300, v0;
	v7 =	vld.idx.msk [tilespmem:v7+s19+$0x0], $0xffff;
	[tilespmem:s29+$0x40] =	vst v9  }
0xf5: {  	v9 =	vor.u32 $0x300, v1;
	v19 =	vld.idx.msk [tilespmem:v14+s19+$0x0], $0xffff;
	[tilespmem:s29+$0x50] =	vst v8  }
0xf6: {  	v20 =	vor.u32 $0x300, v2;
	v21 =	vld.idx.msk [tilespmem:v16+s19+$0x0], $0xffff;
	[tilespmem:s29+$0x60] =	vst v15  }
0xf7: {  	v22 =	vor.u32 $0x300, v3;
	[tilespmem:s29+$0x80] =	vst v17;
	v17 =	vld.idx.msk [tilespmem:v6+s19+$0x0], $0xffff  }
0xf8: {  	v23 =	vor.u32 $0x300, v10;
	v15 =	vld.idx.msk [tilespmem:v18+s19+$0x0], $0xffff;
	[tilespmem:s29+$0x1F0] =	vst v4  }
0xf9: {  	v14 =	vld.idx.msk [tilespmem:v13+s19+$0x0], $0xffff;
	[tilespmem:s29+$0x90] =	vst v5  }
0xfa: {  	v13 =	vld.idx.msk [tilespmem:v9+s19+$0x0], $0xffff;
	[tilespmem:s29+$0xA0] =	vst v7  }
0xfb: {  	v8 =	vor.u32 $0x300, v11;
	v6 =	vor.u32 $0x380, v1;
	v1 =	vor.u32 $0x380, v11;
	[tilespmem:s29+$0xB0] =	vst v19;
	v16 =	vld.idx.msk [tilespmem:v20+s19+$0x0], $0xffff  }
0xfc: {  	v5 =	vor.u32 $0x380, v2;
	v4 =	vor.u32 $0x380, v3;
	v2 =	vor.u32 $0x380, v10;
	v3 =	vld.idx.msk [tilespmem:v22+s19+$0x0], $0xffff;
	[tilespmem:s29+$0xC0] =	vst v21  }
0xfd: {  	s30 =	simm.s32 $0x0;
	s1 =	simm.s32 $0xC0;
	s0 =	simm.s32 $0xCA00;
	v7 =	vor.u32 $0x380, v0;
	v9 =	vor.u32 $0x300, v12;
	v0 =	vor.u32 $0x380, v12;
	v10 =	vld.idx.msk [tilespmem:v23+s19+$0x0], $0xffff;
	[tilespmem:s29+$0xD0] =	vst v17  }
.LBB2_4:
0xfe: {  	v11 =	vld [tilespmem:s1+$0x30];
	s30 =	sadd.s32 $0x8, s30;
	[tilespmem:s29+$0xE0] =	vst v15  }
0xff: {  	v12 =	vld [tilespmem:s1+$0xFFFFFFD0];
	p0 =	slt.u32 s30, $0x78;
	[tilespmem:s29+$0x100] =	vst v14  }
0x100: {  	v14 =	vld [tilespmem:s1+$0xFFFFFFE0];
	[tilespmem:s29+$0x110] =	vst v13  }
0x101: {  	v13 =	vld [tilespmem:s1+$0xFFFFFFF0];
	[tilespmem:s29+$0x120] =	vst v16  }
0x102: {  	v15 =	vld [tilespmem:s1+$0x0];
	[tilespmem:s29+$0x130] =	vst v3  }
0x103: {  	v16 =	vld [tilespmem:s1+$0x10];
	v3 =	vshll.u32 v11, $0x3;
	[tilespmem:s29+$0x140] =	vst v10  }
0x104: {  	v11 =	vand.u32 $0x7F, v11;
	v10 =	vshll.u32 v12, $0x3;
	v17 =	vld [tilespmem:s1+$0x20];
	v3 =	vand.u32 $0xFFFFFC00, v3  }
0x105: {  	v18 =	vld [tilespmem:s1+$0xFFFFFFC0];
	v10 =	vand.u32 $0xFFFFFC00, v10;
	v19 =	vshll.u32 v14, $0x3;
	v3 =	vor.u32 v11, v3  }
0x106: {  	v11 =	vand.u32 $0x7F, v12;
	v12 =	vand.u32 $0xFFFFFC00, v19;
	v19 =	vshll.u32 v13, $0x3;
	v8 =	vld.idx.msk [tilespmem:v8+s19+$0x0], $0xffff  }
0x107: {  	v14 =	vand.u32 $0x7F, v14;
	v19 =	vand.u32 $0xFFFFFC00, v19;
	v20 =	vshll.u32 v15, $0x3;
	v9 =	vld.idx.msk [tilespmem:v9+s19+$0x0], $0xffff  }
0x108: {  	v13 =	vand.u32 $0x7F, v13;
	v20 =	vand.u32 $0xFFFFFC00, v20;
	v21 =	vshll.u32 v16, $0x3;
	v7 =	vld.idx.msk [tilespmem:v7+s19+$0x0], $0xffff  }
0x109: {  	v15 =	vand.u32 $0x7F, v15;
	v21 =	vand.u32 $0xFFFFFC00, v21;
	v22 =	vshll.u32 v17, $0x3;
	v6 =	vld.idx.msk [tilespmem:v6+s19+$0x0], $0xffff  }
0x10a: {  	v23 =	vand.u32 $0x7F, v18;
	v18 =	vshll.u32 v18, $0x3;
	v22 =	vand.u32 $0xFFFFFC00, v22;
	v24 =	vld.idx.msk [tilespmem:v3+s19+$0x0], $0xffff  }
0x10b: {  	v16 =	vand.u32 $0x7F, v16;
	v17 =	vand.u32 $0x7F, v17;
	v18 =	vand.u32 $0xFFFFFC00, v18;
	v5 =	vld.idx.msk [tilespmem:v5+s19+$0x0], $0xffff  }
0x10c: {  	v25 =	vor.u32 v11, v10;
	v10 =	vor.u32 $0x80, v3;
	v23 =	vor.u32 v23, v18;
	v4 =	vld.idx.msk [tilespmem:v4+s19+$0x0], $0xffff;
	[tilespmem:s29+$0x150] =	vst v8  }
0x10d: {  	v26 =	vor.u32 v14, v12;
	v27 =	vor.u32 v13, v19;
	v28 =	vor.u32 v15, v20;
	[tilespmem:s29+$0x160] =	vst v9  }
0x10e: {  	v21 =	vor.u32 v16, v21;
	v22 =	vor.u32 v17, v22;
	v8 =	vor.u32 $0x80, v23;
	[tilespmem:s29+$0x180] =	vst v7;
	v2 =	vld.idx.msk [tilespmem:v2+s19+$0x0], $0xffff  }
0x10f: {  	v29 =	vor.u32 $0x80, v27;
	v9 =	vor.u32 $0x80, v26;
	v7 =	vor.u32 $0x80, v25;
	s29 =	sadd.s32 $0x400, s29;
	[tilespmem:s0+$0x190] =	vst v6;
	v1 =	vld.idx.msk [tilespmem:v1+s19+$0x0], $0xffff  }
0x110: {  	v30 =	vor.u32 $0x80, v28;
	v31 =	vor.u32 $0x80, v21;
	v32 =	vor.u32 $0x80, v22;
	[tilespmem:s29+$0xFFFFFE70] =	vst v24;
	v0 =	vld.idx.msk [tilespmem:v0+s19+$0x0], $0xffff  }
0x111: {  	v33 =	vor.u32 $0x100, v25;
	v34 =	vor.u32 $0x100, v26;
	v24 =	vor.u32 $0x100, v23;
	v6 =	vld.idx.msk [tilespmem:v10+s19+$0x0], $0xffff;
	[tilespmem:s0+$0x1A0] =	vst v5  }
0x112: {  	v35 =	vor.u32 $0x100, v27;
	v36 =	vor.u32 $0x100, v28;
	v37 =	vor.u32 $0x100, v21;
	v5 =	vld.idx.msk [tilespmem:v23+s19+$0x0], $0xffff;
	[tilespmem:s0+$0x1B0] =	vst v4  }
0x113: {  	v39 =	vor.u32 $0x100, v22;
	v38 =	vor.u32 $0x180, v23;
	v10 =	vor.u32 $0x100, v3;
	v4 =	vld.idx.msk [tilespmem:v25+s19+$0x0], $0xffff  }
0x114: {  	v40 =	vor.u32 $0x180, v25;
	v41 =	vor.u32 $0x180, v26;
	v42 =	vor.u32 $0x180, v27;
	v11 =	vld.idx.msk [tilespmem:v26+s19+$0x0], $0xffff;
	[tilespmem:s0+$0x1C0] =	vst v2  }
0x115: {  	v43 =	vor.u32 $0x180, v28;
	v44 =	vor.u32 $0x180, v21;
	v45 =	vor.u32 $0x180, v22;
	v2 =	vld.idx.msk [tilespmem:v27+s19+$0x0], $0xffff;
	[tilespmem:s0+$0x1D0] =	vst v1  }
0x116: {  	v47 =	vor.u32 $0x200, v25;
	v48 =	vor.u32 $0x200, v26;
	v46 =	vor.u32 $0x200, v23;
	v1 =	vld.idx.msk [tilespmem:v28+s19+$0x0], $0xffff;
	[tilespmem:s0+$0x1E0] =	vst v0;
	s0 =	smov.u32 s29  }
0x117: {  	v49 =	vor.u32 $0x200, v27;
	v50 =	vor.u32 $0x200, v28;
	v51 =	vor.u32 $0x200, v21;
	v0 =	vld.idx.msk [tilespmem:v21+s19+$0x0], $0xffff;
	[tilespmem:s29+$0xFFFFFEF0] =	vst v6  }
0x118: {  	v18 =	vor.u32 $0x280, v25;
	v53 =	vor.u32 $0x200, v22;
	v52 =	vor.u32 $0x280, v23;
	[tilespmem:s29+$0xFFFFFE00] =	vst v5;
	v54 =	vld.idx.msk [tilespmem:v10+s19+$0x0], $0xffff  }
0x119: {  	v20 =	vor.u32 $0x280, v26;
	v19 =	vor.u32 $0x280, v27;
	v15 =	vor.u32 $0x280, v28;
	[tilespmem:s29+$0xFFFFFE10] =	vst v4;
	v55 =	vld.idx.msk [tilespmem:v22+s19+$0x0], $0xffff  }
0x11a: {  	v57 =	vor.u32 $0x180, v3;
	v17 =	vor.u32 $0x280, v21;
	v16 =	vor.u32 $0x280, v22;
	v56 =	vld.idx.msk [tilespmem:v8+s19+$0x0], $0xffff;
	[tilespmem:s29+$0xFFFFFE20] =	vst v11  }
0x11b: {  	v13 =	vor.u32 $0x300, v25;
	v14 =	vor.u32 $0x300, v23;
	v10 =	vor.u32 $0x300, v26;
	v58 =	vld.idx.msk [tilespmem:v7+s19+$0x0], $0xffff;
	[tilespmem:s29+$0xFFFFFE30] =	vst v2  }
0x11c: {  	v12 =	vor.u32 $0x300, v27;
	v11 =	vor.u32 $0x300, v28;
	v8 =	vor.u32 $0x300, v21;
	v59 =	vld.idx.msk [tilespmem:v9+s19+$0x0], $0xffff;
	[tilespmem:s29+$0xFFFFFE40] =	vst v1  }
0x11d: {  	v6 =	vor.u32 $0x380, v25;
	v7 =	vor.u32 $0x380, v23;
	v9 =	vor.u32 $0x300, v22;
	v23 =	vld.idx.msk [tilespmem:v29+s19+$0x0], $0xffff;
	[tilespmem:s29+$0xFFFFFE50] =	vst v0  }
0x11e: {  	v5 =	vor.u32 $0x380, v26;
	v4 =	vor.u32 $0x380, v27;
	v2 =	vor.u32 $0x380, v28;
	v25 =	vld.idx.msk [tilespmem:v30+s19+$0x0], $0xffff;
	[tilespmem:s29+$0xFFFFFF70] =	vst v54  }
0x11f: {  	v1 =	vor.u32 $0x380, v21;
	v0 =	vor.u32 $0x380, v22;
	[tilespmem:s29+$0xFFFFFE60] =	vst v55;
	v21 =	vld.idx.msk [tilespmem:v57+s19+$0x0], $0xffff  }
0x120: {  	[tilespmem:s29+$0xFFFFFE80] =	vst v56;
	v22 =	vld.idx.msk [tilespmem:v31+s19+$0x0], $0xffff  }
0x121: {  	v27 =	vor.u32 $0x200, v3;
	[tilespmem:s29+$0xFFFFFE90] =	vst v58;
	v26 =	vld.idx.msk [tilespmem:v32+s19+$0x0], $0xffff  }
0x122: {  	v24 =	vld.idx.msk [tilespmem:v24+s19+$0x0], $0xffff;
	[tilespmem:s29+$0xFFFFFEA0] =	vst v59  }
0x123: {  	v28 =	vld.idx.msk [tilespmem:v33+s19+$0x0], $0xffff;
	[tilespmem:s29+$0xFFFFFEB0] =	vst v23  }
0x124: {  	v23 =	vld.idx.msk [tilespmem:v34+s19+$0x0], $0xffff;
	[tilespmem:s29+$0xFFFFFEC0] =	vst v25  }
0x125: {  	v25 =	vld.idx.msk [tilespmem:v35+s19+$0x0], $0xffff;
	[tilespmem:s29+$0xFFFFFFF0] =	vst v21  }
0x126: {  	[tilespmem:s29+$0xFFFFFED0] =	vst v22;
	v21 =	vld.idx.msk [tilespmem:v27+s19+$0x0], $0xffff  }
0x127: {  	v22 =	vld.idx.msk [tilespmem:v36+s19+$0x0], $0xffff;
	[tilespmem:s29+$0xFFFFFEE0] =	vst v26  }
0x128: {  	v26 =	vor.u32 $0x280, v3;
	[tilespmem:s29+$0xFFFFFF00] =	vst v24;
	v24 =	vld.idx.msk [tilespmem:v37+s19+$0x0], $0xffff  }
0x129: {  	[tilespmem:s29+$0xFFFFFF10] =	vst v28;
	v27 =	vld.idx.msk [tilespmem:v39+s19+$0x0], $0xffff  }
0x12a: {  	v28 =	vld.idx.msk [tilespmem:v38+s19+$0x0], $0xffff;
	[tilespmem:s29+$0xFFFFFF20] =	vst v23  }
0x12b: {  	v23 =	vld.idx.msk [tilespmem:v40+s19+$0x0], $0xffff;
	[tilespmem:s29+$0xFFFFFF30] =	vst v25  }
0x12c: {  	v25 =	vld.idx.msk [tilespmem:v41+s19+$0x0], $0xffff;
	[tilespmem:s29+$0x70] =	vst v21  }
0x12d: {  	[tilespmem:s29+$0xFFFFFF40] =	vst v22;
	v21 =	vld.idx.msk [tilespmem:v26+s19+$0x0], $0xffff  }
0x12e: {  	v22 =	vld.idx.msk [tilespmem:v42+s19+$0x0], $0xffff;
	[tilespmem:s29+$0xFFFFFF50] =	vst v24  }
0x12f: {  	v26 =	vor.u32 $0x300, v3;
	v24 =	vld.idx.msk [tilespmem:v43+s19+$0x0], $0xffff;
	[tilespmem:s29+$0xFFFFFF60] =	vst v27  }
0x130: {  	[tilespmem:s29+$0xFFFFFF80] =	vst v28;
	v27 =	vld.idx.msk [tilespmem:v44+s19+$0x0], $0xffff  }
0x131: {  	[tilespmem:s29+$0xFFFFFF90] =	vst v23;
	v23 =	vld.idx.msk [tilespmem:v45+s19+$0x0], $0xffff  }
0x132: {  	v28 =	vld.idx.msk [tilespmem:v46+s19+$0x0], $0xffff;
	[tilespmem:s29+$0xFFFFFFA0] =	vst v25  }
0x133: {  	v25 =	vld.idx.msk [tilespmem:v47+s19+$0x0], $0xffff;
	[tilespmem:s29+$0xF0] =	vst v21  }
0x134: {  	[tilespmem:s29+$0xFFFFFFB0] =	vst v22;
	v21 =	vld.idx.msk [tilespmem:v26+s19+$0x0], $0xffff  }
0x135: {  	v22 =	vld.idx.msk [tilespmem:v48+s19+$0x0], $0xffff;
	[tilespmem:s29+$0xFFFFFFC0] =	vst v24  }
0x136: {  	v3 =	vor.u32 $0x380, v3;
	v24 =	vld.idx.msk [tilespmem:v49+s19+$0x0], $0xffff;
	[tilespmem:s29+$0xFFFFFFD0] =	vst v27  }
0x137: {  	v26 =	vld.idx.msk [tilespmem:v50+s19+$0x0], $0xffff;
	[tilespmem:s29+$0xFFFFFFE0] =	vst v23  }
0x138: {  	[tilespmem:s29+$0x0] =	vst v28;
	v23 =	vld.idx.msk [tilespmem:v51+s19+$0x0], $0xffff  }
0x139: {  	[tilespmem:s29+$0x10] =	vst v25;
	v25 =	vld.idx.msk [tilespmem:v53+s19+$0x0], $0xffff  }
0x13a: {  	v27 =	vld.idx.msk [tilespmem:v52+s19+$0x0], $0xffff;
	[tilespmem:s29+$0x170] =	vst v21  }
0x13b: {  	[tilespmem:s29+$0x20] =	vst v22;
	v3 =	vld.idx.msk [tilespmem:v3+s19+$0x0], $0xffff  }
0x13c: {  	v18 =	vld.idx.msk [tilespmem:v18+s19+$0x0], $0xffff;
	[tilespmem:s29+$0x30] =	vst v24  }
0x13d: {  	v20 =	vld.idx.msk [tilespmem:v20+s19+$0x0], $0xffff;
	[tilespmem:s29+$0x40] =	vst v26  }
0x13e: {  	v19 =	vld.idx.msk [tilespmem:v19+s19+$0x0], $0xffff;
	[tilespmem:s29+$0x50] =	vst v23  }
0x13f: {  	v21 =	vld.idx.msk [tilespmem:v15+s19+$0x0], $0xffff;
	[tilespmem:s29+$0x60] =	vst v25  }
0x140: {  	[tilespmem:s29+$0x80] =	vst v27;
	v17 =	vld.idx.msk [tilespmem:v17+s19+$0x0], $0xffff  }
0x141: {  	v15 =	vld.idx.msk [tilespmem:v16+s19+$0x0], $0xffff;
	[tilespmem:s29+$0x1F0] =	vst v3  }
.Ltmp1:
0x142: {  	v14 =	vld.idx.msk [tilespmem:v14+s19+$0x0], $0xffff;
	[tilespmem:s29+$0x90] =	vst v18;
	(pc) =	sbr.rel @p0 .LBB2_4-.Ltmp1, $4  }
0x143: {  	v13 =	vld.idx.msk [tilespmem:v13+s19+$0x0], $0xffff;
	[tilespmem:s29+$0xA0] =	vst v20  }
0x144: {  	v16 =	vld.idx.msk [tilespmem:v10+s19+$0x0], $0xffff;
	[tilespmem:s29+$0xB0] =	vst v19  }
0x145: {  	v3 =	vld.idx.msk [tilespmem:v12+s19+$0x0], $0xffff;
	[tilespmem:s29+$0xC0] =	vst v21  }
0x146: {  	s1 =	sadd.s32 $0x80, s1;
	v10 =	vld.idx.msk [tilespmem:v11+s19+$0x0], $0xffff;
	[tilespmem:s29+$0xD0] =	vst v17  }
0x147: {  	_ =	sdelay $0x2  }
0x148: {  	[tilespmem:s29+$0xE0] =	vst v15  }
0x149: {  	[tilespmem:s29+$0x100] =	vst v14;
	v8 =	vld.idx.msk [tilespmem:v8+s19+$0x0], $0xffff  }
0x14a: {  	[tilespmem:s29+$0x110] =	vst v13;
	v9 =	vld.idx.msk [tilespmem:v9+s19+$0x0], $0xffff  }
0x14b: {  	v7 =	vld.idx.msk [tilespmem:v7+s19+$0x0], $0xffff;
	[tilespmem:s29+$0x120] =	vst v16  }
0x14c: {  	v63 =	vld.idx.msk [tilespmem:v6+s19+$0x0], $0xffff;
	[tilespmem:s29+$0x130] =	vst v3  }
0x14d: {  	v5 =	vld.idx.msk [tilespmem:v5+s19+$0x0], $0xffff;
	[tilespmem:s29+$0x140] =	vst v10  }
0x14e: {  	v4 =	vld.idx.msk [tilespmem:v4+s19+$0x0], $0xffff;
	[tilespmem:s29+$0x150] =	vst v8  }
0x14f: {  	v2 =	vld.idx.msk [tilespmem:v2+s19+$0x0], $0xffff;
	[tilespmem:s29+$0x160] =	vst v9  }
0x150: {  	[tilespmem:s29+$0x180] =	vst v7;
	v1 =	vld.idx.msk [tilespmem:v1+s19+$0x0], $0xffff  }
0x151: {  	[tilespmem:s0+$0x190] =	vst v63;
	v0 =	vld.idx.msk [tilespmem:v0+s19+$0x0], $0xffff  }
0x152: {  	[tilespmem:s0+$0x1A0] =	vst v5  }
0x153: {  	[tilespmem:s0+$0x1B0] =	vst v4  }
0x154: {  	[tilespmem:s0+$0x1C0] =	vst v2  }
0x155: {  	[tilespmem:s0+$0x1D0] =	vst v1  }
0x156: {  	[tilespmem:s0+$0x1E0] =	vst v0  }
0x157: {  	[hbm4b:s11+s5] =	stream.linear.scatter [tilespmem:s24], [sflag:$0x4], $0x4000, $0x38;
	[tilespmem:$0x10800] =	vst v63  }
0x158: {  	s29 =	simm.s32 $0x1  }
0x159: {  	[tilespmem:s19], [sflag:$0x2] =	stream.linear.gather [hbm4b:s12+s5], $0x4000, $0x38;
	[tilespmem:$0x10800] =	vst v63  }
.LBB2_6:
0x15a: {  	_ =	swait.ge [sflag:s21], $0x4000  }
0x15b: {  	[sflag:s21] =	ssyncset.done $0x0  }
0x15c: {  	[sflag:s21] =	ssyncadd.s32 $0xFFFFC000  }
0x15d: {  	_ =	swait.ge [sflag:s25], $0x4000  }
0x15e: {  	[sflag:s25] =	ssyncset.done $0x0  }
0x15f: {  	s0 =	simm.s32 $0x40;
	[sflag:s25] =	ssyncadd.s32 $0xFFFFC000  }
0x160: {  	v0 =	vld [tilespmem:s0+$0x30];
	_ =	sdelay $0x3  }
0x161: {  	v1 =	vld [tilespmem:s0+$0xFFFFFFD0]  }
0x162: {  	v2 =	vshll.u32 v0, $0x3  }
0x163: {  	v3 =	vld [tilespmem:s0+$0xFFFFFFE0];
	v0 =	vand.u32 $0x7F, v0;
	v2 =	vand.u32 $0xFFFFFC00, v2  }
0x164: {  	v5 =	vld [tilespmem:s0+$0xFFFFFFC0];
	v4 =	vor.u32 v0, v2;
	_ =	sdelay $0x1  }
0x165: {  	v2 =	vld [tilespmem:s0+$0xFFFFFFF0];
	v0 =	vshll.u32 v1, $0x3  }
0x166: {  	v7 =	vld [tilespmem:s0+$0x10];
	v1 =	vand.u32 $0x7F, v1;
	v8 =	vand.u32 $0xFFFFFC00, v0  }
0x167: {  	v6 =	vld [tilespmem:s0+$0x0];
	v0 =	vshll.u32 v3, $0x3;
	v1 =	vor.u32 v1, v8  }
0x168: {  	v11 =	vor.u32 $0x80, v4;
	v9 =	vand.u32 $0xFFFFFC00, v0;
	v0 =	vshll.u32 v5, $0x3;
	v10 =	vld.idx.msk [tilespmem:v4+s18+$0x0], $0xffff  }
0x169: {  	v12 =	vld [tilespmem:s0+$0x20];
	v3 =	vand.u32 $0x7F, v3;
	v5 =	vand.u32 $0x7F, v5;
	v0 =	vand.u32 $0xFFFFFC00, v0  }
0x16a: {  	v0 =	vor.u32 v5, v0;
	v13 =	vshll.u32 v2, $0x3;
	v8 =	vand.u32 $0x7F, v2  }
0x16b: {  	v2 =	vor.u32 v3, v9;
	v9 =	vshll.u32 v7, $0x3;
	v5 =	vand.u32 $0xFFFFFC00, v13  }
0x16c: {  	s30 =	simm.s32 $0x8A00;
	v13 =	vshll.u32 v6, $0x3;
	v3 =	vor.u32 v8, v5;
	v5 =	vand.u32 $0xFFFFFC00, v9;
	v9 =	vld.idx.msk [tilespmem:v1+s18+$0x0], $0xffff  }
0x16d: {  	v15 =	vor.u32 $0x80, v1;
	v6 =	vand.u32 $0x7F, v6;
	v13 =	vand.u32 $0xFFFFFC00, v13;
	[tilespmem:s30+$0xFFFFFE70] =	vst v10  }
0x16e: {  	v7 =	vand.u32 $0x7F, v7;
	v8 =	vshll.u32 v12, $0x3;
	v10 =	vor.u32 v6, v13;
	v6 =	vld.idx.msk [tilespmem:v11+s18+$0x0], $0xffff  }
0x16f: {  	v11 =	vor.u32 v7, v5;
	v5 =	vld.idx.msk [tilespmem:v0+s18+$0x0], $0xffff;
	v7 =	vand.u32 $0xFFFFFC00, v8;
	v8 =	vand.u32 $0x7F, v12  }
0x170: {  	v13 =	vor.u32 $0x100, v4;
	v12 =	vor.u32 v8, v7;
	v7 =	vld.idx.msk [tilespmem:v2+s18+$0x0], $0xffff  }
0x171: {  	v8 =	vor.u32 $0x80, v0;
	v14 =	vld.idx.msk [tilespmem:v3+s18+$0x0], $0xffff;
	[tilespmem:s30+$0xFFFFFE10] =	vst v9  }
0x172: {  	v15 =	vld.idx.msk [tilespmem:v15+s18+$0x0], $0xffff  }
0x173: {  	v17 =	vor.u32 $0x80, v2;
	v16 =	vld.idx.msk [tilespmem:v10+s18+$0x0], $0xffff  }
0x174: {  	v18 =	vld.idx.msk [tilespmem:v11+s18+$0x0], $0xffff;
	[tilespmem:s30+$0xFFFFFEF0] =	vst v6;
	v6 =	vor.u32 $0x80, v3  }
0x175: {  	[tilespmem:s30+$0xFFFFFE00] =	vst v5;
	v5 =	vld.idx.msk [tilespmem:v13+s18+$0x0], $0xffff;
	v13 =	vor.u32 $0x80, v10  }
0x176: {  	v19 =	vor.u32 $0x80, v11;
	v8 =	vld.idx.msk [tilespmem:v8+s18+$0x0], $0xffff;
	[tilespmem:s30+$0xFFFFFE20] =	vst v7  }
0x177: {  	v9 =	vld.idx.msk [tilespmem:v12+s18+$0x0], $0xffff;
	v7 =	vor.u32 $0x180, v4;
	[tilespmem:s30+$0xFFFFFE30] =	vst v14  }
0x178: {  	v14 =	vor.u32 $0x80, v12;
	v17 =	vld.idx.msk [tilespmem:v17+s18+$0x0], $0xffff;
	[tilespmem:s30+$0xFFFFFE40] =	vst v16  }
0x179: {  	v16 =	vor.u32 $0x100, v0;
	v6 =	vld.idx.msk [tilespmem:v6+s18+$0x0], $0xffff;
	[tilespmem:s30+$0xFFFFFE50] =	vst v18  }
0x17a: {  	v18 =	vor.u32 $0x100, v1;
	v13 =	vld.idx.msk [tilespmem:v13+s18+$0x0], $0xffff;
	[tilespmem:s30+$0xFFFFFF70] =	vst v5  }
0x17b: {  	v5 =	vor.u32 $0x100, v2;
	[tilespmem:s30+$0xFFFFFE80] =	vst v8;
	v8 =	vld.idx.msk [tilespmem:v19+s18+$0x0], $0xffff  }
0x17c: {  	[tilespmem:s30+$0xFFFFFE60] =	vst v9;
	v9 =	vor.u32 $0x100, v3;
	v7 =	vld.idx.msk [tilespmem:v7+s18+$0x0], $0xffff  }
0x17d: {  	[tilespmem:s30+$0xFFFFFE90] =	vst v15;
	v19 =	vor.u32 $0x100, v10;
	v14 =	vld.idx.msk [tilespmem:v14+s18+$0x0], $0xffff  }
0x17e: {  	[tilespmem:s30+$0xFFFFFEA0] =	vst v17;
	v17 =	vor.u32 $0x100, v11;
	v16 =	vld.idx.msk [tilespmem:v16+s18+$0x0], $0xffff  }
0x17f: {  	v15 =	vor.u32 $0x200, v4;
	v18 =	vld.idx.msk [tilespmem:v18+s18+$0x0], $0xffff;
	[tilespmem:s30+$0xFFFFFEB0] =	vst v6  }
0x180: {  	v6 =	vor.u32 $0x100, v12;
	v5 =	vld.idx.msk [tilespmem:v5+s18+$0x0], $0xffff;
	[tilespmem:s30+$0xFFFFFEC0] =	vst v13  }
0x181: {  	v13 =	vor.u32 $0x180, v0;
	v9 =	vld.idx.msk [tilespmem:v9+s18+$0x0], $0xffff;
	[tilespmem:s30+$0xFFFFFED0] =	vst v8  }
0x182: {  	[tilespmem:s30+$0xFFFFFFF0] =	vst v7;
	v7 =	vor.u32 $0x180, v1;
	v19 =	vld.idx.msk [tilespmem:v19+s18+$0x0], $0xffff  }
0x183: {  	[tilespmem:s30+$0xFFFFFEE0] =	vst v14;
	v14 =	vld.idx.msk [tilespmem:v17+s18+$0x0], $0xffff;
	v17 =	vor.u32 $0x180, v3  }
0x184: {  	v8 =	vld.idx.msk [tilespmem:v15+s18+$0x0], $0xffff;
	v15 =	vor.u32 $0x180, v2;
	[tilespmem:s30+$0xFFFFFF00] =	vst v16  }
0x185: {  	v16 =	vor.u32 $0x280, v4;
	[tilespmem:s30+$0xFFFFFF10] =	vst v18;
	v6 =	vld.idx.msk [tilespmem:v6+s18+$0x0], $0xffff  }
0x186: {  	v18 =	vor.u32 $0x180, v10;
	v13 =	vld.idx.msk [tilespmem:v13+s18+$0x0], $0xffff;
	[tilespmem:s30+$0xFFFFFF20] =	vst v5  }
0x187: {  	v5 =	vor.u32 $0x180, v11;
	[tilespmem:s30+$0xFFFFFF30] =	vst v9;
	v7 =	vld.idx.msk [tilespmem:v7+s18+$0x0], $0xffff  }
0x188: {  	v9 =	vor.u32 $0x180, v12;
	[tilespmem:s30+$0xFFFFFF40] =	vst v19;
	v17 =	vld.idx.msk [tilespmem:v17+s18+$0x0], $0xffff  }
0x189: {  	v15 =	vld.idx.msk [tilespmem:v15+s18+$0x0], $0xffff;
	[tilespmem:s30+$0x70] =	vst v8;
	v8 =	vor.u32 $0x200, v0  }
0x18a: {  	v19 =	vor.u32 $0x200, v1;
	[tilespmem:s30+$0xFFFFFF50] =	vst v14;
	v16 =	vld.idx.msk [tilespmem:v16+s18+$0x0], $0xffff  }
0x18b: {  	v14 =	vld.idx.msk [tilespmem:v18+s18+$0x0], $0xffff;
	[tilespmem:s30+$0xFFFFFF60] =	vst v6;
	v6 =	vor.u32 $0x300, v4  }
0x18c: {  	v18 =	vor.u32 $0x200, v2;
	[tilespmem:s30+$0xFFFFFF80] =	vst v13;
	v5 =	vld.idx.msk [tilespmem:v5+s18+$0x0], $0xffff  }
0x18d: {  	v13 =	vor.u32 $0x200, v3;
	[tilespmem:s30+$0xFFFFFF90] =	vst v7;
	v7 =	vld.idx.msk [tilespmem:v9+s18+$0x0], $0xffff  }
0x18e: {  	v9 =	vor.u32 $0x200, v10;
	v8 =	vld.idx.msk [tilespmem:v8+s18+$0x0], $0xffff;
	[tilespmem:s30+$0xFFFFFFA0] =	vst v15  }
0x18f: {  	v15 =	vor.u32 $0x200, v11;
	v19 =	vld.idx.msk [tilespmem:v19+s18+$0x0], $0xffff;
	[tilespmem:s30+$0xF0] =	vst v16  }
0x190: {  	[tilespmem:s30+$0xFFFFFFB0] =	vst v17;
	v16 =	vor.u32 $0x200, v12;
	v6 =	vld.idx.msk [tilespmem:v6+s18+$0x0], $0xffff  }
0x191: {  	v17 =	vor.u32 $0x280, v0;
	v18 =	vld.idx.msk [tilespmem:v18+s18+$0x0], $0xffff;
	[tilespmem:s30+$0xFFFFFFC0] =	vst v14  }
0x192: {  	v4 =	vor.u32 $0x380, v4;
	v13 =	vld.idx.msk [tilespmem:v13+s18+$0x0], $0xffff;
	[tilespmem:s30+$0xFFFFFFD0] =	vst v5  }
0x193: {  	v5 =	vor.u32 $0x280, v1;
	v9 =	vld.idx.msk [tilespmem:v9+s18+$0x0], $0xffff;
	[tilespmem:s30+$0xFFFFFFE0] =	vst v7  }
0x194: {  	v7 =	vor.u32 $0x280, v2;
	[tilespmem:s30+$0x0] =	vst v8;
	v8 =	vld.idx.msk [tilespmem:v15+s18+$0x0], $0xffff  }
0x195: {  	v14 =	vor.u32 $0x280, v3;
	[tilespmem:s30+$0x10] =	vst v19;
	v15 =	vld.idx.msk [tilespmem:v16+s18+$0x0], $0xffff  }
0x196: {  	v16 =	vor.u32 $0x280, v10;
	v17 =	vld.idx.msk [tilespmem:v17+s18+$0x0], $0xffff;
	[tilespmem:s30+$0x170] =	vst v6  }
0x197: {  	v6 =	vor.u32 $0x280, v11;
	[tilespmem:s30+$0x20] =	vst v18;
	v4 =	vld.idx.msk [tilespmem:v4+s18+$0x0], $0xffff  }
0x198: {  	v18 =	vor.u32 $0x280, v12;
	v5 =	vld.idx.msk [tilespmem:v5+s18+$0x0], $0xffff;
	[tilespmem:s30+$0x30] =	vst v13  }
0x199: {  	v13 =	vor.u32 $0x300, v0;
	v7 =	vld.idx.msk [tilespmem:v7+s18+$0x0], $0xffff;
	[tilespmem:s30+$0x40] =	vst v9  }
0x19a: {  	v9 =	vor.u32 $0x300, v1;
	v19 =	vld.idx.msk [tilespmem:v14+s18+$0x0], $0xffff;
	[tilespmem:s30+$0x50] =	vst v8  }
0x19b: {  	v20 =	vor.u32 $0x300, v2;
	v21 =	vld.idx.msk [tilespmem:v16+s18+$0x0], $0xffff;
	[tilespmem:s30+$0x60] =	vst v15  }
0x19c: {  	v22 =	vor.u32 $0x300, v3;
	[tilespmem:s30+$0x80] =	vst v17;
	v17 =	vld.idx.msk [tilespmem:v6+s18+$0x0], $0xffff  }
0x19d: {  	v23 =	vor.u32 $0x300, v10;
	v15 =	vld.idx.msk [tilespmem:v18+s18+$0x0], $0xffff;
	[tilespmem:s30+$0x1F0] =	vst v4  }
0x19e: {  	v14 =	vld.idx.msk [tilespmem:v13+s18+$0x0], $0xffff;
	[tilespmem:s30+$0x90] =	vst v5  }
0x19f: {  	v13 =	vld.idx.msk [tilespmem:v9+s18+$0x0], $0xffff;
	[tilespmem:s30+$0xA0] =	vst v7  }
0x1a0: {  	v8 =	vor.u32 $0x300, v11;
	v6 =	vor.u32 $0x380, v1;
	v1 =	vor.u32 $0x380, v11;
	[tilespmem:s30+$0xB0] =	vst v19;
	v16 =	vld.idx.msk [tilespmem:v20+s18+$0x0], $0xffff  }
0x1a1: {  	v5 =	vor.u32 $0x380, v2;
	v4 =	vor.u32 $0x380, v3;
	v2 =	vor.u32 $0x380, v10;
	v3 =	vld.idx.msk [tilespmem:v22+s18+$0x0], $0xffff;
	[tilespmem:s30+$0xC0] =	vst v21  }
0x1a2: {  	s31 =	simm.s32 $0x0;
	s1 =	simm.s32 $0xC0;
	s0 =	simm.s32 $0x8A00;
	v7 =	vor.u32 $0x380, v0;
	v9 =	vor.u32 $0x300, v12;
	v0 =	vor.u32 $0x380, v12;
	v10 =	vld.idx.msk [tilespmem:v23+s18+$0x0], $0xffff;
	[tilespmem:s30+$0xD0] =	vst v17  }
.LBB2_7:
0x1a3: {  	v11 =	vld [tilespmem:s1+$0x30];
	s31 =	sadd.s32 $0x8, s31;
	[tilespmem:s30+$0xE0] =	vst v15  }
0x1a4: {  	v12 =	vld [tilespmem:s1+$0xFFFFFFD0];
	p0 =	slt.u32 s31, $0x78;
	[tilespmem:s30+$0x100] =	vst v14  }
0x1a5: {  	v14 =	vld [tilespmem:s1+$0xFFFFFFE0];
	[tilespmem:s30+$0x110] =	vst v13  }
0x1a6: {  	v13 =	vld [tilespmem:s1+$0xFFFFFFF0];
	[tilespmem:s30+$0x120] =	vst v16  }
0x1a7: {  	v15 =	vld [tilespmem:s1+$0x0];
	[tilespmem:s30+$0x130] =	vst v3  }
0x1a8: {  	v16 =	vld [tilespmem:s1+$0x10];
	v3 =	vshll.u32 v11, $0x3;
	[tilespmem:s30+$0x140] =	vst v10  }
0x1a9: {  	v11 =	vand.u32 $0x7F, v11;
	v10 =	vshll.u32 v12, $0x3;
	v17 =	vld [tilespmem:s1+$0x20];
	v3 =	vand.u32 $0xFFFFFC00, v3  }
0x1aa: {  	v18 =	vld [tilespmem:s1+$0xFFFFFFC0];
	v10 =	vand.u32 $0xFFFFFC00, v10;
	v19 =	vshll.u32 v14, $0x3;
	v3 =	vor.u32 v11, v3  }
0x1ab: {  	v11 =	vand.u32 $0x7F, v12;
	v12 =	vand.u32 $0xFFFFFC00, v19;
	v19 =	vshll.u32 v13, $0x3;
	v8 =	vld.idx.msk [tilespmem:v8+s18+$0x0], $0xffff  }
0x1ac: {  	v14 =	vand.u32 $0x7F, v14;
	v19 =	vand.u32 $0xFFFFFC00, v19;
	v20 =	vshll.u32 v15, $0x3;
	v9 =	vld.idx.msk [tilespmem:v9+s18+$0x0], $0xffff  }
0x1ad: {  	v13 =	vand.u32 $0x7F, v13;
	v20 =	vand.u32 $0xFFFFFC00, v20;
	v21 =	vshll.u32 v16, $0x3;
	v7 =	vld.idx.msk [tilespmem:v7+s18+$0x0], $0xffff  }
0x1ae: {  	v15 =	vand.u32 $0x7F, v15;
	v21 =	vand.u32 $0xFFFFFC00, v21;
	v22 =	vshll.u32 v17, $0x3;
	v6 =	vld.idx.msk [tilespmem:v6+s18+$0x0], $0xffff  }
0x1af: {  	v23 =	vand.u32 $0x7F, v18;
	v18 =	vshll.u32 v18, $0x3;
	v22 =	vand.u32 $0xFFFFFC00, v22;
	v24 =	vld.idx.msk [tilespmem:v3+s18+$0x0], $0xffff  }
0x1b0: {  	v16 =	vand.u32 $0x7F, v16;
	v17 =	vand.u32 $0x7F, v17;
	v18 =	vand.u32 $0xFFFFFC00, v18;
	v5 =	vld.idx.msk [tilespmem:v5+s18+$0x0], $0xffff  }
0x1b1: {  	v25 =	vor.u32 v11, v10;
	v10 =	vor.u32 $0x80, v3;
	v23 =	vor.u32 v23, v18;
	v4 =	vld.idx.msk [tilespmem:v4+s18+$0x0], $0xffff;
	[tilespmem:s30+$0x150] =	vst v8  }
0x1b2: {  	v26 =	vor.u32 v14, v12;
	v27 =	vor.u32 v13, v19;
	v28 =	vor.u32 v15, v20;
	[tilespmem:s30+$0x160] =	vst v9  }
0x1b3: {  	v21 =	vor.u32 v16, v21;
	v22 =	vor.u32 v17, v22;
	v8 =	vor.u32 $0x80, v23;
	[tilespmem:s30+$0x180] =	vst v7;
	v2 =	vld.idx.msk [tilespmem:v2+s18+$0x0], $0xffff  }
0x1b4: {  	v29 =	vor.u32 $0x80, v27;
	v9 =	vor.u32 $0x80, v26;
	v7 =	vor.u32 $0x80, v25;
	s30 =	sadd.s32 $0x400, s30;
	[tilespmem:s0+$0x190] =	vst v6;
	v1 =	vld.idx.msk [tilespmem:v1+s18+$0x0], $0xffff  }
0x1b5: {  	v30 =	vor.u32 $0x80, v28;
	v31 =	vor.u32 $0x80, v21;
	v32 =	vor.u32 $0x80, v22;
	[tilespmem:s30+$0xFFFFFE70] =	vst v24;
	v0 =	vld.idx.msk [tilespmem:v0+s18+$0x0], $0xffff  }
0x1b6: {  	v33 =	vor.u32 $0x100, v25;
	v34 =	vor.u32 $0x100, v26;
	v24 =	vor.u32 $0x100, v23;
	v6 =	vld.idx.msk [tilespmem:v10+s18+$0x0], $0xffff;
	[tilespmem:s0+$0x1A0] =	vst v5  }
0x1b7: {  	v35 =	vor.u32 $0x100, v27;
	v36 =	vor.u32 $0x100, v28;
	v37 =	vor.u32 $0x100, v21;
	v5 =	vld.idx.msk [tilespmem:v23+s18+$0x0], $0xffff;
	[tilespmem:s0+$0x1B0] =	vst v4  }
0x1b8: {  	v39 =	vor.u32 $0x100, v22;
	v38 =	vor.u32 $0x180, v23;
	v10 =	vor.u32 $0x100, v3;
	v4 =	vld.idx.msk [tilespmem:v25+s18+$0x0], $0xffff  }
0x1b9: {  	v40 =	vor.u32 $0x180, v25;
	v41 =	vor.u32 $0x180, v26;
	v42 =	vor.u32 $0x180, v27;
	v11 =	vld.idx.msk [tilespmem:v26+s18+$0x0], $0xffff;
	[tilespmem:s0+$0x1C0] =	vst v2  }
0x1ba: {  	v43 =	vor.u32 $0x180, v28;
	v44 =	vor.u32 $0x180, v21;
	v45 =	vor.u32 $0x180, v22;
	v2 =	vld.idx.msk [tilespmem:v27+s18+$0x0], $0xffff;
	[tilespmem:s0+$0x1D0] =	vst v1  }
0x1bb: {  	v47 =	vor.u32 $0x200, v25;
	v48 =	vor.u32 $0x200, v26;
	v46 =	vor.u32 $0x200, v23;
	v1 =	vld.idx.msk [tilespmem:v28+s18+$0x0], $0xffff;
	[tilespmem:s0+$0x1E0] =	vst v0;
	s0 =	smov.u32 s30  }
0x1bc: {  	v49 =	vor.u32 $0x200, v27;
	v50 =	vor.u32 $0x200, v28;
	v51 =	vor.u32 $0x200, v21;
	v0 =	vld.idx.msk [tilespmem:v21+s18+$0x0], $0xffff;
	[tilespmem:s30+$0xFFFFFEF0] =	vst v6  }
0x1bd: {  	v18 =	vor.u32 $0x280, v25;
	v53 =	vor.u32 $0x200, v22;
	v52 =	vor.u32 $0x280, v23;
	[tilespmem:s30+$0xFFFFFE00] =	vst v5;
	v54 =	vld.idx.msk [tilespmem:v10+s18+$0x0], $0xffff  }
0x1be: {  	v20 =	vor.u32 $0x280, v26;
	v19 =	vor.u32 $0x280, v27;
	v15 =	vor.u32 $0x280, v28;
	[tilespmem:s30+$0xFFFFFE10] =	vst v4;
	v55 =	vld.idx.msk [tilespmem:v22+s18+$0x0], $0xffff  }
0x1bf: {  	v57 =	vor.u32 $0x180, v3;
	v17 =	vor.u32 $0x280, v21;
	v16 =	vor.u32 $0x280, v22;
	v56 =	vld.idx.msk [tilespmem:v8+s18+$0x0], $0xffff;
	[tilespmem:s30+$0xFFFFFE20] =	vst v11  }
0x1c0: {  	v13 =	vor.u32 $0x300, v25;
	v14 =	vor.u32 $0x300, v23;
	v10 =	vor.u32 $0x300, v26;
	v58 =	vld.idx.msk [tilespmem:v7+s18+$0x0], $0xffff;
	[tilespmem:s30+$0xFFFFFE30] =	vst v2  }
0x1c1: {  	v12 =	vor.u32 $0x300, v27;
	v11 =	vor.u32 $0x300, v28;
	v8 =	vor.u32 $0x300, v21;
	v59 =	vld.idx.msk [tilespmem:v9+s18+$0x0], $0xffff;
	[tilespmem:s30+$0xFFFFFE40] =	vst v1  }
0x1c2: {  	v6 =	vor.u32 $0x380, v25;
	v7 =	vor.u32 $0x380, v23;
	v9 =	vor.u32 $0x300, v22;
	v23 =	vld.idx.msk [tilespmem:v29+s18+$0x0], $0xffff;
	[tilespmem:s30+$0xFFFFFE50] =	vst v0  }
0x1c3: {  	v5 =	vor.u32 $0x380, v26;
	v4 =	vor.u32 $0x380, v27;
	v2 =	vor.u32 $0x380, v28;
	v25 =	vld.idx.msk [tilespmem:v30+s18+$0x0], $0xffff;
	[tilespmem:s30+$0xFFFFFF70] =	vst v54  }
0x1c4: {  	v1 =	vor.u32 $0x380, v21;
	v0 =	vor.u32 $0x380, v22;
	[tilespmem:s30+$0xFFFFFE60] =	vst v55;
	v21 =	vld.idx.msk [tilespmem:v57+s18+$0x0], $0xffff  }
0x1c5: {  	[tilespmem:s30+$0xFFFFFE80] =	vst v56;
	v22 =	vld.idx.msk [tilespmem:v31+s18+$0x0], $0xffff  }
0x1c6: {  	v27 =	vor.u32 $0x200, v3;
	[tilespmem:s30+$0xFFFFFE90] =	vst v58;
	v26 =	vld.idx.msk [tilespmem:v32+s18+$0x0], $0xffff  }
0x1c7: {  	v24 =	vld.idx.msk [tilespmem:v24+s18+$0x0], $0xffff;
	[tilespmem:s30+$0xFFFFFEA0] =	vst v59  }
0x1c8: {  	v28 =	vld.idx.msk [tilespmem:v33+s18+$0x0], $0xffff;
	[tilespmem:s30+$0xFFFFFEB0] =	vst v23  }
0x1c9: {  	v23 =	vld.idx.msk [tilespmem:v34+s18+$0x0], $0xffff;
	[tilespmem:s30+$0xFFFFFEC0] =	vst v25  }
0x1ca: {  	v25 =	vld.idx.msk [tilespmem:v35+s18+$0x0], $0xffff;
	[tilespmem:s30+$0xFFFFFFF0] =	vst v21  }
0x1cb: {  	[tilespmem:s30+$0xFFFFFED0] =	vst v22;
	v21 =	vld.idx.msk [tilespmem:v27+s18+$0x0], $0xffff  }
0x1cc: {  	v22 =	vld.idx.msk [tilespmem:v36+s18+$0x0], $0xffff;
	[tilespmem:s30+$0xFFFFFEE0] =	vst v26  }
0x1cd: {  	v26 =	vor.u32 $0x280, v3;
	[tilespmem:s30+$0xFFFFFF00] =	vst v24;
	v24 =	vld.idx.msk [tilespmem:v37+s18+$0x0], $0xffff  }
0x1ce: {  	[tilespmem:s30+$0xFFFFFF10] =	vst v28;
	v27 =	vld.idx.msk [tilespmem:v39+s18+$0x0], $0xffff  }
0x1cf: {  	v28 =	vld.idx.msk [tilespmem:v38+s18+$0x0], $0xffff;
	[tilespmem:s30+$0xFFFFFF20] =	vst v23  }
0x1d0: {  	v23 =	vld.idx.msk [tilespmem:v40+s18+$0x0], $0xffff;
	[tilespmem:s30+$0xFFFFFF30] =	vst v25  }
0x1d1: {  	v25 =	vld.idx.msk [tilespmem:v41+s18+$0x0], $0xffff;
	[tilespmem:s30+$0x70] =	vst v21  }
0x1d2: {  	[tilespmem:s30+$0xFFFFFF40] =	vst v22;
	v21 =	vld.idx.msk [tilespmem:v26+s18+$0x0], $0xffff  }
0x1d3: {  	v22 =	vld.idx.msk [tilespmem:v42+s18+$0x0], $0xffff;
	[tilespmem:s30+$0xFFFFFF50] =	vst v24  }
0x1d4: {  	v26 =	vor.u32 $0x300, v3;
	v24 =	vld.idx.msk [tilespmem:v43+s18+$0x0], $0xffff;
	[tilespmem:s30+$0xFFFFFF60] =	vst v27  }
0x1d5: {  	[tilespmem:s30+$0xFFFFFF80] =	vst v28;
	v27 =	vld.idx.msk [tilespmem:v44+s18+$0x0], $0xffff  }
0x1d6: {  	[tilespmem:s30+$0xFFFFFF90] =	vst v23;
	v23 =	vld.idx.msk [tilespmem:v45+s18+$0x0], $0xffff  }
0x1d7: {  	v28 =	vld.idx.msk [tilespmem:v46+s18+$0x0], $0xffff;
	[tilespmem:s30+$0xFFFFFFA0] =	vst v25  }
0x1d8: {  	v25 =	vld.idx.msk [tilespmem:v47+s18+$0x0], $0xffff;
	[tilespmem:s30+$0xF0] =	vst v21  }
0x1d9: {  	[tilespmem:s30+$0xFFFFFFB0] =	vst v22;
	v21 =	vld.idx.msk [tilespmem:v26+s18+$0x0], $0xffff  }
0x1da: {  	v22 =	vld.idx.msk [tilespmem:v48+s18+$0x0], $0xffff;
	[tilespmem:s30+$0xFFFFFFC0] =	vst v24  }
0x1db: {  	v3 =	vor.u32 $0x380, v3;
	v24 =	vld.idx.msk [tilespmem:v49+s18+$0x0], $0xffff;
	[tilespmem:s30+$0xFFFFFFD0] =	vst v27  }
0x1dc: {  	v26 =	vld.idx.msk [tilespmem:v50+s18+$0x0], $0xffff;
	[tilespmem:s30+$0xFFFFFFE0] =	vst v23  }
0x1dd: {  	[tilespmem:s30+$0x0] =	vst v28;
	v23 =	vld.idx.msk [tilespmem:v51+s18+$0x0], $0xffff  }
0x1de: {  	[tilespmem:s30+$0x10] =	vst v25;
	v25 =	vld.idx.msk [tilespmem:v53+s18+$0x0], $0xffff  }
0x1df: {  	v27 =	vld.idx.msk [tilespmem:v52+s18+$0x0], $0xffff;
	[tilespmem:s30+$0x170] =	vst v21  }
0x1e0: {  	[tilespmem:s30+$0x20] =	vst v22;
	v3 =	vld.idx.msk [tilespmem:v3+s18+$0x0], $0xffff  }
0x1e1: {  	v18 =	vld.idx.msk [tilespmem:v18+s18+$0x0], $0xffff;
	[tilespmem:s30+$0x30] =	vst v24  }
0x1e2: {  	v20 =	vld.idx.msk [tilespmem:v20+s18+$0x0], $0xffff;
	[tilespmem:s30+$0x40] =	vst v26  }
0x1e3: {  	v19 =	vld.idx.msk [tilespmem:v19+s18+$0x0], $0xffff;
	[tilespmem:s30+$0x50] =	vst v23  }
0x1e4: {  	v21 =	vld.idx.msk [tilespmem:v15+s18+$0x0], $0xffff;
	[tilespmem:s30+$0x60] =	vst v25  }
0x1e5: {  	[tilespmem:s30+$0x80] =	vst v27;
	v17 =	vld.idx.msk [tilespmem:v17+s18+$0x0], $0xffff  }
0x1e6: {  	v15 =	vld.idx.msk [tilespmem:v16+s18+$0x0], $0xffff;
	[tilespmem:s30+$0x1F0] =	vst v3  }
.Ltmp2:
0x1e7: {  	v14 =	vld.idx.msk [tilespmem:v14+s18+$0x0], $0xffff;
	[tilespmem:s30+$0x90] =	vst v18;
	(pc) =	sbr.rel @p0 .LBB2_7-.Ltmp2, $4  }
0x1e8: {  	v13 =	vld.idx.msk [tilespmem:v13+s18+$0x0], $0xffff;
	[tilespmem:s30+$0xA0] =	vst v20  }
0x1e9: {  	v16 =	vld.idx.msk [tilespmem:v10+s18+$0x0], $0xffff;
	[tilespmem:s30+$0xB0] =	vst v19  }
0x1ea: {  	v3 =	vld.idx.msk [tilespmem:v12+s18+$0x0], $0xffff;
	[tilespmem:s30+$0xC0] =	vst v21  }
0x1eb: {  	s1 =	sadd.s32 $0x80, s1;
	v10 =	vld.idx.msk [tilespmem:v11+s18+$0x0], $0xffff;
	[tilespmem:s30+$0xD0] =	vst v17  }
0x1ec: {  	_ =	sdelay $0x2  }
0x1ed: {  	[tilespmem:s30+$0xE0] =	vst v15  }
0x1ee: {  	[tilespmem:s30+$0x100] =	vst v14;
	v8 =	vld.idx.msk [tilespmem:v8+s18+$0x0], $0xffff  }
0x1ef: {  	[tilespmem:s30+$0x110] =	vst v13;
	v9 =	vld.idx.msk [tilespmem:v9+s18+$0x0], $0xffff  }
0x1f0: {  	v7 =	vld.idx.msk [tilespmem:v7+s18+$0x0], $0xffff;
	[tilespmem:s30+$0x120] =	vst v16  }
0x1f1: {  	[tilespmem:s30+$0x130] =	vst v3;
	v3 =	vld.idx.msk [tilespmem:v6+s18+$0x0], $0xffff  }
0x1f2: {  	v5 =	vld.idx.msk [tilespmem:v5+s18+$0x0], $0xffff;
	[tilespmem:s30+$0x140] =	vst v10  }
0x1f3: {  	v4 =	vld.idx.msk [tilespmem:v4+s18+$0x0], $0xffff;
	[tilespmem:s30+$0x150] =	vst v8  }
0x1f4: {  	v2 =	vld.idx.msk [tilespmem:v2+s18+$0x0], $0xffff;
	[tilespmem:s30+$0x160] =	vst v9  }
0x1f5: {  	[tilespmem:s30+$0x180] =	vst v7;
	v1 =	vld.idx.msk [tilespmem:v1+s18+$0x0], $0xffff  }
0x1f6: {  	v0 =	vld.idx.msk [tilespmem:v0+s18+$0x0], $0xffff;
	[tilespmem:s0+$0x190] =	vst v3  }
0x1f7: {  	[tilespmem:s0+$0x1A0] =	vst v5  }
0x1f8: {  	[tilespmem:s0+$0x1B0] =	vst v4  }
0x1f9: {  	s1 =	sshll.u32 s29, $0xC;
	s30 =	sshll.u32 s29, $0x4;
	[tilespmem:s0+$0x1C0] =	vst v2  }
0x1fa: {  	s3 =	sadd.s32 s1, s9;
	s1 =	sadd.s32 s30, s13;
	[tilespmem:s0+$0x1D0] =	vst v1  }
0x1fb: {  	[tilespmem:s0+$0x1E0] =	vst v0;
	s0 =	sshll.u32 s1, $0x8  }
0x1fc: {  	[hbm4b:s3+s5] =	stream.linear.scatter [tilespmem:s22], [sflag:$0x3], $0x4000, $0x38;
	[tilespmem:$0x10800] =	vst v63  }
0x1fd: {  	s0 =	sadd.s32 s2, s0  }
0x1fe: {  	[tilespmem:s18], [sflag:$0x1] =	stream.linear.gather [hbm4b:s0+s5], $0x4000, $0x38;
	[tilespmem:$0x10800] =	vst v63  }
0x1ff: {  	_ =	swait.ge [sflag:s23], $0x4000  }
0x200: {  	[sflag:s23] =	ssyncset.done $0x0  }
0x201: {  	[sflag:s23] =	ssyncadd.s32 $0xFFFFC000  }
0x202: {  	_ =	swait.ge [sflag:s26], $0x4000  }
0x203: {  	[sflag:s26] =	ssyncset.done $0x0  }
0x204: {  	s3 =	simm.s32 $0x40;
	[sflag:s26] =	ssyncadd.s32 $0xFFFFC000  }
0x205: {  	v0 =	vld [tilespmem:s3+$0x30];
	_ =	sdelay $0x3  }
0x206: {  	v1 =	vld [tilespmem:s3+$0xFFFFFFD0]  }
0x207: {  	v2 =	vshll.u32 v0, $0x3  }
0x208: {  	v3 =	vld [tilespmem:s3+$0xFFFFFFE0];
	v0 =	vand.u32 $0x7F, v0;
	v2 =	vand.u32 $0xFFFFFC00, v2  }
0x209: {  	v5 =	vld [tilespmem:s3+$0xFFFFFFC0];
	v4 =	vor.u32 v0, v2;
	_ =	sdelay $0x1  }
0x20a: {  	v2 =	vld [tilespmem:s3+$0xFFFFFFF0];
	v0 =	vshll.u32 v1, $0x3  }
0x20b: {  	v7 =	vld [tilespmem:s3+$0x10];
	v1 =	vand.u32 $0x7F, v1;
	v8 =	vand.u32 $0xFFFFFC00, v0  }
0x20c: {  	v6 =	vld [tilespmem:s3+$0x0];
	v0 =	vshll.u32 v3, $0x3;
	v1 =	vor.u32 v1, v8  }
0x20d: {  	v11 =	vor.u32 $0x80, v4;
	v9 =	vand.u32 $0xFFFFFC00, v0;
	v0 =	vshll.u32 v5, $0x3;
	v10 =	vld.idx.msk [tilespmem:v4+s19+$0x0], $0xffff  }
0x20e: {  	v12 =	vld [tilespmem:s3+$0x20];
	v3 =	vand.u32 $0x7F, v3;
	v5 =	vand.u32 $0x7F, v5;
	v0 =	vand.u32 $0xFFFFFC00, v0  }
0x20f: {  	v0 =	vor.u32 v5, v0;
	v13 =	vshll.u32 v2, $0x3;
	v8 =	vand.u32 $0x7F, v2  }
0x210: {  	v2 =	vor.u32 v3, v9;
	v9 =	vshll.u32 v7, $0x3;
	v5 =	vand.u32 $0xFFFFFC00, v13  }
0x211: {  	s31 =	simm.s32 $0xCA00;
	v13 =	vshll.u32 v6, $0x3;
	v3 =	vor.u32 v8, v5;
	v5 =	vand.u32 $0xFFFFFC00, v9;
	v9 =	vld.idx.msk [tilespmem:v1+s19+$0x0], $0xffff  }
0x212: {  	v15 =	vor.u32 $0x80, v1;
	v6 =	vand.u32 $0x7F, v6;
	v13 =	vand.u32 $0xFFFFFC00, v13;
	[tilespmem:s31+$0xFFFFFE70] =	vst v10  }
0x213: {  	v7 =	vand.u32 $0x7F, v7;
	v8 =	vshll.u32 v12, $0x3;
	v10 =	vor.u32 v6, v13;
	v6 =	vld.idx.msk [tilespmem:v11+s19+$0x0], $0xffff  }
0x214: {  	v11 =	vor.u32 v7, v5;
	v5 =	vld.idx.msk [tilespmem:v0+s19+$0x0], $0xffff;
	v7 =	vand.u32 $0xFFFFFC00, v8;
	v8 =	vand.u32 $0x7F, v12  }
0x215: {  	v13 =	vor.u32 $0x100, v4;
	v12 =	vor.u32 v8, v7;
	v7 =	vld.idx.msk [tilespmem:v2+s19+$0x0], $0xffff  }
0x216: {  	v8 =	vor.u32 $0x80, v0;
	v14 =	vld.idx.msk [tilespmem:v3+s19+$0x0], $0xffff;
	[tilespmem:s31+$0xFFFFFE10] =	vst v9  }
0x217: {  	v15 =	vld.idx.msk [tilespmem:v15+s19+$0x0], $0xffff  }
0x218: {  	v17 =	vor.u32 $0x80, v2;
	v16 =	vld.idx.msk [tilespmem:v10+s19+$0x0], $0xffff  }
0x219: {  	v18 =	vld.idx.msk [tilespmem:v11+s19+$0x0], $0xffff;
	[tilespmem:s31+$0xFFFFFEF0] =	vst v6;
	v6 =	vor.u32 $0x80, v3  }
0x21a: {  	[tilespmem:s31+$0xFFFFFE00] =	vst v5;
	v5 =	vld.idx.msk [tilespmem:v13+s19+$0x0], $0xffff;
	v13 =	vor.u32 $0x80, v10  }
0x21b: {  	v19 =	vor.u32 $0x80, v11;
	v8 =	vld.idx.msk [tilespmem:v8+s19+$0x0], $0xffff;
	[tilespmem:s31+$0xFFFFFE20] =	vst v7  }
0x21c: {  	v9 =	vld.idx.msk [tilespmem:v12+s19+$0x0], $0xffff;
	v7 =	vor.u32 $0x180, v4;
	[tilespmem:s31+$0xFFFFFE30] =	vst v14  }
0x21d: {  	v14 =	vor.u32 $0x80, v12;
	v17 =	vld.idx.msk [tilespmem:v17+s19+$0x0], $0xffff;
	[tilespmem:s31+$0xFFFFFE40] =	vst v16  }
0x21e: {  	v16 =	vor.u32 $0x100, v0;
	v6 =	vld.idx.msk [tilespmem:v6+s19+$0x0], $0xffff;
	[tilespmem:s31+$0xFFFFFE50] =	vst v18  }
0x21f: {  	v18 =	vor.u32 $0x100, v1;
	v13 =	vld.idx.msk [tilespmem:v13+s19+$0x0], $0xffff;
	[tilespmem:s31+$0xFFFFFF70] =	vst v5  }
0x220: {  	v5 =	vor.u32 $0x100, v2;
	[tilespmem:s31+$0xFFFFFE80] =	vst v8;
	v8 =	vld.idx.msk [tilespmem:v19+s19+$0x0], $0xffff  }
0x221: {  	[tilespmem:s31+$0xFFFFFE60] =	vst v9;
	v9 =	vor.u32 $0x100, v3;
	v7 =	vld.idx.msk [tilespmem:v7+s19+$0x0], $0xffff  }
0x222: {  	[tilespmem:s31+$0xFFFFFE90] =	vst v15;
	v19 =	vor.u32 $0x100, v10;
	v14 =	vld.idx.msk [tilespmem:v14+s19+$0x0], $0xffff  }
0x223: {  	[tilespmem:s31+$0xFFFFFEA0] =	vst v17;
	v17 =	vor.u32 $0x100, v11;
	v16 =	vld.idx.msk [tilespmem:v16+s19+$0x0], $0xffff  }
0x224: {  	v15 =	vor.u32 $0x200, v4;
	v18 =	vld.idx.msk [tilespmem:v18+s19+$0x0], $0xffff;
	[tilespmem:s31+$0xFFFFFEB0] =	vst v6  }
0x225: {  	v6 =	vor.u32 $0x100, v12;
	v5 =	vld.idx.msk [tilespmem:v5+s19+$0x0], $0xffff;
	[tilespmem:s31+$0xFFFFFEC0] =	vst v13  }
0x226: {  	v13 =	vor.u32 $0x180, v0;
	v9 =	vld.idx.msk [tilespmem:v9+s19+$0x0], $0xffff;
	[tilespmem:s31+$0xFFFFFED0] =	vst v8  }
0x227: {  	[tilespmem:s31+$0xFFFFFFF0] =	vst v7;
	v7 =	vor.u32 $0x180, v1;
	v19 =	vld.idx.msk [tilespmem:v19+s19+$0x0], $0xffff  }
0x228: {  	[tilespmem:s31+$0xFFFFFEE0] =	vst v14;
	v14 =	vld.idx.msk [tilespmem:v17+s19+$0x0], $0xffff;
	v17 =	vor.u32 $0x180, v3  }
0x229: {  	v8 =	vld.idx.msk [tilespmem:v15+s19+$0x0], $0xffff;
	v15 =	vor.u32 $0x180, v2;
	[tilespmem:s31+$0xFFFFFF00] =	vst v16  }
0x22a: {  	v16 =	vor.u32 $0x280, v4;
	[tilespmem:s31+$0xFFFFFF10] =	vst v18;
	v6 =	vld.idx.msk [tilespmem:v6+s19+$0x0], $0xffff  }
0x22b: {  	v18 =	vor.u32 $0x180, v10;
	v13 =	vld.idx.msk [tilespmem:v13+s19+$0x0], $0xffff;
	[tilespmem:s31+$0xFFFFFF20] =	vst v5  }
0x22c: {  	v5 =	vor.u32 $0x180, v11;
	[tilespmem:s31+$0xFFFFFF30] =	vst v9;
	v7 =	vld.idx.msk [tilespmem:v7+s19+$0x0], $0xffff  }
0x22d: {  	v9 =	vor.u32 $0x180, v12;
	[tilespmem:s31+$0xFFFFFF40] =	vst v19;
	v17 =	vld.idx.msk [tilespmem:v17+s19+$0x0], $0xffff  }
0x22e: {  	v15 =	vld.idx.msk [tilespmem:v15+s19+$0x0], $0xffff;
	[tilespmem:s31+$0x70] =	vst v8;
	v8 =	vor.u32 $0x200, v0  }
0x22f: {  	v19 =	vor.u32 $0x200, v1;
	[tilespmem:s31+$0xFFFFFF50] =	vst v14;
	v16 =	vld.idx.msk [tilespmem:v16+s19+$0x0], $0xffff  }
0x230: {  	v14 =	vld.idx.msk [tilespmem:v18+s19+$0x0], $0xffff;
	[tilespmem:s31+$0xFFFFFF60] =	vst v6;
	v6 =	vor.u32 $0x300, v4  }
0x231: {  	v18 =	vor.u32 $0x200, v2;
	[tilespmem:s31+$0xFFFFFF80] =	vst v13;
	v5 =	vld.idx.msk [tilespmem:v5+s19+$0x0], $0xffff  }
0x232: {  	v13 =	vor.u32 $0x200, v3;
	[tilespmem:s31+$0xFFFFFF90] =	vst v7;
	v7 =	vld.idx.msk [tilespmem:v9+s19+$0x0], $0xffff  }
0x233: {  	v9 =	vor.u32 $0x200, v10;
	v8 =	vld.idx.msk [tilespmem:v8+s19+$0x0], $0xffff;
	[tilespmem:s31+$0xFFFFFFA0] =	vst v15  }
0x234: {  	v15 =	vor.u32 $0x200, v11;
	v19 =	vld.idx.msk [tilespmem:v19+s19+$0x0], $0xffff;
	[tilespmem:s31+$0xF0] =	vst v16  }
0x235: {  	[tilespmem:s31+$0xFFFFFFB0] =	vst v17;
	v16 =	vor.u32 $0x200, v12;
	v6 =	vld.idx.msk [tilespmem:v6+s19+$0x0], $0xffff  }
0x236: {  	v17 =	vor.u32 $0x280, v0;
	v18 =	vld.idx.msk [tilespmem:v18+s19+$0x0], $0xffff;
	[tilespmem:s31+$0xFFFFFFC0] =	vst v14  }
0x237: {  	v4 =	vor.u32 $0x380, v4;
	v13 =	vld.idx.msk [tilespmem:v13+s19+$0x0], $0xffff;
	[tilespmem:s31+$0xFFFFFFD0] =	vst v5  }
0x238: {  	v5 =	vor.u32 $0x280, v1;
	v9 =	vld.idx.msk [tilespmem:v9+s19+$0x0], $0xffff;
	[tilespmem:s31+$0xFFFFFFE0] =	vst v7  }
0x239: {  	v7 =	vor.u32 $0x280, v2;
	[tilespmem:s31+$0x0] =	vst v8;
	v8 =	vld.idx.msk [tilespmem:v15+s19+$0x0], $0xffff  }
0x23a: {  	v14 =	vor.u32 $0x280, v3;
	[tilespmem:s31+$0x10] =	vst v19;
	v15 =	vld.idx.msk [tilespmem:v16+s19+$0x0], $0xffff  }
0x23b: {  	v16 =	vor.u32 $0x280, v10;
	v17 =	vld.idx.msk [tilespmem:v17+s19+$0x0], $0xffff;
	[tilespmem:s31+$0x170] =	vst v6  }
0x23c: {  	v6 =	vor.u32 $0x280, v11;
	[tilespmem:s31+$0x20] =	vst v18;
	v4 =	vld.idx.msk [tilespmem:v4+s19+$0x0], $0xffff  }
0x23d: {  	v18 =	vor.u32 $0x280, v12;
	v5 =	vld.idx.msk [tilespmem:v5+s19+$0x0], $0xffff;
	[tilespmem:s31+$0x30] =	vst v13  }
0x23e: {  	v13 =	vor.u32 $0x300, v0;
	v7 =	vld.idx.msk [tilespmem:v7+s19+$0x0], $0xffff;
	[tilespmem:s31+$0x40] =	vst v9  }
0x23f: {  	v9 =	vor.u32 $0x300, v1;
	v19 =	vld.idx.msk [tilespmem:v14+s19+$0x0], $0xffff;
	[tilespmem:s31+$0x50] =	vst v8  }
0x240: {  	v20 =	vor.u32 $0x300, v2;
	v21 =	vld.idx.msk [tilespmem:v16+s19+$0x0], $0xffff;
	[tilespmem:s31+$0x60] =	vst v15  }
0x241: {  	v22 =	vor.u32 $0x300, v3;
	[tilespmem:s31+$0x80] =	vst v17;
	v17 =	vld.idx.msk [tilespmem:v6+s19+$0x0], $0xffff  }
0x242: {  	v23 =	vor.u32 $0x300, v10;
	v15 =	vld.idx.msk [tilespmem:v18+s19+$0x0], $0xffff;
	[tilespmem:s31+$0x1F0] =	vst v4  }
0x243: {  	v14 =	vld.idx.msk [tilespmem:v13+s19+$0x0], $0xffff;
	[tilespmem:s31+$0x90] =	vst v5  }
0x244: {  	v13 =	vld.idx.msk [tilespmem:v9+s19+$0x0], $0xffff;
	[tilespmem:s31+$0xA0] =	vst v7  }
0x245: {  	v8 =	vor.u32 $0x300, v11;
	v6 =	vor.u32 $0x380, v1;
	v1 =	vor.u32 $0x380, v11;
	[tilespmem:s31+$0xB0] =	vst v19;
	v16 =	vld.idx.msk [tilespmem:v20+s19+$0x0], $0xffff  }
0x246: {  	v5 =	vor.u32 $0x380, v2;
	v4 =	vor.u32 $0x380, v3;
	v2 =	vor.u32 $0x380, v10;
	v3 =	vld.idx.msk [tilespmem:v22+s19+$0x0], $0xffff;
	[tilespmem:s31+$0xC0] =	vst v21  }
0x247: {  	s1 =	simm.s32 $0x0;
	s0 =	simm.s32 $0xCA00;
	s3 =	simm.s32 $0xC0;
	v7 =	vor.u32 $0x380, v0;
	v9 =	vor.u32 $0x300, v12;
	v0 =	vor.u32 $0x380, v12;
	v10 =	vld.idx.msk [tilespmem:v23+s19+$0x0], $0xffff;
	[tilespmem:s31+$0xD0] =	vst v17  }
.LBB2_9:
0x248: {  	v11 =	vld [tilespmem:s3+$0x30];
	s1 =	sadd.s32 $0x8, s1;
	[tilespmem:s31+$0xE0] =	vst v15  }
0x249: {  	v12 =	vld [tilespmem:s3+$0xFFFFFFD0];
	p0 =	slt.u32 s1, $0x78;
	[tilespmem:s31+$0x100] =	vst v14  }
0x24a: {  	v14 =	vld [tilespmem:s3+$0xFFFFFFE0];
	[tilespmem:s31+$0x110] =	vst v13  }
0x24b: {  	v13 =	vld [tilespmem:s3+$0xFFFFFFF0];
	[tilespmem:s31+$0x120] =	vst v16  }
0x24c: {  	v15 =	vld [tilespmem:s3+$0x0];
	[tilespmem:s31+$0x130] =	vst v3  }
0x24d: {  	v16 =	vld [tilespmem:s3+$0x10];
	v3 =	vshll.u32 v11, $0x3;
	[tilespmem:s31+$0x140] =	vst v10  }
0x24e: {  	v11 =	vand.u32 $0x7F, v11;
	v10 =	vshll.u32 v12, $0x3;
	v17 =	vld [tilespmem:s3+$0x20];
	v3 =	vand.u32 $0xFFFFFC00, v3  }
0x24f: {  	v18 =	vld [tilespmem:s3+$0xFFFFFFC0];
	v10 =	vand.u32 $0xFFFFFC00, v10;
	v19 =	vshll.u32 v14, $0x3;
	v3 =	vor.u32 v11, v3  }
0x250: {  	v11 =	vand.u32 $0x7F, v12;
	v12 =	vand.u32 $0xFFFFFC00, v19;
	v19 =	vshll.u32 v13, $0x3;
	v8 =	vld.idx.msk [tilespmem:v8+s19+$0x0], $0xffff  }
0x251: {  	v14 =	vand.u32 $0x7F, v14;
	v19 =	vand.u32 $0xFFFFFC00, v19;
	v20 =	vshll.u32 v15, $0x3;
	v9 =	vld.idx.msk [tilespmem:v9+s19+$0x0], $0xffff  }
0x252: {  	v13 =	vand.u32 $0x7F, v13;
	v20 =	vand.u32 $0xFFFFFC00, v20;
	v21 =	vshll.u32 v16, $0x3;
	v7 =	vld.idx.msk [tilespmem:v7+s19+$0x0], $0xffff  }
0x253: {  	v15 =	vand.u32 $0x7F, v15;
	v21 =	vand.u32 $0xFFFFFC00, v21;
	v22 =	vshll.u32 v17, $0x3;
	v6 =	vld.idx.msk [tilespmem:v6+s19+$0x0], $0xffff  }
0x254: {  	v23 =	vand.u32 $0x7F, v18;
	v18 =	vshll.u32 v18, $0x3;
	v22 =	vand.u32 $0xFFFFFC00, v22;
	v24 =	vld.idx.msk [tilespmem:v3+s19+$0x0], $0xffff  }
0x255: {  	v16 =	vand.u32 $0x7F, v16;
	v17 =	vand.u32 $0x7F, v17;
	v18 =	vand.u32 $0xFFFFFC00, v18;
	v5 =	vld.idx.msk [tilespmem:v5+s19+$0x0], $0xffff  }
0x256: {  	v25 =	vor.u32 v11, v10;
	v10 =	vor.u32 $0x80, v3;
	v23 =	vor.u32 v23, v18;
	v4 =	vld.idx.msk [tilespmem:v4+s19+$0x0], $0xffff;
	[tilespmem:s31+$0x150] =	vst v8  }
0x257: {  	v26 =	vor.u32 v14, v12;
	v27 =	vor.u32 v13, v19;
	v28 =	vor.u32 v15, v20;
	[tilespmem:s31+$0x160] =	vst v9  }
0x258: {  	v21 =	vor.u32 v16, v21;
	v22 =	vor.u32 v17, v22;
	v8 =	vor.u32 $0x80, v23;
	[tilespmem:s31+$0x180] =	vst v7;
	v2 =	vld.idx.msk [tilespmem:v2+s19+$0x0], $0xffff  }
0x259: {  	v29 =	vor.u32 $0x80, v27;
	v9 =	vor.u32 $0x80, v26;
	v7 =	vor.u32 $0x80, v25;
	s31 =	sadd.s32 $0x400, s31;
	[tilespmem:s0+$0x190] =	vst v6;
	v1 =	vld.idx.msk [tilespmem:v1+s19+$0x0], $0xffff  }
0x25a: {  	v30 =	vor.u32 $0x80, v28;
	v31 =	vor.u32 $0x80, v21;
	v32 =	vor.u32 $0x80, v22;
	[tilespmem:s31+$0xFFFFFE70] =	vst v24;
	v0 =	vld.idx.msk [tilespmem:v0+s19+$0x0], $0xffff  }
0x25b: {  	v33 =	vor.u32 $0x100, v25;
	v34 =	vor.u32 $0x100, v26;
	v24 =	vor.u32 $0x100, v23;
	v6 =	vld.idx.msk [tilespmem:v10+s19+$0x0], $0xffff;
	[tilespmem:s0+$0x1A0] =	vst v5  }
0x25c: {  	v35 =	vor.u32 $0x100, v27;
	v36 =	vor.u32 $0x100, v28;
	v37 =	vor.u32 $0x100, v21;
	v5 =	vld.idx.msk [tilespmem:v23+s19+$0x0], $0xffff;
	[tilespmem:s0+$0x1B0] =	vst v4  }
0x25d: {  	v39 =	vor.u32 $0x100, v22;
	v38 =	vor.u32 $0x180, v23;
	v10 =	vor.u32 $0x100, v3;
	v4 =	vld.idx.msk [tilespmem:v25+s19+$0x0], $0xffff  }
0x25e: {  	v40 =	vor.u32 $0x180, v25;
	v41 =	vor.u32 $0x180, v26;
	v42 =	vor.u32 $0x180, v27;
	v11 =	vld.idx.msk [tilespmem:v26+s19+$0x0], $0xffff;
	[tilespmem:s0+$0x1C0] =	vst v2  }
0x25f: {  	v43 =	vor.u32 $0x180, v28;
	v44 =	vor.u32 $0x180, v21;
	v45 =	vor.u32 $0x180, v22;
	v2 =	vld.idx.msk [tilespmem:v27+s19+$0x0], $0xffff;
	[tilespmem:s0+$0x1D0] =	vst v1  }
0x260: {  	v47 =	vor.u32 $0x200, v25;
	v48 =	vor.u32 $0x200, v26;
	v46 =	vor.u32 $0x200, v23;
	v1 =	vld.idx.msk [tilespmem:v28+s19+$0x0], $0xffff;
	[tilespmem:s0+$0x1E0] =	vst v0;
	s0 =	smov.u32 s31  }
0x261: {  	v49 =	vor.u32 $0x200, v27;
	v50 =	vor.u32 $0x200, v28;
	v51 =	vor.u32 $0x200, v21;
	v0 =	vld.idx.msk [tilespmem:v21+s19+$0x0], $0xffff;
	[tilespmem:s31+$0xFFFFFEF0] =	vst v6  }
0x262: {  	v18 =	vor.u32 $0x280, v25;
	v53 =	vor.u32 $0x200, v22;
	v52 =	vor.u32 $0x280, v23;
	[tilespmem:s31+$0xFFFFFE00] =	vst v5;
	v54 =	vld.idx.msk [tilespmem:v10+s19+$0x0], $0xffff  }
0x263: {  	v20 =	vor.u32 $0x280, v26;
	v19 =	vor.u32 $0x280, v27;
	v15 =	vor.u32 $0x280, v28;
	[tilespmem:s31+$0xFFFFFE10] =	vst v4;
	v55 =	vld.idx.msk [tilespmem:v22+s19+$0x0], $0xffff  }
0x264: {  	v57 =	vor.u32 $0x180, v3;
	v17 =	vor.u32 $0x280, v21;
	v16 =	vor.u32 $0x280, v22;
	v56 =	vld.idx.msk [tilespmem:v8+s19+$0x0], $0xffff;
	[tilespmem:s31+$0xFFFFFE20] =	vst v11  }
0x265: {  	v13 =	vor.u32 $0x300, v25;
	v14 =	vor.u32 $0x300, v23;
	v10 =	vor.u32 $0x300, v26;
	v58 =	vld.idx.msk [tilespmem:v7+s19+$0x0], $0xffff;
	[tilespmem:s31+$0xFFFFFE30] =	vst v2  }
0x266: {  	v12 =	vor.u32 $0x300, v27;
	v11 =	vor.u32 $0x300, v28;
	v8 =	vor.u32 $0x300, v21;
	v59 =	vld.idx.msk [tilespmem:v9+s19+$0x0], $0xffff;
	[tilespmem:s31+$0xFFFFFE40] =	vst v1  }
0x267: {  	v6 =	vor.u32 $0x380, v25;
	v7 =	vor.u32 $0x380, v23;
	v9 =	vor.u32 $0x300, v22;
	v23 =	vld.idx.msk [tilespmem:v29+s19+$0x0], $0xffff;
	[tilespmem:s31+$0xFFFFFE50] =	vst v0  }
0x268: {  	v5 =	vor.u32 $0x380, v26;
	v4 =	vor.u32 $0x380, v27;
	v2 =	vor.u32 $0x380, v28;
	v25 =	vld.idx.msk [tilespmem:v30+s19+$0x0], $0xffff;
	[tilespmem:s31+$0xFFFFFF70] =	vst v54  }
0x269: {  	v1 =	vor.u32 $0x380, v21;
	v0 =	vor.u32 $0x380, v22;
	[tilespmem:s31+$0xFFFFFE60] =	vst v55;
	v21 =	vld.idx.msk [tilespmem:v57+s19+$0x0], $0xffff  }
0x26a: {  	[tilespmem:s31+$0xFFFFFE80] =	vst v56;
	v22 =	vld.idx.msk [tilespmem:v31+s19+$0x0], $0xffff  }
0x26b: {  	v27 =	vor.u32 $0x200, v3;
	[tilespmem:s31+$0xFFFFFE90] =	vst v58;
	v26 =	vld.idx.msk [tilespmem:v32+s19+$0x0], $0xffff  }
0x26c: {  	v24 =	vld.idx.msk [tilespmem:v24+s19+$0x0], $0xffff;
	[tilespmem:s31+$0xFFFFFEA0] =	vst v59  }
0x26d: {  	v28 =	vld.idx.msk [tilespmem:v33+s19+$0x0], $0xffff;
	[tilespmem:s31+$0xFFFFFEB0] =	vst v23  }
0x26e: {  	v23 =	vld.idx.msk [tilespmem:v34+s19+$0x0], $0xffff;
	[tilespmem:s31+$0xFFFFFEC0] =	vst v25  }
0x26f: {  	v25 =	vld.idx.msk [tilespmem:v35+s19+$0x0], $0xffff;
	[tilespmem:s31+$0xFFFFFFF0] =	vst v21  }
0x270: {  	[tilespmem:s31+$0xFFFFFED0] =	vst v22;
	v21 =	vld.idx.msk [tilespmem:v27+s19+$0x0], $0xffff  }
0x271: {  	v22 =	vld.idx.msk [tilespmem:v36+s19+$0x0], $0xffff;
	[tilespmem:s31+$0xFFFFFEE0] =	vst v26  }
0x272: {  	v26 =	vor.u32 $0x280, v3;
	[tilespmem:s31+$0xFFFFFF00] =	vst v24;
	v24 =	vld.idx.msk [tilespmem:v37+s19+$0x0], $0xffff  }
0x273: {  	[tilespmem:s31+$0xFFFFFF10] =	vst v28;
	v27 =	vld.idx.msk [tilespmem:v39+s19+$0x0], $0xffff  }
0x274: {  	v28 =	vld.idx.msk [tilespmem:v38+s19+$0x0], $0xffff;
	[tilespmem:s31+$0xFFFFFF20] =	vst v23  }
0x275: {  	v23 =	vld.idx.msk [tilespmem:v40+s19+$0x0], $0xffff;
	[tilespmem:s31+$0xFFFFFF30] =	vst v25  }
0x276: {  	v25 =	vld.idx.msk [tilespmem:v41+s19+$0x0], $0xffff;
	[tilespmem:s31+$0x70] =	vst v21  }
0x277: {  	[tilespmem:s31+$0xFFFFFF40] =	vst v22;
	v21 =	vld.idx.msk [tilespmem:v26+s19+$0x0], $0xffff  }
0x278: {  	v22 =	vld.idx.msk [tilespmem:v42+s19+$0x0], $0xffff;
	[tilespmem:s31+$0xFFFFFF50] =	vst v24  }
0x279: {  	v26 =	vor.u32 $0x300, v3;
	v24 =	vld.idx.msk [tilespmem:v43+s19+$0x0], $0xffff;
	[tilespmem:s31+$0xFFFFFF60] =	vst v27  }
0x27a: {  	[tilespmem:s31+$0xFFFFFF80] =	vst v28;
	v27 =	vld.idx.msk [tilespmem:v44+s19+$0x0], $0xffff  }
0x27b: {  	[tilespmem:s31+$0xFFFFFF90] =	vst v23;
	v23 =	vld.idx.msk [tilespmem:v45+s19+$0x0], $0xffff  }
0x27c: {  	v28 =	vld.idx.msk [tilespmem:v46+s19+$0x0], $0xffff;
	[tilespmem:s31+$0xFFFFFFA0] =	vst v25  }
0x27d: {  	v25 =	vld.idx.msk [tilespmem:v47+s19+$0x0], $0xffff;
	[tilespmem:s31+$0xF0] =	vst v21  }
0x27e: {  	[tilespmem:s31+$0xFFFFFFB0] =	vst v22;
	v21 =	vld.idx.msk [tilespmem:v26+s19+$0x0], $0xffff  }
0x27f: {  	v22 =	vld.idx.msk [tilespmem:v48+s19+$0x0], $0xffff;
	[tilespmem:s31+$0xFFFFFFC0] =	vst v24  }
0x280: {  	v3 =	vor.u32 $0x380, v3;
	v24 =	vld.idx.msk [tilespmem:v49+s19+$0x0], $0xffff;
	[tilespmem:s31+$0xFFFFFFD0] =	vst v27  }
0x281: {  	v26 =	vld.idx.msk [tilespmem:v50+s19+$0x0], $0xffff;
	[tilespmem:s31+$0xFFFFFFE0] =	vst v23  }
0x282: {  	[tilespmem:s31+$0x0] =	vst v28;
	v23 =	vld.idx.msk [tilespmem:v51+s19+$0x0], $0xffff  }
0x283: {  	[tilespmem:s31+$0x10] =	vst v25;
	v25 =	vld.idx.msk [tilespmem:v53+s19+$0x0], $0xffff  }
0x284: {  	v27 =	vld.idx.msk [tilespmem:v52+s19+$0x0], $0xffff;
	[tilespmem:s31+$0x170] =	vst v21  }
0x285: {  	[tilespmem:s31+$0x20] =	vst v22;
	v3 =	vld.idx.msk [tilespmem:v3+s19+$0x0], $0xffff  }
0x286: {  	v18 =	vld.idx.msk [tilespmem:v18+s19+$0x0], $0xffff;
	[tilespmem:s31+$0x30] =	vst v24  }
0x287: {  	v20 =	vld.idx.msk [tilespmem:v20+s19+$0x0], $0xffff;
	[tilespmem:s31+$0x40] =	vst v26  }
0x288: {  	v19 =	vld.idx.msk [tilespmem:v19+s19+$0x0], $0xffff;
	[tilespmem:s31+$0x50] =	vst v23  }
0x289: {  	v21 =	vld.idx.msk [tilespmem:v15+s19+$0x0], $0xffff;
	[tilespmem:s31+$0x60] =	vst v25  }
0x28a: {  	[tilespmem:s31+$0x80] =	vst v27;
	v17 =	vld.idx.msk [tilespmem:v17+s19+$0x0], $0xffff  }
0x28b: {  	v15 =	vld.idx.msk [tilespmem:v16+s19+$0x0], $0xffff;
	[tilespmem:s31+$0x1F0] =	vst v3  }
.Ltmp3:
0x28c: {  	v14 =	vld.idx.msk [tilespmem:v14+s19+$0x0], $0xffff;
	[tilespmem:s31+$0x90] =	vst v18;
	(pc) =	sbr.rel @p0 .LBB2_9-.Ltmp3, $4  }
0x28d: {  	v13 =	vld.idx.msk [tilespmem:v13+s19+$0x0], $0xffff;
	[tilespmem:s31+$0xA0] =	vst v20  }
0x28e: {  	v16 =	vld.idx.msk [tilespmem:v10+s19+$0x0], $0xffff;
	[tilespmem:s31+$0xB0] =	vst v19  }
0x28f: {  	v3 =	vld.idx.msk [tilespmem:v12+s19+$0x0], $0xffff;
	[tilespmem:s31+$0xC0] =	vst v21  }
0x290: {  	s3 =	sadd.s32 $0x80, s3;
	v10 =	vld.idx.msk [tilespmem:v11+s19+$0x0], $0xffff;
	[tilespmem:s31+$0xD0] =	vst v17  }
0x291: {  	_ =	sdelay $0x2  }
0x292: {  	[tilespmem:s31+$0xE0] =	vst v15  }
0x293: {  	[tilespmem:s31+$0x100] =	vst v14;
	v8 =	vld.idx.msk [tilespmem:v8+s19+$0x0], $0xffff  }
0x294: {  	[tilespmem:s31+$0x110] =	vst v13;
	v9 =	vld.idx.msk [tilespmem:v9+s19+$0x0], $0xffff  }
0x295: {  	v7 =	vld.idx.msk [tilespmem:v7+s19+$0x0], $0xffff;
	[tilespmem:s31+$0x120] =	vst v16  }
0x296: {  	v63 =	vld.idx.msk [tilespmem:v6+s19+$0x0], $0xffff;
	[tilespmem:s31+$0x130] =	vst v3  }
0x297: {  	v5 =	vld.idx.msk [tilespmem:v5+s19+$0x0], $0xffff;
	[tilespmem:s31+$0x140] =	vst v10  }
0x298: {  	v4 =	vld.idx.msk [tilespmem:v4+s19+$0x0], $0xffff;
	[tilespmem:s31+$0x150] =	vst v8  }
0x299: {  	v2 =	vld.idx.msk [tilespmem:v2+s19+$0x0], $0xffff;
	[tilespmem:s31+$0x160] =	vst v9  }
0x29a: {  	[tilespmem:s31+$0x180] =	vst v7;
	v1 =	vld.idx.msk [tilespmem:v1+s19+$0x0], $0xffff  }
0x29b: {  	[tilespmem:s0+$0x190] =	vst v63;
	v0 =	vld.idx.msk [tilespmem:v0+s19+$0x0], $0xffff  }
0x29c: {  	[tilespmem:s0+$0x1A0] =	vst v5  }
0x29d: {  	s1 =	sadd.s32 s30, s6;
	s29 =	sadd.s32 $0x1, s29;
	[tilespmem:s0+$0x1B0] =	vst v4  }
0x29e: {  	s1 =	sshll.u32 s1, $0x8;
	p0 =	sne.s32 s29, $0xF;
	[tilespmem:s0+$0x1C0] =	vst v2  }
.Ltmp4:
0x29f: {  	s1 =	sadd.s32 s4, s1;
	s31 =	sadd.s32 s30, s14;
	[tilespmem:s0+$0x1D0] =	vst v1;
	(pc) =	sbr.rel @p0 .LBB2_6-.Ltmp4, $4  }
0x2a0: {  	s3 =	sadd.s32 $0x800, s1;
	[tilespmem:s0+$0x1E0] =	vst v0;
	s0 =	sshll.u32 s31, $0x8  }
0x2a1: {  	[hbm4b:s3+s5] =	stream.linear.scatter [tilespmem:s24], [sflag:$0x4], $0x4000, $0x38;
	[tilespmem:$0x10800] =	vst v63  }
0x2a2: {  	s0 =	sadd.s32 s2, s0  }
0x2a3: {  	[tilespmem:s19], [sflag:$0x2] =	stream.linear.gather [hbm4b:s0+s5], $0x4000, $0x38;
	[tilespmem:$0x10800] =	vst v63  }
0x2a4: {  	_ =	swait.ge [sflag:s21], $0x4000  }
0x2a5: {  	[sflag:s21] =	ssyncset.done $0x0  }
0x2a6: {  	[sflag:s21] =	ssyncadd.s32 $0xFFFFC000  }
0x2a7: {  	_ =	swait.ge [sflag:s25], $0x4000  }
0x2a8: {  	[sflag:s25] =	ssyncset.done $0x0  }
0x2a9: {  	s0 =	simm.s32 $0x40;
	[sflag:s25] =	ssyncadd.s32 $0xFFFFC000  }
0x2aa: {  	v0 =	vld [tilespmem:s0+$0x30];
	_ =	sdelay $0x3  }
0x2ab: {  	v1 =	vld [tilespmem:s0+$0xFFFFFFD0]  }
0x2ac: {  	v2 =	vshll.u32 v0, $0x3  }
0x2ad: {  	v3 =	vld [tilespmem:s0+$0xFFFFFFE0];
	v0 =	vand.u32 $0x7F, v0;
	v2 =	vand.u32 $0xFFFFFC00, v2  }
0x2ae: {  	v5 =	vld [tilespmem:s0+$0xFFFFFFC0];
	v4 =	vor.u32 v0, v2;
	_ =	sdelay $0x1  }
0x2af: {  	v2 =	vld [tilespmem:s0+$0xFFFFFFF0];
	v0 =	vshll.u32 v1, $0x3  }
0x2b0: {  	v7 =	vld [tilespmem:s0+$0x10];
	v1 =	vand.u32 $0x7F, v1;
	v8 =	vand.u32 $0xFFFFFC00, v0  }
0x2b1: {  	v6 =	vld [tilespmem:s0+$0x0];
	v0 =	vshll.u32 v3, $0x3;
	v1 =	vor.u32 v1, v8  }
0x2b2: {  	v11 =	vor.u32 $0x80, v4;
	v9 =	vand.u32 $0xFFFFFC00, v0;
	v0 =	vshll.u32 v5, $0x3;
	v10 =	vld.idx.msk [tilespmem:v4+s18+$0x0], $0xffff  }
0x2b3: {  	v12 =	vld [tilespmem:s0+$0x20];
	v3 =	vand.u32 $0x7F, v3;
	v5 =	vand.u32 $0x7F, v5;
	v0 =	vand.u32 $0xFFFFFC00, v0  }
0x2b4: {  	v0 =	vor.u32 v5, v0;
	v13 =	vshll.u32 v2, $0x3;
	v8 =	vand.u32 $0x7F, v2  }
0x2b5: {  	v2 =	vor.u32 v3, v9;
	v9 =	vshll.u32 v7, $0x3;
	v5 =	vand.u32 $0xFFFFFC00, v13  }
0x2b6: {  	s29 =	simm.s32 $0x8A00;
	v13 =	vshll.u32 v6, $0x3;
	v3 =	vor.u32 v8, v5;
	v5 =	vand.u32 $0xFFFFFC00, v9;
	v9 =	vld.idx.msk [tilespmem:v1+s18+$0x0], $0xffff  }
0x2b7: {  	v15 =	vor.u32 $0x80, v1;
	v6 =	vand.u32 $0x7F, v6;
	v13 =	vand.u32 $0xFFFFFC00, v13;
	[tilespmem:s29+$0xFFFFFE70] =	vst v10  }
0x2b8: {  	v7 =	vand.u32 $0x7F, v7;
	v8 =	vshll.u32 v12, $0x3;
	v10 =	vor.u32 v6, v13;
	v6 =	vld.idx.msk [tilespmem:v11+s18+$0x0], $0xffff  }
0x2b9: {  	v11 =	vor.u32 v7, v5;
	v5 =	vld.idx.msk [tilespmem:v0+s18+$0x0], $0xffff;
	v7 =	vand.u32 $0xFFFFFC00, v8;
	v8 =	vand.u32 $0x7F, v12  }
0x2ba: {  	v13 =	vor.u32 $0x100, v4;
	v12 =	vor.u32 v8, v7;
	v7 =	vld.idx.msk [tilespmem:v2+s18+$0x0], $0xffff  }
0x2bb: {  	v8 =	vor.u32 $0x80, v0;
	v14 =	vld.idx.msk [tilespmem:v3+s18+$0x0], $0xffff;
	[tilespmem:s29+$0xFFFFFE10] =	vst v9  }
0x2bc: {  	v15 =	vld.idx.msk [tilespmem:v15+s18+$0x0], $0xffff  }
0x2bd: {  	v17 =	vor.u32 $0x80, v2;
	v16 =	vld.idx.msk [tilespmem:v10+s18+$0x0], $0xffff  }
0x2be: {  	v18 =	vld.idx.msk [tilespmem:v11+s18+$0x0], $0xffff;
	[tilespmem:s29+$0xFFFFFEF0] =	vst v6;
	v6 =	vor.u32 $0x80, v3  }
0x2bf: {  	[tilespmem:s29+$0xFFFFFE00] =	vst v5;
	v5 =	vld.idx.msk [tilespmem:v13+s18+$0x0], $0xffff;
	v13 =	vor.u32 $0x80, v10  }
0x2c0: {  	v19 =	vor.u32 $0x80, v11;
	v8 =	vld.idx.msk [tilespmem:v8+s18+$0x0], $0xffff;
	[tilespmem:s29+$0xFFFFFE20] =	vst v7  }
0x2c1: {  	v9 =	vld.idx.msk [tilespmem:v12+s18+$0x0], $0xffff;
	v7 =	vor.u32 $0x180, v4;
	[tilespmem:s29+$0xFFFFFE30] =	vst v14  }
0x2c2: {  	v14 =	vor.u32 $0x80, v12;
	v17 =	vld.idx.msk [tilespmem:v17+s18+$0x0], $0xffff;
	[tilespmem:s29+$0xFFFFFE40] =	vst v16  }
0x2c3: {  	v16 =	vor.u32 $0x100, v0;
	v6 =	vld.idx.msk [tilespmem:v6+s18+$0x0], $0xffff;
	[tilespmem:s29+$0xFFFFFE50] =	vst v18  }
0x2c4: {  	v18 =	vor.u32 $0x100, v1;
	v13 =	vld.idx.msk [tilespmem:v13+s18+$0x0], $0xffff;
	[tilespmem:s29+$0xFFFFFF70] =	vst v5  }
0x2c5: {  	v5 =	vor.u32 $0x100, v2;
	[tilespmem:s29+$0xFFFFFE80] =	vst v8;
	v8 =	vld.idx.msk [tilespmem:v19+s18+$0x0], $0xffff  }
0x2c6: {  	[tilespmem:s29+$0xFFFFFE60] =	vst v9;
	v9 =	vor.u32 $0x100, v3;
	v7 =	vld.idx.msk [tilespmem:v7+s18+$0x0], $0xffff  }
0x2c7: {  	[tilespmem:s29+$0xFFFFFE90] =	vst v15;
	v19 =	vor.u32 $0x100, v10;
	v14 =	vld.idx.msk [tilespmem:v14+s18+$0x0], $0xffff  }
0x2c8: {  	[tilespmem:s29+$0xFFFFFEA0] =	vst v17;
	v17 =	vor.u32 $0x100, v11;
	v16 =	vld.idx.msk [tilespmem:v16+s18+$0x0], $0xffff  }
0x2c9: {  	v15 =	vor.u32 $0x200, v4;
	v18 =	vld.idx.msk [tilespmem:v18+s18+$0x0], $0xffff;
	[tilespmem:s29+$0xFFFFFEB0] =	vst v6  }
0x2ca: {  	v6 =	vor.u32 $0x100, v12;
	v5 =	vld.idx.msk [tilespmem:v5+s18+$0x0], $0xffff;
	[tilespmem:s29+$0xFFFFFEC0] =	vst v13  }
0x2cb: {  	v13 =	vor.u32 $0x180, v0;
	v9 =	vld.idx.msk [tilespmem:v9+s18+$0x0], $0xffff;
	[tilespmem:s29+$0xFFFFFED0] =	vst v8  }
0x2cc: {  	[tilespmem:s29+$0xFFFFFFF0] =	vst v7;
	v7 =	vor.u32 $0x180, v1;
	v19 =	vld.idx.msk [tilespmem:v19+s18+$0x0], $0xffff  }
0x2cd: {  	[tilespmem:s29+$0xFFFFFEE0] =	vst v14;
	v14 =	vld.idx.msk [tilespmem:v17+s18+$0x0], $0xffff;
	v17 =	vor.u32 $0x180, v3  }
0x2ce: {  	v8 =	vld.idx.msk [tilespmem:v15+s18+$0x0], $0xffff;
	v15 =	vor.u32 $0x180, v2;
	[tilespmem:s29+$0xFFFFFF00] =	vst v16  }
0x2cf: {  	v16 =	vor.u32 $0x280, v4;
	[tilespmem:s29+$0xFFFFFF10] =	vst v18;
	v6 =	vld.idx.msk [tilespmem:v6+s18+$0x0], $0xffff  }
0x2d0: {  	v18 =	vor.u32 $0x180, v10;
	v13 =	vld.idx.msk [tilespmem:v13+s18+$0x0], $0xffff;
	[tilespmem:s29+$0xFFFFFF20] =	vst v5  }
0x2d1: {  	v5 =	vor.u32 $0x180, v11;
	[tilespmem:s29+$0xFFFFFF30] =	vst v9;
	v7 =	vld.idx.msk [tilespmem:v7+s18+$0x0], $0xffff  }
0x2d2: {  	v9 =	vor.u32 $0x180, v12;
	[tilespmem:s29+$0xFFFFFF40] =	vst v19;
	v17 =	vld.idx.msk [tilespmem:v17+s18+$0x0], $0xffff  }
0x2d3: {  	v15 =	vld.idx.msk [tilespmem:v15+s18+$0x0], $0xffff;
	[tilespmem:s29+$0x70] =	vst v8;
	v8 =	vor.u32 $0x200, v0  }
0x2d4: {  	v19 =	vor.u32 $0x200, v1;
	[tilespmem:s29+$0xFFFFFF50] =	vst v14;
	v16 =	vld.idx.msk [tilespmem:v16+s18+$0x0], $0xffff  }
0x2d5: {  	v14 =	vld.idx.msk [tilespmem:v18+s18+$0x0], $0xffff;
	[tilespmem:s29+$0xFFFFFF60] =	vst v6;
	v6 =	vor.u32 $0x300, v4  }
0x2d6: {  	v18 =	vor.u32 $0x200, v2;
	[tilespmem:s29+$0xFFFFFF80] =	vst v13;
	v5 =	vld.idx.msk [tilespmem:v5+s18+$0x0], $0xffff  }
0x2d7: {  	v13 =	vor.u32 $0x200, v3;
	[tilespmem:s29+$0xFFFFFF90] =	vst v7;
	v7 =	vld.idx.msk [tilespmem:v9+s18+$0x0], $0xffff  }
0x2d8: {  	v9 =	vor.u32 $0x200, v10;
	v8 =	vld.idx.msk [tilespmem:v8+s18+$0x0], $0xffff;
	[tilespmem:s29+$0xFFFFFFA0] =	vst v15  }
0x2d9: {  	v15 =	vor.u32 $0x200, v11;
	v19 =	vld.idx.msk [tilespmem:v19+s18+$0x0], $0xffff;
	[tilespmem:s29+$0xF0] =	vst v16  }
0x2da: {  	[tilespmem:s29+$0xFFFFFFB0] =	vst v17;
	v16 =	vor.u32 $0x200, v12;
	v6 =	vld.idx.msk [tilespmem:v6+s18+$0x0], $0xffff  }
0x2db: {  	v17 =	vor.u32 $0x280, v0;
	v18 =	vld.idx.msk [tilespmem:v18+s18+$0x0], $0xffff;
	[tilespmem:s29+$0xFFFFFFC0] =	vst v14  }
0x2dc: {  	v4 =	vor.u32 $0x380, v4;
	v13 =	vld.idx.msk [tilespmem:v13+s18+$0x0], $0xffff;
	[tilespmem:s29+$0xFFFFFFD0] =	vst v5  }
0x2dd: {  	v5 =	vor.u32 $0x280, v1;
	v9 =	vld.idx.msk [tilespmem:v9+s18+$0x0], $0xffff;
	[tilespmem:s29+$0xFFFFFFE0] =	vst v7  }
0x2de: {  	v7 =	vor.u32 $0x280, v2;
	[tilespmem:s29+$0x0] =	vst v8;
	v8 =	vld.idx.msk [tilespmem:v15+s18+$0x0], $0xffff  }
0x2df: {  	v14 =	vor.u32 $0x280, v3;
	[tilespmem:s29+$0x10] =	vst v19;
	v15 =	vld.idx.msk [tilespmem:v16+s18+$0x0], $0xffff  }
0x2e0: {  	v16 =	vor.u32 $0x280, v10;
	v17 =	vld.idx.msk [tilespmem:v17+s18+$0x0], $0xffff;
	[tilespmem:s29+$0x170] =	vst v6  }
0x2e1: {  	v6 =	vor.u32 $0x280, v11;
	[tilespmem:s29+$0x20] =	vst v18;
	v4 =	vld.idx.msk [tilespmem:v4+s18+$0x0], $0xffff  }
0x2e2: {  	v18 =	vor.u32 $0x280, v12;
	v5 =	vld.idx.msk [tilespmem:v5+s18+$0x0], $0xffff;
	[tilespmem:s29+$0x30] =	vst v13  }
0x2e3: {  	v13 =	vor.u32 $0x300, v0;
	v7 =	vld.idx.msk [tilespmem:v7+s18+$0x0], $0xffff;
	[tilespmem:s29+$0x40] =	vst v9  }
0x2e4: {  	v9 =	vor.u32 $0x300, v1;
	v19 =	vld.idx.msk [tilespmem:v14+s18+$0x0], $0xffff;
	[tilespmem:s29+$0x50] =	vst v8  }
0x2e5: {  	v20 =	vor.u32 $0x300, v2;
	v21 =	vld.idx.msk [tilespmem:v16+s18+$0x0], $0xffff;
	[tilespmem:s29+$0x60] =	vst v15  }
0x2e6: {  	v22 =	vor.u32 $0x300, v3;
	[tilespmem:s29+$0x80] =	vst v17;
	v17 =	vld.idx.msk [tilespmem:v6+s18+$0x0], $0xffff  }
0x2e7: {  	v23 =	vor.u32 $0x300, v10;
	v15 =	vld.idx.msk [tilespmem:v18+s18+$0x0], $0xffff;
	[tilespmem:s29+$0x1F0] =	vst v4  }
0x2e8: {  	v14 =	vld.idx.msk [tilespmem:v13+s18+$0x0], $0xffff;
	[tilespmem:s29+$0x90] =	vst v5  }
0x2e9: {  	v13 =	vld.idx.msk [tilespmem:v9+s18+$0x0], $0xffff;
	[tilespmem:s29+$0xA0] =	vst v7  }
0x2ea: {  	v8 =	vor.u32 $0x300, v11;
	v6 =	vor.u32 $0x380, v1;
	v1 =	vor.u32 $0x380, v11;
	[tilespmem:s29+$0xB0] =	vst v19;
	v16 =	vld.idx.msk [tilespmem:v20+s18+$0x0], $0xffff  }
0x2eb: {  	v5 =	vor.u32 $0x380, v2;
	v4 =	vor.u32 $0x380, v3;
	v2 =	vor.u32 $0x380, v10;
	v3 =	vld.idx.msk [tilespmem:v22+s18+$0x0], $0xffff;
	[tilespmem:s29+$0xC0] =	vst v21  }
0x2ec: {  	s1 =	simm.s32 $0x0;
	s3 =	simm.s32 $0xC0;
	s0 =	simm.s32 $0x8A00;
	v7 =	vor.u32 $0x380, v0;
	v9 =	vor.u32 $0x300, v12;
	v0 =	vor.u32 $0x380, v12;
	v10 =	vld.idx.msk [tilespmem:v23+s18+$0x0], $0xffff;
	[tilespmem:s29+$0xD0] =	vst v17  }
.LBB2_12:
0x2ed: {  	v11 =	vld [tilespmem:s3+$0x30];
	s1 =	sadd.s32 $0x8, s1;
	[tilespmem:s29+$0xE0] =	vst v15  }
0x2ee: {  	v12 =	vld [tilespmem:s3+$0xFFFFFFD0];
	p0 =	slt.u32 s1, $0x78;
	[tilespmem:s29+$0x100] =	vst v14  }
0x2ef: {  	v14 =	vld [tilespmem:s3+$0xFFFFFFE0];
	[tilespmem:s29+$0x110] =	vst v13  }
0x2f0: {  	v13 =	vld [tilespmem:s3+$0xFFFFFFF0];
	[tilespmem:s29+$0x120] =	vst v16  }
0x2f1: {  	v15 =	vld [tilespmem:s3+$0x0];
	[tilespmem:s29+$0x130] =	vst v3  }
0x2f2: {  	v16 =	vld [tilespmem:s3+$0x10];
	v3 =	vshll.u32 v11, $0x3;
	[tilespmem:s29+$0x140] =	vst v10  }
0x2f3: {  	v11 =	vand.u32 $0x7F, v11;
	v10 =	vshll.u32 v12, $0x3;
	v17 =	vld [tilespmem:s3+$0x20];
	v3 =	vand.u32 $0xFFFFFC00, v3  }
0x2f4: {  	v18 =	vld [tilespmem:s3+$0xFFFFFFC0];
	v10 =	vand.u32 $0xFFFFFC00, v10;
	v19 =	vshll.u32 v14, $0x3;
	v3 =	vor.u32 v11, v3  }
0x2f5: {  	v11 =	vand.u32 $0x7F, v12;
	v12 =	vand.u32 $0xFFFFFC00, v19;
	v19 =	vshll.u32 v13, $0x3;
	v8 =	vld.idx.msk [tilespmem:v8+s18+$0x0], $0xffff  }
0x2f6: {  	v14 =	vand.u32 $0x7F, v14;
	v19 =	vand.u32 $0xFFFFFC00, v19;
	v20 =	vshll.u32 v15, $0x3;
	v9 =	vld.idx.msk [tilespmem:v9+s18+$0x0], $0xffff  }
0x2f7: {  	v13 =	vand.u32 $0x7F, v13;
	v20 =	vand.u32 $0xFFFFFC00, v20;
	v21 =	vshll.u32 v16, $0x3;
	v7 =	vld.idx.msk [tilespmem:v7+s18+$0x0], $0xffff  }
0x2f8: {  	v15 =	vand.u32 $0x7F, v15;
	v21 =	vand.u32 $0xFFFFFC00, v21;
	v22 =	vshll.u32 v17, $0x3;
	v6 =	vld.idx.msk [tilespmem:v6+s18+$0x0], $0xffff  }
0x2f9: {  	v23 =	vand.u32 $0x7F, v18;
	v18 =	vshll.u32 v18, $0x3;
	v22 =	vand.u32 $0xFFFFFC00, v22;
	v24 =	vld.idx.msk [tilespmem:v3+s18+$0x0], $0xffff  }
0x2fa: {  	v16 =	vand.u32 $0x7F, v16;
	v17 =	vand.u32 $0x7F, v17;
	v18 =	vand.u32 $0xFFFFFC00, v18;
	v5 =	vld.idx.msk [tilespmem:v5+s18+$0x0], $0xffff  }
0x2fb: {  	v25 =	vor.u32 v11, v10;
	v10 =	vor.u32 $0x80, v3;
	v23 =	vor.u32 v23, v18;
	v4 =	vld.idx.msk [tilespmem:v4+s18+$0x0], $0xffff;
	[tilespmem:s29+$0x150] =	vst v8  }
0x2fc: {  	v26 =	vor.u32 v14, v12;
	v27 =	vor.u32 v13, v19;
	v28 =	vor.u32 v15, v20;
	[tilespmem:s29+$0x160] =	vst v9  }
0x2fd: {  	v21 =	vor.u32 v16, v21;
	v22 =	vor.u32 v17, v22;
	v8 =	vor.u32 $0x80, v23;
	[tilespmem:s29+$0x180] =	vst v7;
	v2 =	vld.idx.msk [tilespmem:v2+s18+$0x0], $0xffff  }
0x2fe: {  	v29 =	vor.u32 $0x80, v27;
	v9 =	vor.u32 $0x80, v26;
	v7 =	vor.u32 $0x80, v25;
	s29 =	sadd.s32 $0x400, s29;
	[tilespmem:s0+$0x190] =	vst v6;
	v1 =	vld.idx.msk [tilespmem:v1+s18+$0x0], $0xffff  }
0x2ff: {  	v30 =	vor.u32 $0x80, v28;
	v31 =	vor.u32 $0x80, v21;
	v32 =	vor.u32 $0x80, v22;
	[tilespmem:s29+$0xFFFFFE70] =	vst v24;
	v0 =	vld.idx.msk [tilespmem:v0+s18+$0x0], $0xffff  }
0x300: {  	v33 =	vor.u32 $0x100, v25;
	v34 =	vor.u32 $0x100, v26;
	v24 =	vor.u32 $0x100, v23;
	v6 =	vld.idx.msk [tilespmem:v10+s18+$0x0], $0xffff;
	[tilespmem:s0+$0x1A0] =	vst v5  }
0x301: {  	v35 =	vor.u32 $0x100, v27;
	v36 =	vor.u32 $0x100, v28;
	v37 =	vor.u32 $0x100, v21;
	v5 =	vld.idx.msk [tilespmem:v23+s18+$0x0], $0xffff;
	[tilespmem:s0+$0x1B0] =	vst v4  }
0x302: {  	v39 =	vor.u32 $0x100, v22;
	v38 =	vor.u32 $0x180, v23;
	v10 =	vor.u32 $0x100, v3;
	v4 =	vld.idx.msk [tilespmem:v25+s18+$0x0], $0xffff  }
0x303: {  	v40 =	vor.u32 $0x180, v25;
	v41 =	vor.u32 $0x180, v26;
	v42 =	vor.u32 $0x180, v27;
	v11 =	vld.idx.msk [tilespmem:v26+s18+$0x0], $0xffff;
	[tilespmem:s0+$0x1C0] =	vst v2  }
0x304: {  	v43 =	vor.u32 $0x180, v28;
	v44 =	vor.u32 $0x180, v21;
	v45 =	vor.u32 $0x180, v22;
	v2 =	vld.idx.msk [tilespmem:v27+s18+$0x0], $0xffff;
	[tilespmem:s0+$0x1D0] =	vst v1  }
0x305: {  	v47 =	vor.u32 $0x200, v25;
	v48 =	vor.u32 $0x200, v26;
	v46 =	vor.u32 $0x200, v23;
	v1 =	vld.idx.msk [tilespmem:v28+s18+$0x0], $0xffff;
	[tilespmem:s0+$0x1E0] =	vst v0;
	s0 =	smov.u32 s29  }
0x306: {  	v49 =	vor.u32 $0x200, v27;
	v50 =	vor.u32 $0x200, v28;
	v51 =	vor.u32 $0x200, v21;
	v0 =	vld.idx.msk [tilespmem:v21+s18+$0x0], $0xffff;
	[tilespmem:s29+$0xFFFFFEF0] =	vst v6  }
0x307: {  	v18 =	vor.u32 $0x280, v25;
	v53 =	vor.u32 $0x200, v22;
	v52 =	vor.u32 $0x280, v23;
	[tilespmem:s29+$0xFFFFFE00] =	vst v5;
	v54 =	vld.idx.msk [tilespmem:v10+s18+$0x0], $0xffff  }
0x308: {  	v20 =	vor.u32 $0x280, v26;
	v19 =	vor.u32 $0x280, v27;
	v15 =	vor.u32 $0x280, v28;
	[tilespmem:s29+$0xFFFFFE10] =	vst v4;
	v55 =	vld.idx.msk [tilespmem:v22+s18+$0x0], $0xffff  }
0x309: {  	v57 =	vor.u32 $0x180, v3;
	v17 =	vor.u32 $0x280, v21;
	v16 =	vor.u32 $0x280, v22;
	v56 =	vld.idx.msk [tilespmem:v8+s18+$0x0], $0xffff;
	[tilespmem:s29+$0xFFFFFE20] =	vst v11  }
0x30a: {  	v13 =	vor.u32 $0x300, v25;
	v14 =	vor.u32 $0x300, v23;
	v10 =	vor.u32 $0x300, v26;
	v58 =	vld.idx.msk [tilespmem:v7+s18+$0x0], $0xffff;
	[tilespmem:s29+$0xFFFFFE30] =	vst v2  }
0x30b: {  	v12 =	vor.u32 $0x300, v27;
	v11 =	vor.u32 $0x300, v28;
	v8 =	vor.u32 $0x300, v21;
	v59 =	vld.idx.msk [tilespmem:v9+s18+$0x0], $0xffff;
	[tilespmem:s29+$0xFFFFFE40] =	vst v1  }
0x30c: {  	v6 =	vor.u32 $0x380, v25;
	v7 =	vor.u32 $0x380, v23;
	v9 =	vor.u32 $0x300, v22;
	v23 =	vld.idx.msk [tilespmem:v29+s18+$0x0], $0xffff;
	[tilespmem:s29+$0xFFFFFE50] =	vst v0  }
0x30d: {  	v5 =	vor.u32 $0x380, v26;
	v4 =	vor.u32 $0x380, v27;
	v2 =	vor.u32 $0x380, v28;
	v25 =	vld.idx.msk [tilespmem:v30+s18+$0x0], $0xffff;
	[tilespmem:s29+$0xFFFFFF70] =	vst v54  }
0x30e: {  	v1 =	vor.u32 $0x380, v21;
	v0 =	vor.u32 $0x380, v22;
	[tilespmem:s29+$0xFFFFFE60] =	vst v55;
	v21 =	vld.idx.msk [tilespmem:v57+s18+$0x0], $0xffff  }
0x30f: {  	[tilespmem:s29+$0xFFFFFE80] =	vst v56;
	v22 =	vld.idx.msk [tilespmem:v31+s18+$0x0], $0xffff  }
0x310: {  	v27 =	vor.u32 $0x200, v3;
	[tilespmem:s29+$0xFFFFFE90] =	vst v58;
	v26 =	vld.idx.msk [tilespmem:v32+s18+$0x0], $0xffff  }
0x311: {  	v24 =	vld.idx.msk [tilespmem:v24+s18+$0x0], $0xffff;
	[tilespmem:s29+$0xFFFFFEA0] =	vst v59  }
0x312: {  	v28 =	vld.idx.msk [tilespmem:v33+s18+$0x0], $0xffff;
	[tilespmem:s29+$0xFFFFFEB0] =	vst v23  }
0x313: {  	v23 =	vld.idx.msk [tilespmem:v34+s18+$0x0], $0xffff;
	[tilespmem:s29+$0xFFFFFEC0] =	vst v25  }
0x314: {  	v25 =	vld.idx.msk [tilespmem:v35+s18+$0x0], $0xffff;
	[tilespmem:s29+$0xFFFFFFF0] =	vst v21  }
0x315: {  	[tilespmem:s29+$0xFFFFFED0] =	vst v22;
	v21 =	vld.idx.msk [tilespmem:v27+s18+$0x0], $0xffff  }
0x316: {  	v22 =	vld.idx.msk [tilespmem:v36+s18+$0x0], $0xffff;
	[tilespmem:s29+$0xFFFFFEE0] =	vst v26  }
0x317: {  	v26 =	vor.u32 $0x280, v3;
	[tilespmem:s29+$0xFFFFFF00] =	vst v24;
	v24 =	vld.idx.msk [tilespmem:v37+s18+$0x0], $0xffff  }
0x318: {  	[tilespmem:s29+$0xFFFFFF10] =	vst v28;
	v27 =	vld.idx.msk [tilespmem:v39+s18+$0x0], $0xffff  }
0x319: {  	v28 =	vld.idx.msk [tilespmem:v38+s18+$0x0], $0xffff;
	[tilespmem:s29+$0xFFFFFF20] =	vst v23  }
0x31a: {  	v23 =	vld.idx.msk [tilespmem:v40+s18+$0x0], $0xffff;
	[tilespmem:s29+$0xFFFFFF30] =	vst v25  }
0x31b: {  	v25 =	vld.idx.msk [tilespmem:v41+s18+$0x0], $0xffff;
	[tilespmem:s29+$0x70] =	vst v21  }
0x31c: {  	[tilespmem:s29+$0xFFFFFF40] =	vst v22;
	v21 =	vld.idx.msk [tilespmem:v26+s18+$0x0], $0xffff  }
0x31d: {  	v22 =	vld.idx.msk [tilespmem:v42+s18+$0x0], $0xffff;
	[tilespmem:s29+$0xFFFFFF50] =	vst v24  }
0x31e: {  	v26 =	vor.u32 $0x300, v3;
	v24 =	vld.idx.msk [tilespmem:v43+s18+$0x0], $0xffff;
	[tilespmem:s29+$0xFFFFFF60] =	vst v27  }
0x31f: {  	[tilespmem:s29+$0xFFFFFF80] =	vst v28;
	v27 =	vld.idx.msk [tilespmem:v44+s18+$0x0], $0xffff  }
0x320: {  	[tilespmem:s29+$0xFFFFFF90] =	vst v23;
	v23 =	vld.idx.msk [tilespmem:v45+s18+$0x0], $0xffff  }
0x321: {  	v28 =	vld.idx.msk [tilespmem:v46+s18+$0x0], $0xffff;
	[tilespmem:s29+$0xFFFFFFA0] =	vst v25  }
0x322: {  	v25 =	vld.idx.msk [tilespmem:v47+s18+$0x0], $0xffff;
	[tilespmem:s29+$0xF0] =	vst v21  }
0x323: {  	[tilespmem:s29+$0xFFFFFFB0] =	vst v22;
	v21 =	vld.idx.msk [tilespmem:v26+s18+$0x0], $0xffff  }
0x324: {  	v22 =	vld.idx.msk [tilespmem:v48+s18+$0x0], $0xffff;
	[tilespmem:s29+$0xFFFFFFC0] =	vst v24  }
0x325: {  	v3 =	vor.u32 $0x380, v3;
	v24 =	vld.idx.msk [tilespmem:v49+s18+$0x0], $0xffff;
	[tilespmem:s29+$0xFFFFFFD0] =	vst v27  }
0x326: {  	v26 =	vld.idx.msk [tilespmem:v50+s18+$0x0], $0xffff;
	[tilespmem:s29+$0xFFFFFFE0] =	vst v23  }
0x327: {  	[tilespmem:s29+$0x0] =	vst v28;
	v23 =	vld.idx.msk [tilespmem:v51+s18+$0x0], $0xffff  }
0x328: {  	[tilespmem:s29+$0x10] =	vst v25;
	v25 =	vld.idx.msk [tilespmem:v53+s18+$0x0], $0xffff  }
0x329: {  	v27 =	vld.idx.msk [tilespmem:v52+s18+$0x0], $0xffff;
	[tilespmem:s29+$0x170] =	vst v21  }
0x32a: {  	[tilespmem:s29+$0x20] =	vst v22;
	v3 =	vld.idx.msk [tilespmem:v3+s18+$0x0], $0xffff  }
0x32b: {  	v18 =	vld.idx.msk [tilespmem:v18+s18+$0x0], $0xffff;
	[tilespmem:s29+$0x30] =	vst v24  }
0x32c: {  	v20 =	vld.idx.msk [tilespmem:v20+s18+$0x0], $0xffff;
	[tilespmem:s29+$0x40] =	vst v26  }
0x32d: {  	v19 =	vld.idx.msk [tilespmem:v19+s18+$0x0], $0xffff;
	[tilespmem:s29+$0x50] =	vst v23  }
0x32e: {  	v21 =	vld.idx.msk [tilespmem:v15+s18+$0x0], $0xffff;
	[tilespmem:s29+$0x60] =	vst v25  }
0x32f: {  	[tilespmem:s29+$0x80] =	vst v27;
	v17 =	vld.idx.msk [tilespmem:v17+s18+$0x0], $0xffff  }
0x330: {  	v15 =	vld.idx.msk [tilespmem:v16+s18+$0x0], $0xffff;
	[tilespmem:s29+$0x1F0] =	vst v3  }
.Ltmp5:
0x331: {  	v14 =	vld.idx.msk [tilespmem:v14+s18+$0x0], $0xffff;
	[tilespmem:s29+$0x90] =	vst v18;
	(pc) =	sbr.rel @p0 .LBB2_12-.Ltmp5, $4  }
0x332: {  	v13 =	vld.idx.msk [tilespmem:v13+s18+$0x0], $0xffff;
	[tilespmem:s29+$0xA0] =	vst v20  }
0x333: {  	v16 =	vld.idx.msk [tilespmem:v10+s18+$0x0], $0xffff;
	[tilespmem:s29+$0xB0] =	vst v19  }
0x334: {  	v3 =	vld.idx.msk [tilespmem:v12+s18+$0x0], $0xffff;
	[tilespmem:s29+$0xC0] =	vst v21  }
0x335: {  	s3 =	sadd.s32 $0x80, s3;
	v10 =	vld.idx.msk [tilespmem:v11+s18+$0x0], $0xffff;
	[tilespmem:s29+$0xD0] =	vst v17  }
0x336: {  	_ =	sdelay $0x2  }
0x337: {  	[tilespmem:s29+$0xE0] =	vst v15  }
0x338: {  	[tilespmem:s29+$0x100] =	vst v14;
	v8 =	vld.idx.msk [tilespmem:v8+s18+$0x0], $0xffff  }
0x339: {  	[tilespmem:s29+$0x110] =	vst v13;
	v9 =	vld.idx.msk [tilespmem:v9+s18+$0x0], $0xffff  }
0x33a: {  	v7 =	vld.idx.msk [tilespmem:v7+s18+$0x0], $0xffff;
	[tilespmem:s29+$0x120] =	vst v16  }
0x33b: {  	[tilespmem:s29+$0x130] =	vst v3;
	v3 =	vld.idx.msk [tilespmem:v6+s18+$0x0], $0xffff  }
0x33c: {  	v5 =	vld.idx.msk [tilespmem:v5+s18+$0x0], $0xffff;
	[tilespmem:s29+$0x140] =	vst v10  }
0x33d: {  	v4 =	vld.idx.msk [tilespmem:v4+s18+$0x0], $0xffff;
	[tilespmem:s29+$0x150] =	vst v8  }
0x33e: {  	v2 =	vld.idx.msk [tilespmem:v2+s18+$0x0], $0xffff;
	[tilespmem:s29+$0x160] =	vst v9  }
0x33f: {  	[tilespmem:s29+$0x180] =	vst v7;
	v1 =	vld.idx.msk [tilespmem:v1+s18+$0x0], $0xffff  }
0x340: {  	v0 =	vld.idx.msk [tilespmem:v0+s18+$0x0], $0xffff;
	[tilespmem:s0+$0x190] =	vst v3  }
0x341: {  	[tilespmem:s0+$0x1A0] =	vst v5  }
0x342: {  	[tilespmem:s0+$0x1B0] =	vst v4  }
0x343: {  	[tilespmem:s0+$0x1C0] =	vst v2  }
0x344: {  	[tilespmem:s0+$0x1D0] =	vst v1  }
0x345: {  	[tilespmem:s0+$0x1E0] =	vst v0  }
0x346: {  	[hbm4b:s15+s5] =	stream.linear.scatter [tilespmem:s22], [sflag:$0x3], $0x4000, $0x38;
	[tilespmem:$0x10800] =	vst v63  }
0x347: {  	_ =	swait.ge [sflag:s23], $0x4000  }
0x348: {  	[sflag:s23] =	ssyncset.done $0x0  }
0x349: {  	[sflag:s23] =	ssyncadd.s32 $0xFFFFC000  }
0x34a: {  	_ =	swait.ge [sflag:s26], $0x4000  }
0x34b: {  	[sflag:s26] =	ssyncset.done $0x0  }
0x34c: {  	s31 =	simm.s32 $0x40;
	[sflag:s26] =	ssyncadd.s32 $0xFFFFC000  }
0x34d: {  	v0 =	vld [tilespmem:s31+$0x30];
	_ =	sdelay $0x3  }
0x34e: {  	v1 =	vld [tilespmem:s31+$0xFFFFFFD0]  }
0x34f: {  	v2 =	vshll.u32 v0, $0x3  }
0x350: {  	v3 =	vld [tilespmem:s31+$0xFFFFFFE0];
	v0 =	vand.u32 $0x7F, v0;
	v2 =	vand.u32 $0xFFFFFC00, v2  }
0x351: {  	v5 =	vld [tilespmem:s31+$0xFFFFFFC0];
	v4 =	vor.u32 v0, v2;
	_ =	sdelay $0x1  }
0x352: {  	v2 =	vld [tilespmem:s31+$0xFFFFFFF0];
	v0 =	vshll.u32 v1, $0x3  }
0x353: {  	v7 =	vld [tilespmem:s31+$0x10];
	v1 =	vand.u32 $0x7F, v1;
	v8 =	vand.u32 $0xFFFFFC00, v0  }
0x354: {  	v6 =	vld [tilespmem:s31+$0x0];
	v0 =	vshll.u32 v3, $0x3;
	v1 =	vor.u32 v1, v8  }
0x355: {  	v11 =	vor.u32 $0x80, v4;
	v9 =	vand.u32 $0xFFFFFC00, v0;
	v0 =	vshll.u32 v5, $0x3;
	v10 =	vld.idx.msk [tilespmem:v4+s19+$0x0], $0xffff  }
0x356: {  	v12 =	vld [tilespmem:s31+$0x20];
	v3 =	vand.u32 $0x7F, v3;
	v5 =	vand.u32 $0x7F, v5;
	v0 =	vand.u32 $0xFFFFFC00, v0  }
0x357: {  	v0 =	vor.u32 v5, v0;
	v13 =	vshll.u32 v2, $0x3;
	v8 =	vand.u32 $0x7F, v2  }
0x358: {  	v2 =	vor.u32 v3, v9;
	v9 =	vshll.u32 v7, $0x3;
	v5 =	vand.u32 $0xFFFFFC00, v13  }
0x359: {  	s29 =	simm.s32 $0xCA00;
	v13 =	vshll.u32 v6, $0x3;
	v3 =	vor.u32 v8, v5;
	v5 =	vand.u32 $0xFFFFFC00, v9;
	v9 =	vld.idx.msk [tilespmem:v1+s19+$0x0], $0xffff  }
0x35a: {  	v15 =	vor.u32 $0x80, v1;
	v6 =	vand.u32 $0x7F, v6;
	v13 =	vand.u32 $0xFFFFFC00, v13;
	[tilespmem:s29+$0xFFFFFE70] =	vst v10  }
0x35b: {  	v7 =	vand.u32 $0x7F, v7;
	v8 =	vshll.u32 v12, $0x3;
	v10 =	vor.u32 v6, v13;
	v6 =	vld.idx.msk [tilespmem:v11+s19+$0x0], $0xffff  }
0x35c: {  	v11 =	vor.u32 v7, v5;
	v5 =	vld.idx.msk [tilespmem:v0+s19+$0x0], $0xffff;
	v7 =	vand.u32 $0xFFFFFC00, v8;
	v8 =	vand.u32 $0x7F, v12  }
0x35d: {  	v13 =	vor.u32 $0x100, v4;
	v12 =	vor.u32 v8, v7;
	v7 =	vld.idx.msk [tilespmem:v2+s19+$0x0], $0xffff  }
0x35e: {  	v8 =	vor.u32 $0x80, v0;
	v14 =	vld.idx.msk [tilespmem:v3+s19+$0x0], $0xffff;
	[tilespmem:s29+$0xFFFFFE10] =	vst v9  }
0x35f: {  	v15 =	vld.idx.msk [tilespmem:v15+s19+$0x0], $0xffff  }
0x360: {  	v17 =	vor.u32 $0x80, v2;
	v16 =	vld.idx.msk [tilespmem:v10+s19+$0x0], $0xffff  }
0x361: {  	v18 =	vld.idx.msk [tilespmem:v11+s19+$0x0], $0xffff;
	[tilespmem:s29+$0xFFFFFEF0] =	vst v6;
	v6 =	vor.u32 $0x80, v3  }
0x362: {  	[tilespmem:s29+$0xFFFFFE00] =	vst v5;
	v5 =	vld.idx.msk [tilespmem:v13+s19+$0x0], $0xffff;
	v13 =	vor.u32 $0x80, v10  }
0x363: {  	v19 =	vor.u32 $0x80, v11;
	v8 =	vld.idx.msk [tilespmem:v8+s19+$0x0], $0xffff;
	[tilespmem:s29+$0xFFFFFE20] =	vst v7  }
0x364: {  	v9 =	vld.idx.msk [tilespmem:v12+s19+$0x0], $0xffff;
	v7 =	vor.u32 $0x180, v4;
	[tilespmem:s29+$0xFFFFFE30] =	vst v14  }
0x365: {  	v14 =	vor.u32 $0x80, v12;
	v17 =	vld.idx.msk [tilespmem:v17+s19+$0x0], $0xffff;
	[tilespmem:s29+$0xFFFFFE40] =	vst v16  }
0x366: {  	v16 =	vor.u32 $0x100, v0;
	v6 =	vld.idx.msk [tilespmem:v6+s19+$0x0], $0xffff;
	[tilespmem:s29+$0xFFFFFE50] =	vst v18  }
0x367: {  	v18 =	vor.u32 $0x100, v1;
	v13 =	vld.idx.msk [tilespmem:v13+s19+$0x0], $0xffff;
	[tilespmem:s29+$0xFFFFFF70] =	vst v5  }
0x368: {  	v5 =	vor.u32 $0x100, v2;
	[tilespmem:s29+$0xFFFFFE80] =	vst v8;
	v8 =	vld.idx.msk [tilespmem:v19+s19+$0x0], $0xffff  }
0x369: {  	[tilespmem:s29+$0xFFFFFE60] =	vst v9;
	v9 =	vor.u32 $0x100, v3;
	v7 =	vld.idx.msk [tilespmem:v7+s19+$0x0], $0xffff  }
0x36a: {  	[tilespmem:s29+$0xFFFFFE90] =	vst v15;
	v19 =	vor.u32 $0x100, v10;
	v14 =	vld.idx.msk [tilespmem:v14+s19+$0x0], $0xffff  }
0x36b: {  	[tilespmem:s29+$0xFFFFFEA0] =	vst v17;
	v17 =	vor.u32 $0x100, v11;
	v16 =	vld.idx.msk [tilespmem:v16+s19+$0x0], $0xffff  }
0x36c: {  	v15 =	vor.u32 $0x200, v4;
	v18 =	vld.idx.msk [tilespmem:v18+s19+$0x0], $0xffff;
	[tilespmem:s29+$0xFFFFFEB0] =	vst v6  }
0x36d: {  	v6 =	vor.u32 $0x100, v12;
	v5 =	vld.idx.msk [tilespmem:v5+s19+$0x0], $0xffff;
	[tilespmem:s29+$0xFFFFFEC0] =	vst v13  }
0x36e: {  	v13 =	vor.u32 $0x180, v0;
	v9 =	vld.idx.msk [tilespmem:v9+s19+$0x0], $0xffff;
	[tilespmem:s29+$0xFFFFFED0] =	vst v8  }
0x36f: {  	[tilespmem:s29+$0xFFFFFFF0] =	vst v7;
	v7 =	vor.u32 $0x180, v1;
	v19 =	vld.idx.msk [tilespmem:v19+s19+$0x0], $0xffff  }
0x370: {  	[tilespmem:s29+$0xFFFFFEE0] =	vst v14;
	v14 =	vld.idx.msk [tilespmem:v17+s19+$0x0], $0xffff;
	v17 =	vor.u32 $0x180, v3  }
0x371: {  	v8 =	vld.idx.msk [tilespmem:v15+s19+$0x0], $0xffff;
	v15 =	vor.u32 $0x180, v2;
	[tilespmem:s29+$0xFFFFFF00] =	vst v16  }
0x372: {  	v16 =	vor.u32 $0x280, v4;
	[tilespmem:s29+$0xFFFFFF10] =	vst v18;
	v6 =	vld.idx.msk [tilespmem:v6+s19+$0x0], $0xffff  }
0x373: {  	v18 =	vor.u32 $0x180, v10;
	v13 =	vld.idx.msk [tilespmem:v13+s19+$0x0], $0xffff;
	[tilespmem:s29+$0xFFFFFF20] =	vst v5  }
0x374: {  	v5 =	vor.u32 $0x180, v11;
	[tilespmem:s29+$0xFFFFFF30] =	vst v9;
	v7 =	vld.idx.msk [tilespmem:v7+s19+$0x0], $0xffff  }
0x375: {  	v9 =	vor.u32 $0x180, v12;
	[tilespmem:s29+$0xFFFFFF40] =	vst v19;
	v17 =	vld.idx.msk [tilespmem:v17+s19+$0x0], $0xffff  }
0x376: {  	v15 =	vld.idx.msk [tilespmem:v15+s19+$0x0], $0xffff;
	[tilespmem:s29+$0x70] =	vst v8;
	v8 =	vor.u32 $0x200, v0  }
0x377: {  	v19 =	vor.u32 $0x200, v1;
	[tilespmem:s29+$0xFFFFFF50] =	vst v14;
	v16 =	vld.idx.msk [tilespmem:v16+s19+$0x0], $0xffff  }
0x378: {  	v14 =	vld.idx.msk [tilespmem:v18+s19+$0x0], $0xffff;
	[tilespmem:s29+$0xFFFFFF60] =	vst v6;
	v6 =	vor.u32 $0x300, v4  }
0x379: {  	v18 =	vor.u32 $0x200, v2;
	[tilespmem:s29+$0xFFFFFF80] =	vst v13;
	v5 =	vld.idx.msk [tilespmem:v5+s19+$0x0], $0xffff  }
0x37a: {  	v13 =	vor.u32 $0x200, v3;
	[tilespmem:s29+$0xFFFFFF90] =	vst v7;
	v7 =	vld.idx.msk [tilespmem:v9+s19+$0x0], $0xffff  }
0x37b: {  	v9 =	vor.u32 $0x200, v10;
	v8 =	vld.idx.msk [tilespmem:v8+s19+$0x0], $0xffff;
	[tilespmem:s29+$0xFFFFFFA0] =	vst v15  }
0x37c: {  	v15 =	vor.u32 $0x200, v11;
	v19 =	vld.idx.msk [tilespmem:v19+s19+$0x0], $0xffff;
	[tilespmem:s29+$0xF0] =	vst v16  }
0x37d: {  	[tilespmem:s29+$0xFFFFFFB0] =	vst v17;
	v16 =	vor.u32 $0x200, v12;
	v6 =	vld.idx.msk [tilespmem:v6+s19+$0x0], $0xffff  }
0x37e: {  	v17 =	vor.u32 $0x280, v0;
	v18 =	vld.idx.msk [tilespmem:v18+s19+$0x0], $0xffff;
	[tilespmem:s29+$0xFFFFFFC0] =	vst v14  }
0x37f: {  	v4 =	vor.u32 $0x380, v4;
	v13 =	vld.idx.msk [tilespmem:v13+s19+$0x0], $0xffff;
	[tilespmem:s29+$0xFFFFFFD0] =	vst v5  }
0x380: {  	v5 =	vor.u32 $0x280, v1;
	v9 =	vld.idx.msk [tilespmem:v9+s19+$0x0], $0xffff;
	[tilespmem:s29+$0xFFFFFFE0] =	vst v7  }
0x381: {  	v7 =	vor.u32 $0x280, v2;
	[tilespmem:s29+$0x0] =	vst v8;
	v8 =	vld.idx.msk [tilespmem:v15+s19+$0x0], $0xffff  }
0x382: {  	v14 =	vor.u32 $0x280, v3;
	[tilespmem:s29+$0x10] =	vst v19;
	v15 =	vld.idx.msk [tilespmem:v16+s19+$0x0], $0xffff  }
0x383: {  	v16 =	vor.u32 $0x280, v10;
	v17 =	vld.idx.msk [tilespmem:v17+s19+$0x0], $0xffff;
	[tilespmem:s29+$0x170] =	vst v6  }
0x384: {  	v6 =	vor.u32 $0x280, v11;
	[tilespmem:s29+$0x20] =	vst v18;
	v4 =	vld.idx.msk [tilespmem:v4+s19+$0x0], $0xffff  }
0x385: {  	v18 =	vor.u32 $0x280, v12;
	v5 =	vld.idx.msk [tilespmem:v5+s19+$0x0], $0xffff;
	[tilespmem:s29+$0x30] =	vst v13  }
0x386: {  	v13 =	vor.u32 $0x300, v0;
	v7 =	vld.idx.msk [tilespmem:v7+s19+$0x0], $0xffff;
	[tilespmem:s29+$0x40] =	vst v9  }
0x387: {  	v9 =	vor.u32 $0x300, v1;
	v19 =	vld.idx.msk [tilespmem:v14+s19+$0x0], $0xffff;
	[tilespmem:s29+$0x50] =	vst v8  }
0x388: {  	v20 =	vor.u32 $0x300, v2;
	v21 =	vld.idx.msk [tilespmem:v16+s19+$0x0], $0xffff;
	[tilespmem:s29+$0x60] =	vst v15  }
0x389: {  	v22 =	vor.u32 $0x300, v3;
	[tilespmem:s29+$0x80] =	vst v17;
	v17 =	vld.idx.msk [tilespmem:v6+s19+$0x0], $0xffff  }
0x38a: {  	v23 =	vor.u32 $0x300, v10;
	v15 =	vld.idx.msk [tilespmem:v18+s19+$0x0], $0xffff;
	[tilespmem:s29+$0x1F0] =	vst v4  }
0x38b: {  	v14 =	vld.idx.msk [tilespmem:v13+s19+$0x0], $0xffff;
	[tilespmem:s29+$0x90] =	vst v5  }
0x38c: {  	v13 =	vld.idx.msk [tilespmem:v9+s19+$0x0], $0xffff;
	[tilespmem:s29+$0xA0] =	vst v7  }
0x38d: {  	v8 =	vor.u32 $0x300, v11;
	v6 =	vor.u32 $0x380, v1;
	v1 =	vor.u32 $0x380, v11;
	[tilespmem:s29+$0xB0] =	vst v19;
	v16 =	vld.idx.msk [tilespmem:v20+s19+$0x0], $0xffff  }
0x38e: {  	v5 =	vor.u32 $0x380, v2;
	v4 =	vor.u32 $0x380, v3;
	v2 =	vor.u32 $0x380, v10;
	v3 =	vld.idx.msk [tilespmem:v22+s19+$0x0], $0xffff;
	[tilespmem:s29+$0xC0] =	vst v21  }
0x38f: {  	s1 =	simm.s32 $0x0;
	s3 =	simm.s32 $0xC0;
	s0 =	simm.s32 $0xCA00;
	v7 =	vor.u32 $0x380, v0;
	v9 =	vor.u32 $0x300, v12;
	v0 =	vor.u32 $0x380, v12;
	v10 =	vld.idx.msk [tilespmem:v23+s19+$0x0], $0xffff;
	[tilespmem:s29+$0xD0] =	vst v17  }
.LBB2_14:
0x390: {  	v11 =	vld [tilespmem:s3+$0x30];
	s1 =	sadd.s32 $0x8, s1;
	[tilespmem:s29+$0xE0] =	vst v15  }
0x391: {  	v12 =	vld [tilespmem:s3+$0xFFFFFFD0];
	p0 =	slt.u32 s1, $0x78;
	[tilespmem:s29+$0x100] =	vst v14  }
0x392: {  	v14 =	vld [tilespmem:s3+$0xFFFFFFE0];
	[tilespmem:s29+$0x110] =	vst v13  }
0x393: {  	v13 =	vld [tilespmem:s3+$0xFFFFFFF0];
	[tilespmem:s29+$0x120] =	vst v16  }
0x394: {  	v15 =	vld [tilespmem:s3+$0x0];
	[tilespmem:s29+$0x130] =	vst v3  }
0x395: {  	v16 =	vld [tilespmem:s3+$0x10];
	v3 =	vshll.u32 v11, $0x3;
	[tilespmem:s29+$0x140] =	vst v10  }
0x396: {  	v11 =	vand.u32 $0x7F, v11;
	v10 =	vshll.u32 v12, $0x3;
	v17 =	vld [tilespmem:s3+$0x20];
	v3 =	vand.u32 $0xFFFFFC00, v3  }
0x397: {  	v18 =	vld [tilespmem:s3+$0xFFFFFFC0];
	v10 =	vand.u32 $0xFFFFFC00, v10;
	v19 =	vshll.u32 v14, $0x3;
	v3 =	vor.u32 v11, v3  }
0x398: {  	v11 =	vand.u32 $0x7F, v12;
	v12 =	vand.u32 $0xFFFFFC00, v19;
	v19 =	vshll.u32 v13, $0x3;
	v8 =	vld.idx.msk [tilespmem:v8+s19+$0x0], $0xffff  }
0x399: {  	v14 =	vand.u32 $0x7F, v14;
	v19 =	vand.u32 $0xFFFFFC00, v19;
	v20 =	vshll.u32 v15, $0x3;
	v9 =	vld.idx.msk [tilespmem:v9+s19+$0x0], $0xffff  }
0x39a: {  	v13 =	vand.u32 $0x7F, v13;
	v20 =	vand.u32 $0xFFFFFC00, v20;
	v21 =	vshll.u32 v16, $0x3;
	v7 =	vld.idx.msk [tilespmem:v7+s19+$0x0], $0xffff  }
0x39b: {  	v15 =	vand.u32 $0x7F, v15;
	v21 =	vand.u32 $0xFFFFFC00, v21;
	v22 =	vshll.u32 v17, $0x3;
	v6 =	vld.idx.msk [tilespmem:v6+s19+$0x0], $0xffff  }
0x39c: {  	v23 =	vand.u32 $0x7F, v18;
	v18 =	vshll.u32 v18, $0x3;
	v22 =	vand.u32 $0xFFFFFC00, v22;
	v24 =	vld.idx.msk [tilespmem:v3+s19+$0x0], $0xffff  }
0x39d: {  	v16 =	vand.u32 $0x7F, v16;
	v17 =	vand.u32 $0x7F, v17;
	v18 =	vand.u32 $0xFFFFFC00, v18;
	v5 =	vld.idx.msk [tilespmem:v5+s19+$0x0], $0xffff  }
0x39e: {  	v25 =	vor.u32 v11, v10;
	v10 =	vor.u32 $0x80, v3;
	v23 =	vor.u32 v23, v18;
	v4 =	vld.idx.msk [tilespmem:v4+s19+$0x0], $0xffff;
	[tilespmem:s29+$0x150] =	vst v8  }
0x39f: {  	v26 =	vor.u32 v14, v12;
	v27 =	vor.u32 v13, v19;
	v28 =	vor.u32 v15, v20;
	[tilespmem:s29+$0x160] =	vst v9  }
0x3a0: {  	v21 =	vor.u32 v16, v21;
	v22 =	vor.u32 v17, v22;
	v8 =	vor.u32 $0x80, v23;
	[tilespmem:s29+$0x180] =	vst v7;
	v2 =	vld.idx.msk [tilespmem:v2+s19+$0x0], $0xffff  }
0x3a1: {  	v29 =	vor.u32 $0x80, v27;
	v9 =	vor.u32 $0x80, v26;
	v7 =	vor.u32 $0x80, v25;
	s29 =	sadd.s32 $0x400, s29;
	[tilespmem:s0+$0x190] =	vst v6;
	v1 =	vld.idx.msk [tilespmem:v1+s19+$0x0], $0xffff  }
0x3a2: {  	v30 =	vor.u32 $0x80, v28;
	v31 =	vor.u32 $0x80, v21;
	v32 =	vor.u32 $0x80, v22;
	[tilespmem:s29+$0xFFFFFE70] =	vst v24;
	v0 =	vld.idx.msk [tilespmem:v0+s19+$0x0], $0xffff  }
0x3a3: {  	v33 =	vor.u32 $0x100, v25;
	v34 =	vor.u32 $0x100, v26;
	v24 =	vor.u32 $0x100, v23;
	v6 =	vld.idx.msk [tilespmem:v10+s19+$0x0], $0xffff;
	[tilespmem:s0+$0x1A0] =	vst v5  }
0x3a4: {  	v35 =	vor.u32 $0x100, v27;
	v36 =	vor.u32 $0x100, v28;
	v37 =	vor.u32 $0x100, v21;
	v5 =	vld.idx.msk [tilespmem:v23+s19+$0x0], $0xffff;
	[tilespmem:s0+$0x1B0] =	vst v4  }
0x3a5: {  	v39 =	vor.u32 $0x100, v22;
	v38 =	vor.u32 $0x180, v23;
	v10 =	vor.u32 $0x100, v3;
	v4 =	vld.idx.msk [tilespmem:v25+s19+$0x0], $0xffff  }
0x3a6: {  	v40 =	vor.u32 $0x180, v25;
	v41 =	vor.u32 $0x180, v26;
	v42 =	vor.u32 $0x180, v27;
	v11 =	vld.idx.msk [tilespmem:v26+s19+$0x0], $0xffff;
	[tilespmem:s0+$0x1C0] =	vst v2  }
0x3a7: {  	v43 =	vor.u32 $0x180, v28;
	v44 =	vor.u32 $0x180, v21;
	v45 =	vor.u32 $0x180, v22;
	v2 =	vld.idx.msk [tilespmem:v27+s19+$0x0], $0xffff;
	[tilespmem:s0+$0x1D0] =	vst v1  }
0x3a8: {  	v47 =	vor.u32 $0x200, v25;
	v48 =	vor.u32 $0x200, v26;
	v46 =	vor.u32 $0x200, v23;
	v1 =	vld.idx.msk [tilespmem:v28+s19+$0x0], $0xffff;
	[tilespmem:s0+$0x1E0] =	vst v0;
	s0 =	smov.u32 s29  }
0x3a9: {  	v49 =	vor.u32 $0x200, v27;
	v50 =	vor.u32 $0x200, v28;
	v51 =	vor.u32 $0x200, v21;
	v0 =	vld.idx.msk [tilespmem:v21+s19+$0x0], $0xffff;
	[tilespmem:s29+$0xFFFFFEF0] =	vst v6  }
0x3aa: {  	v18 =	vor.u32 $0x280, v25;
	v53 =	vor.u32 $0x200, v22;
	v52 =	vor.u32 $0x280, v23;
	[tilespmem:s29+$0xFFFFFE00] =	vst v5;
	v54 =	vld.idx.msk [tilespmem:v10+s19+$0x0], $0xffff  }
0x3ab: {  	v20 =	vor.u32 $0x280, v26;
	v19 =	vor.u32 $0x280, v27;
	v15 =	vor.u32 $0x280, v28;
	[tilespmem:s29+$0xFFFFFE10] =	vst v4;
	v55 =	vld.idx.msk [tilespmem:v22+s19+$0x0], $0xffff  }
0x3ac: {  	v57 =	vor.u32 $0x180, v3;
	v17 =	vor.u32 $0x280, v21;
	v16 =	vor.u32 $0x280, v22;
	v56 =	vld.idx.msk [tilespmem:v8+s19+$0x0], $0xffff;
	[tilespmem:s29+$0xFFFFFE20] =	vst v11  }
0x3ad: {  	v13 =	vor.u32 $0x300, v25;
	v14 =	vor.u32 $0x300, v23;
	v10 =	vor.u32 $0x300, v26;
	v58 =	vld.idx.msk [tilespmem:v7+s19+$0x0], $0xffff;
	[tilespmem:s29+$0xFFFFFE30] =	vst v2  }
0x3ae: {  	v12 =	vor.u32 $0x300, v27;
	v11 =	vor.u32 $0x300, v28;
	v8 =	vor.u32 $0x300, v21;
	v59 =	vld.idx.msk [tilespmem:v9+s19+$0x0], $0xffff;
	[tilespmem:s29+$0xFFFFFE40] =	vst v1  }
0x3af: {  	v6 =	vor.u32 $0x380, v25;
	v7 =	vor.u32 $0x380, v23;
	v9 =	vor.u32 $0x300, v22;
	v23 =	vld.idx.msk [tilespmem:v29+s19+$0x0], $0xffff;
	[tilespmem:s29+$0xFFFFFE50] =	vst v0  }
0x3b0: {  	v5 =	vor.u32 $0x380, v26;
	v4 =	vor.u32 $0x380, v27;
	v2 =	vor.u32 $0x380, v28;
	v25 =	vld.idx.msk [tilespmem:v30+s19+$0x0], $0xffff;
	[tilespmem:s29+$0xFFFFFF70] =	vst v54  }
0x3b1: {  	v1 =	vor.u32 $0x380, v21;
	v0 =	vor.u32 $0x380, v22;
	[tilespmem:s29+$0xFFFFFE60] =	vst v55;
	v21 =	vld.idx.msk [tilespmem:v57+s19+$0x0], $0xffff  }
0x3b2: {  	[tilespmem:s29+$0xFFFFFE80] =	vst v56;
	v22 =	vld.idx.msk [tilespmem:v31+s19+$0x0], $0xffff  }
0x3b3: {  	v27 =	vor.u32 $0x200, v3;
	[tilespmem:s29+$0xFFFFFE90] =	vst v58;
	v26 =	vld.idx.msk [tilespmem:v32+s19+$0x0], $0xffff  }
0x3b4: {  	v24 =	vld.idx.msk [tilespmem:v24+s19+$0x0], $0xffff;
	[tilespmem:s29+$0xFFFFFEA0] =	vst v59  }
0x3b5: {  	v28 =	vld.idx.msk [tilespmem:v33+s19+$0x0], $0xffff;
	[tilespmem:s29+$0xFFFFFEB0] =	vst v23  }
0x3b6: {  	v23 =	vld.idx.msk [tilespmem:v34+s19+$0x0], $0xffff;
	[tilespmem:s29+$0xFFFFFEC0] =	vst v25  }
0x3b7: {  	v25 =	vld.idx.msk [tilespmem:v35+s19+$0x0], $0xffff;
	[tilespmem:s29+$0xFFFFFFF0] =	vst v21  }
0x3b8: {  	[tilespmem:s29+$0xFFFFFED0] =	vst v22;
	v21 =	vld.idx.msk [tilespmem:v27+s19+$0x0], $0xffff  }
0x3b9: {  	v22 =	vld.idx.msk [tilespmem:v36+s19+$0x0], $0xffff;
	[tilespmem:s29+$0xFFFFFEE0] =	vst v26  }
0x3ba: {  	v26 =	vor.u32 $0x280, v3;
	[tilespmem:s29+$0xFFFFFF00] =	vst v24;
	v24 =	vld.idx.msk [tilespmem:v37+s19+$0x0], $0xffff  }
0x3bb: {  	[tilespmem:s29+$0xFFFFFF10] =	vst v28;
	v27 =	vld.idx.msk [tilespmem:v39+s19+$0x0], $0xffff  }
0x3bc: {  	v28 =	vld.idx.msk [tilespmem:v38+s19+$0x0], $0xffff;
	[tilespmem:s29+$0xFFFFFF20] =	vst v23  }
0x3bd: {  	v23 =	vld.idx.msk [tilespmem:v40+s19+$0x0], $0xffff;
	[tilespmem:s29+$0xFFFFFF30] =	vst v25  }
0x3be: {  	v25 =	vld.idx.msk [tilespmem:v41+s19+$0x0], $0xffff;
	[tilespmem:s29+$0x70] =	vst v21  }
0x3bf: {  	[tilespmem:s29+$0xFFFFFF40] =	vst v22;
	v21 =	vld.idx.msk [tilespmem:v26+s19+$0x0], $0xffff  }
0x3c0: {  	v22 =	vld.idx.msk [tilespmem:v42+s19+$0x0], $0xffff;
	[tilespmem:s29+$0xFFFFFF50] =	vst v24  }
0x3c1: {  	v26 =	vor.u32 $0x300, v3;
	v24 =	vld.idx.msk [tilespmem:v43+s19+$0x0], $0xffff;
	[tilespmem:s29+$0xFFFFFF60] =	vst v27  }
0x3c2: {  	[tilespmem:s29+$0xFFFFFF80] =	vst v28;
	v27 =	vld.idx.msk [tilespmem:v44+s19+$0x0], $0xffff  }
0x3c3: {  	[tilespmem:s29+$0xFFFFFF90] =	vst v23;
	v23 =	vld.idx.msk [tilespmem:v45+s19+$0x0], $0xffff  }
0x3c4: {  	v28 =	vld.idx.msk [tilespmem:v46+s19+$0x0], $0xffff;
	[tilespmem:s29+$0xFFFFFFA0] =	vst v25  }
0x3c5: {  	v25 =	vld.idx.msk [tilespmem:v47+s19+$0x0], $0xffff;
	[tilespmem:s29+$0xF0] =	vst v21  }
0x3c6: {  	[tilespmem:s29+$0xFFFFFFB0] =	vst v22;
	v21 =	vld.idx.msk [tilespmem:v26+s19+$0x0], $0xffff  }
0x3c7: {  	v22 =	vld.idx.msk [tilespmem:v48+s19+$0x0], $0xffff;
	[tilespmem:s29+$0xFFFFFFC0] =	vst v24  }
0x3c8: {  	v3 =	vor.u32 $0x380, v3;
	v24 =	vld.idx.msk [tilespmem:v49+s19+$0x0], $0xffff;
	[tilespmem:s29+$0xFFFFFFD0] =	vst v27  }
0x3c9: {  	v26 =	vld.idx.msk [tilespmem:v50+s19+$0x0], $0xffff;
	[tilespmem:s29+$0xFFFFFFE0] =	vst v23  }
0x3ca: {  	[tilespmem:s29+$0x0] =	vst v28;
	v23 =	vld.idx.msk [tilespmem:v51+s19+$0x0], $0xffff  }
0x3cb: {  	[tilespmem:s29+$0x10] =	vst v25;
	v25 =	vld.idx.msk [tilespmem:v53+s19+$0x0], $0xffff  }
0x3cc: {  	v27 =	vld.idx.msk [tilespmem:v52+s19+$0x0], $0xffff;
	[tilespmem:s29+$0x170] =	vst v21  }
0x3cd: {  	[tilespmem:s29+$0x20] =	vst v22;
	v3 =	vld.idx.msk [tilespmem:v3+s19+$0x0], $0xffff  }
0x3ce: {  	v18 =	vld.idx.msk [tilespmem:v18+s19+$0x0], $0xffff;
	[tilespmem:s29+$0x30] =	vst v24  }
0x3cf: {  	v20 =	vld.idx.msk [tilespmem:v20+s19+$0x0], $0xffff;
	[tilespmem:s29+$0x40] =	vst v26  }
0x3d0: {  	v19 =	vld.idx.msk [tilespmem:v19+s19+$0x0], $0xffff;
	[tilespmem:s29+$0x50] =	vst v23  }
0x3d1: {  	v21 =	vld.idx.msk [tilespmem:v15+s19+$0x0], $0xffff;
	[tilespmem:s29+$0x60] =	vst v25  }
0x3d2: {  	[tilespmem:s29+$0x80] =	vst v27;
	v17 =	vld.idx.msk [tilespmem:v17+s19+$0x0], $0xffff  }
0x3d3: {  	v15 =	vld.idx.msk [tilespmem:v16+s19+$0x0], $0xffff;
	[tilespmem:s29+$0x1F0] =	vst v3  }
.Ltmp6:
0x3d4: {  	v14 =	vld.idx.msk [tilespmem:v14+s19+$0x0], $0xffff;
	[tilespmem:s29+$0x90] =	vst v18;
	(pc) =	sbr.rel @p0 .LBB2_14-.Ltmp6, $4  }
0x3d5: {  	v13 =	vld.idx.msk [tilespmem:v13+s19+$0x0], $0xffff;
	[tilespmem:s29+$0xA0] =	vst v20  }
0x3d6: {  	v16 =	vld.idx.msk [tilespmem:v10+s19+$0x0], $0xffff;
	[tilespmem:s29+$0xB0] =	vst v19  }
0x3d7: {  	v3 =	vld.idx.msk [tilespmem:v12+s19+$0x0], $0xffff;
	[tilespmem:s29+$0xC0] =	vst v21  }
0x3d8: {  	s3 =	sadd.s32 $0x80, s3;
	v10 =	vld.idx.msk [tilespmem:v11+s19+$0x0], $0xffff;
	[tilespmem:s29+$0xD0] =	vst v17  }
0x3d9: {  	_ =	sdelay $0x2  }
0x3da: {  	[tilespmem:s29+$0xE0] =	vst v15  }
0x3db: {  	[tilespmem:s29+$0x100] =	vst v14;
	v8 =	vld.idx.msk [tilespmem:v8+s19+$0x0], $0xffff  }
0x3dc: {  	[tilespmem:s29+$0x110] =	vst v13;
	v9 =	vld.idx.msk [tilespmem:v9+s19+$0x0], $0xffff  }
0x3dd: {  	v7 =	vld.idx.msk [tilespmem:v7+s19+$0x0], $0xffff;
	[tilespmem:s29+$0x120] =	vst v16  }
0x3de: {  	v63 =	vld.idx.msk [tilespmem:v6+s19+$0x0], $0xffff;
	[tilespmem:s29+$0x130] =	vst v3  }
0x3df: {  	v5 =	vld.idx.msk [tilespmem:v5+s19+$0x0], $0xffff;
	[tilespmem:s29+$0x140] =	vst v10  }
0x3e0: {  	v4 =	vld.idx.msk [tilespmem:v4+s19+$0x0], $0xffff;
	[tilespmem:s29+$0x150] =	vst v8  }
0x3e1: {  	v2 =	vld.idx.msk [tilespmem:v2+s19+$0x0], $0xffff;
	[tilespmem:s29+$0x160] =	vst v9  }
0x3e2: {  	[tilespmem:s29+$0x180] =	vst v7;
	v1 =	vld.idx.msk [tilespmem:v1+s19+$0x0], $0xffff  }
0x3e3: {  	[tilespmem:s0+$0x190] =	vst v63;
	v0 =	vld.idx.msk [tilespmem:v0+s19+$0x0], $0xffff  }
0x3e4: {  	[tilespmem:s0+$0x1A0] =	vst v5  }
0x3e5: {  	[tilespmem:s0+$0x1B0] =	vst v4  }
0x3e6: {  	[tilespmem:s0+$0x1C0] =	vst v2  }
0x3e7: {  	[tilespmem:s0+$0x1D0] =	vst v1  }
0x3e8: {  	s28 =	sadd.s32 $0x1, s28;
	[tilespmem:s0+$0x1E0] =	vst v0  }
0x3e9: {  	[hbm4b:s16+s5] =	stream.linear.scatter [tilespmem:s24], [sflag:$0x4], $0x4000, $0x38;
	[tilespmem:$0x10800] =	vst v63  }
0x3ea: {  	p0 =	sne.s32 s28, s17;
	_ =	swait.ge [sflag:s25], $0x4000  }
.Ltmp7:
0x3eb: {  	[sflag:s25] =	ssyncset.done $0x0;
	(pc) =	sbr.rel @p0 .LBB2_1-.Ltmp7, $4  }
0x3ec: {  	[sflag:s25] =	ssyncadd.s32 $0xFFFFC000  }
0x3ed: {  	_ =	swait.ge [sflag:s26], $0x4000  }
0x3ee: {  	[sflag:s26] =	ssyncset.done $0x0  }
0x3ef: {  	[sflag:s26] =	ssyncadd.s32 $0xFFFFC000  }
0x3f0: {  	_ =	sfence.sel $0x180000  }
0x3f1: {  	[bflag:$0x0] =	sbarrier.arrive $0xFFFF  }
0x3f2: {  	_ =	strace $0x90000047  }
0x3f3: {  	s0 =	stileid.u32;
	[bflag:$0x2] =	sbarrier.arrive $0xFFFF  }
0x3f4: {  	p0 =	sne.s32 s0, $0x0;
	s0 =	rddreg [dreg:$0x3]  }
0x3f5: {  	s0 =	sadd.s32 @!p0 $0x100000, s0  }
0x3f6: {  	[sflag:s0] =	ssyncadd.tile.s32 @!p0 $0x1;
	_ =	shalt  }
.Lfunc_end2:
_tile_overlayer_lowered:
.L_overlay_start_2:
0x3f7: {  	(tag) =	ssettag $0x2  }
0x3f8: {  	s0 =	rddreg [dreg:$0x0];
	s2 =	stileid.u32  }
0x3f9: {  	s1 =	rddreg [dreg:$0x1];
	p0 =	sne.s32 s2, $0x0  }
0x3fa: {  	s3 =	rddreg [dreg:$0x2];
	[bflag:$0x3] =	sbarrier.arrive $0xFFFF;
	s2 =	simm.s32 @!p0 $0x1C05  }
0x3fb: {  	[timem:s3], [sflag:s2] =	dma.local @!p0 [hbm:s0], s1  }
0x3fc: {  	s0 =	simm.s32 @!p0 $0x5  }
0x3fd: {  	_ =	swait.ge @!p0 [sflag:s0], s1  }
0x3fe: {  	s1 =	ssub.s32 @!p0 $0x0, s1;
	[sflag:s0] =	ssyncset.done @!p0 $0x0  }
0x3ff: {  	[sflag:s0] =	ssyncadd.s32 @!p0 s1  }
0x400: {  	[bflag:$0x3] =	sbarrier.arrive $0xFFFF  }
0x401: {  	_ =	shalt  }

</sc_bundles>
